<compile_context>
chip_gen: v7x
topology: tpu7x:2x2x1
jax: 0.10.2.dev20260603
libtpu: 0.0.44.dev20260713+nightly
codegen_flags: <defaults>
</compile_context>

<pallas_src>
import functools

import jax
import jax.numpy as jnp
import numpy as np
from jax import lax
from jax.experimental import pallas as pl
from jax.experimental.pallas import tpu as pltpu
from jax.experimental.pallas import tpu_sc as plsc

N_HEADS = 16
HEAD_DIM = 128
ROPE_DIM = 64
TOPK = 256
EPS = 1e-6

ROWS = 2048
PREP_TILE = 256
SCORE_TILE = 64

CAP = 272
SLACK = CAP + 16
NW = 32
RPW = ROWS // NW


def _hada128():
    H = np.array([[1.0]], dtype=np.float32)
    while H.shape[0] < HEAD_DIM:
        H = np.block([[H, H], [H, -H]]).astype(np.float32)
    return H * (HEAD_DIM ** -0.5)


def _bf(v):
    return v.astype(jnp.bfloat16)



def _qprep_body(qr_ref, rs_ref, wqbT_ref, hb_ref, qh_ref):
    q = jnp.dot(_bf(qr_ref[...]), wqbT_ref[...], preferred_element_type=jnp.float32)
    rs = rs_ref[...]
    scale_head = jnp.concatenate([rs, jnp.ones_like(rs)], axis=-1)
    for h in range(N_HEADS):
        qs = q[:, h * HEAD_DIM:(h + 1) * HEAD_DIM] * scale_head
        qh_ref[:, h * HEAD_DIM:(h + 1) * HEAD_DIM] = jnp.dot(
            _bf(qs), hb_ref[...], preferred_element_type=jnp.float32)


def _score_body(qh_ref, khT_ref, w_ref, out_ref):
    w = w_ref[...]
    acc = None
    for h in range(N_HEADS):
        s = jnp.dot(qh_ref[h], khT_ref[...], preferred_element_type=jnp.float32)
        s = jnp.maximum(s * (HEAD_DIM ** -0.5), 0.0) * w[:, h:h + 1]
        acc = s if acc is None else acc + s
    out_ref[...] = acc



def _scan_level(hist_ref, ghist_ref, target):

    def gbody(i, car):
        s, g1, sg = car
        g = 15 - i
        c = jnp.sum(ghist_ref[pl.ds(g * 16, 16)])
        s2 = s + c
        hit = jnp.logical_and(s < target, s2 >= target)
        return (s2, jnp.where(hit, g, g1), jnp.where(hit, s, sg))

    _, g1, sg = lax.fori_loop(0, 16, gbody, (jnp.int32(0), jnp.int32(0), jnp.int32(0)))

    def bbody(i, car):
        s, b1, sb = car
        b = g1 * 16 + 15 - i
        c = jnp.sum(hist_ref[pl.ds(b * 16, 16)])
        s2 = s + c
        hit = jnp.logical_and(s < target, s2 >= target)
        return (s2, jnp.where(hit, b, b1), jnp.where(hit, s, sb))

    _, b1, sb = lax.fori_loop(0, 16, bbody, (sg, jnp.int32(0), jnp.int32(0)))
    return b1, sb


def _sel_body(scores_hbm, outk_hbm, outi_hbm,
              bufA, bufB, kb, h1, hg1, h2, hg2,
              skA, siA, skB, siB, semA, semB, semOA, semOB):
    cid = lax.axis_index("c")
    sid = lax.axis_index("s")
    wid = sid * 2 + cid
    r0 = wid * RPW
    lane = lax.broadcasted_iota(jnp.int32, (16,), 0)
    onesv = jnp.ones((16,), jnp.int32)
    zerov = jnp.zeros((16,), jnp.int32)
    KEYMIN = jnp.int32(-2147483647)

    def process_row(buf, sk, si, semO, r):
        def zh(i, _):
            for u in range(8):
                h1[pl.ds((i * 8 + u) * 16, 16)] = zerov
                h2[pl.ds((i * 8 + u) * 16, 16)] = zerov
            return 0
        lax.fori_loop(0, 32, zh, 0)
        for u in range(16):
            hg1[pl.ds(u * 16, 16)] = zerov
            hg2[pl.ds(u * 16, 16)] = zerov

        @pl.when(r - r0 >= 2)
        def _():
            pltpu.make_async_copy(sk.at[pl.ds(0, CAP)], outk_hbm.at[pl.ds(r * CAP, CAP)], semO).wait()
            pltpu.make_async_copy(si.at[pl.ds(0, CAP)], outi_hbm.at[pl.ds(r * CAP, CAP)], semO).wait()

        def zp(i, _):
            for u in range(3):
                sk[pl.ds((i * 3 + u) * 16, 16)] = jnp.full((16,), KEYMIN, jnp.int32)
                si[pl.ds((i * 3 + u) * 16, 16)] = zerov
            return 0
        lax.fori_loop(0, SLACK // 48, zp, 0)

        def p1(i, _):
            for u in range(2):
                o = (i * 2 + u) * 16
                v = buf[pl.ds(o, 16)]
                bi = lax.bitcast_convert_type(v, jnp.int32)
                key = bi ^ (lax.shift_right_arithmetic(bi, 31) & jnp.int32(0x7FFFFFFF))
                kb[pl.ds(o, 16)] = key
                cb = lax.shift_right_arithmetic(key, 24) + 128
                plsc.addupdate_scatter(h1, [cb * 16 + lane], onesv)
                plsc.addupdate_scatter(hg1, [lax.shift_right_logical(cb, 4) * 16 + lane], onesv)
            return 0
        lax.fori_loop(0, 64, p1, 0)

        b1, nab1 = _scan_level(h1, hg1, jnp.int32(TOPK))

        def p2(i, _):
            for u in range(2):
                o = (i * 2 + u) * 16
                key = kb[pl.ds(o, 16)]
                cb = lax.shift_right_arithmetic(key, 24) + 128
                m = cb == b1
                fb = lax.shift_right_arithmetic(key, 16) & jnp.int32(0xFF)
                plsc.addupdate_scatter(h2, [fb * 16 + lane], onesv, mask=m)
                plsc.addupdate_scatter(hg2, [lax.shift_right_logical(fb, 4) * 16 + lane], onesv, mask=m)
            return 0
        lax.fori_loop(0, 64, p2, 0)

        b2, _nab2 = _scan_level(h2, hg2, jnp.int32(TOPK) - nab1)
        thr = lax.shift_left(b1 - 128, 24) + lax.shift_left(b2, 16)

        def p3(i, wp):
            for u in range(2):
                o = (i * 2 + u) * 16
                key = kb[pl.ds(o, 16)]
                m = key >= thr
                pref = plsc.cumsum(jnp.where(m, 1, 0).astype(jnp.int32))
                pos = jnp.maximum(wp + pref - 1, 0)
                m2 = jnp.logical_and(m, pos < CAP)
                plsc.store_scatter(sk, [pos], key, mask=m2)
                plsc.store_scatter(si, [pos], o + lane, mask=m2)
                wp = jnp.minimum(wp + jnp.max(pref), jnp.int32(CAP))
            return wp
        lax.fori_loop(0, 64, p3, jnp.int32(0))

        pltpu.make_async_copy(sk.at[pl.ds(0, CAP)], outk_hbm.at[pl.ds(r * CAP, CAP)], semO).start()
        pltpu.make_async_copy(si.at[pl.ds(0, CAP)], outi_hbm.at[pl.ds(r * CAP, CAP)], semO).start()

    pltpu.make_async_copy(scores_hbm.at[pl.ds(r0 * ROWS, ROWS)], bufA, semA).start()

    def pair(rp, _):
        rA = r0 + 2 * rp
        rB = rA + 1
        pltpu.make_async_copy(scores_hbm.at[pl.ds(rB * ROWS, ROWS)], bufB, semB).start()
        pltpu.make_async_copy(scores_hbm.at[pl.ds(rA * ROWS, ROWS)], bufA, semA).wait()
        process_row(bufA, skA, siA, semOA, rA)

        @pl.when(rp < RPW // 2 - 1)
        def _():
            pltpu.make_async_copy(scores_hbm.at[pl.ds((rA + 2) * ROWS, ROWS)], bufA, semA).start()

        pltpu.make_async_copy(scores_hbm.at[pl.ds(rB * ROWS, ROWS)], bufB, semB).wait()
        process_row(bufB, skB, siB, semOB, rB)
        return 0

    lax.fori_loop(0, RPW // 2, pair, 0)

    rlast = r0 + RPW - 2
    pltpu.make_async_copy(skA.at[pl.ds(0, CAP)], outk_hbm.at[pl.ds(rlast * CAP, CAP)], semOA).wait()
    pltpu.make_async_copy(siA.at[pl.ds(0, CAP)], outi_hbm.at[pl.ds(rlast * CAP, CAP)], semOA).wait()
    pltpu.make_async_copy(skB.at[pl.ds(0, CAP)], outk_hbm.at[pl.ds((rlast + 1) * CAP, CAP)], semOB).wait()
    pltpu.make_async_copy(siB.at[pl.ds(0, CAP)], outi_hbm.at[pl.ds((rlast + 1) * CAP, CAP)], semOB).wait()


def _select_candidates(index_scores):
    mesh = plsc.VectorSubcoreMesh(core_axis_name="c", subcore_axis_name="s")
    f = pl.kernel(
        _sel_body,
        out_type=[
            jax.ShapeDtypeStruct((ROWS * CAP,), jnp.int32),
            jax.ShapeDtypeStruct((ROWS * CAP,), jnp.int32),
        ],
        mesh=mesh,
        scratch_types=[
            pltpu.VMEM((ROWS,), jnp.float32),
            pltpu.VMEM((ROWS,), jnp.float32),
            pltpu.VMEM((ROWS,), jnp.int32),
            pltpu.VMEM((4096,), jnp.int32),
            pltpu.VMEM((256,), jnp.int32),
            pltpu.VMEM((4096,), jnp.int32),
            pltpu.VMEM((256,), jnp.int32),
            pltpu.VMEM((SLACK,), jnp.int32),
            pltpu.VMEM((SLACK,), jnp.int32),
            pltpu.VMEM((SLACK,), jnp.int32),
            pltpu.VMEM((SLACK,), jnp.int32),
            pltpu.SemaphoreType.DMA,
            pltpu.SemaphoreType.DMA,
            pltpu.SemaphoreType.DMA,
            pltpu.SemaphoreType.DMA,
        ],
        compiler_params=pltpu.CompilerParams(needs_layout_passes=False),
    )
    return f(index_scores)



def _rank_body(kb_ref, tri_ref, rank_ref):
    k3 = kb_ref[...]
    a = k3[:, :, None]
    b = k3[:, None, :]
    gt = a > b
    tie = jnp.logical_and(a == b, tri_ref[...][None, :, :] > 0)
    rank_ref[...] = jnp.sum(jnp.logical_or(gt, tie).astype(jnp.int32), axis=1)



def _place_body(ranks_hbm, ci_hbm, out_hbm, rbuf, ibuf, stage, sem):
    cid = lax.axis_index("c")
    sid = lax.axis_index("s")
    wid = sid * 2 + cid
    r0 = wid * RPW
    BR = 8

    def batch(bb, _):
        r = r0 + bb * BR
        pltpu.sync_copy(ranks_hbm.at[pl.ds(r * CAP, BR * CAP)], rbuf)
        pltpu.sync_copy(ci_hbm.at[pl.ds(r * CAP, BR * CAP)], ibuf)

        def v(i, _):
            rank = rbuf[pl.ds(i * 16, 16)]
            idx = ibuf[pl.ds(i * 16, 16)]
            rowu = lax.div(i, jnp.int32(CAP // 16))
            m = rank < TOPK
            tgt = jnp.where(m, rank, 0) + rowu * TOPK
            plsc.store_scatter(stage, [tgt], idx, mask=m)
            return 0
        lax.fori_loop(0, BR * CAP // 16, v, 0)
        pltpu.sync_copy(stage, out_hbm.at[pl.ds(r * TOPK, BR * TOPK)])
        return 0

    lax.fori_loop(0, RPW // BR, batch, 0)


def _place(ranks, ci):
    mesh = plsc.VectorSubcoreMesh(core_axis_name="c", subcore_axis_name="s")
    f = pl.kernel(
        _place_body,
        out_type=jax.ShapeDtypeStruct((ROWS * TOPK,), jnp.int32),
        mesh=mesh,
        scratch_types=[
            pltpu.VMEM((8 * CAP,), jnp.int32),
            pltpu.VMEM((8 * CAP,), jnp.int32),
            pltpu.VMEM((8 * TOPK,), jnp.int32),
            pltpu.SemaphoreType.DMA,
        ],
        compiler_params=pltpu.CompilerParams(needs_layout_passes=False),
    )
    return f(ranks, ci)



def kernel(x, qr, freqs_cis, wq_b, wk, k_norm_w, k_norm_b, weights_proj):
    b, s, _ = x.shape
    qr2 = qr[0]
    rs = jnp.concatenate([freqs_cis, freqs_cis], axis=-1)
    Hb = _bf(jnp.asarray(_hada128()))
    wqbT = _bf(wq_b.T)

    kx = (x @ wk.T).astype(jnp.float32)
    mu = jnp.mean(kx, axis=-1, keepdims=True)
    var = jnp.mean((kx - mu) ** 2, axis=-1, keepdims=True)
    k = (kx - mu) / jnp.sqrt(var + EPS) * k_norm_w + k_norm_b
    k = k * jnp.concatenate([rs, jnp.ones_like(rs)], axis=-1)[None]
    kh = k[0] @ jnp.asarray(_hada128())
    weights = (x @ weights_proj.T)[0] * (N_HEADS ** -0.5)
    khT = _bf(kh.T)

    n_prep = ROWS // PREP_TILE
    qh = pl.pallas_call(
        _qprep_body,
        grid=(n_prep,),
        in_specs=[
            pl.BlockSpec((PREP_TILE, 512), lambda i: (i, 0)),
            pl.BlockSpec((PREP_TILE, ROPE_DIM), lambda i: (i, 0)),
            pl.BlockSpec((512, 2048), lambda i: (0, 0)),
            pl.BlockSpec((HEAD_DIM, HEAD_DIM), lambda i: (0, 0)),
        ],
        out_specs=pl.BlockSpec((PREP_TILE, 2048), lambda i: (i, 0)),
        out_shape=jax.ShapeDtypeStruct((ROWS, 2048), jnp.float32),
    )(qr2, rs, wqbT, Hb)

    qh_hm = _bf(qh.reshape(ROWS, N_HEADS, HEAD_DIM).transpose(1, 0, 2))

    n_sc = ROWS // SCORE_TILE
    index_scores = pl.pallas_call(
        _score_body,
        grid=(n_sc,),
        in_specs=[
            pl.BlockSpec((N_HEADS, SCORE_TILE, HEAD_DIM), lambda i: (0, i, 0)),
            pl.BlockSpec((HEAD_DIM, ROWS), lambda i: (0, 0)),
            pl.BlockSpec((SCORE_TILE, N_HEADS), lambda i: (i, 0)),
        ],
        out_specs=pl.BlockSpec((SCORE_TILE, ROWS), lambda i: (i, 0)),
        out_shape=jax.ShapeDtypeStruct((ROWS, ROWS), jnp.float32),
    )(qh_hm, khT, weights)

    cand_key_f, cand_idx_f = _select_candidates(index_scores.reshape(-1))
    cand_key = cand_key_f.reshape(ROWS, CAP)

    tri = jnp.triu(jnp.ones((CAP, CAP), jnp.int32), k=1)
    ranks = pl.pallas_call(
        _rank_body,
        grid=(ROWS // 8,),
        in_specs=[
            pl.BlockSpec((8, CAP), lambda i: (i, 0)),
            pl.BlockSpec((CAP, CAP), lambda i: (0, 0)),
        ],
        out_specs=pl.BlockSpec((8, CAP), lambda i: (i, 0)),
        out_shape=jax.ShapeDtypeStruct((ROWS, CAP), jnp.int32),
    )(cand_key, tri)

    out = _place(ranks.reshape(-1), cand_idx_f)
    return out.reshape(1, ROWS, TOPK)

# --- scband reference (transcript-rebuilt; emitter-appended) ---
"""Pipeline reference for scband-ref-indexer-2911987827138 (READ-ONLY COPY).

The authoritative reference and input builder live on the scoring server;
editing this copy changes nothing except your own understanding.
"""

import jax, jax.numpy as jnp
import numpy as np

N_HEADS = 16
HEAD_DIM = 128
ROPE_DIM = 64
TOPK = 256
DIM = 2048
Q_LORA = 512
EPS = 1e-6


def _hadamard(n):
    H = np.array([[1.0]], dtype=np.float32)
    while H.shape[0] < n:
        H = np.block([[H, H], [H, -H]]).astype(np.float32)
    return H * (n ** -0.5)


def _apply_rotary(x, freqs):
    # x: [b, s, h, d] with d even; freqs: real [s, d//2]; interleaved=False path.
    # torch: view(...,2,-1).transpose(-1,-2) -> complex pairs (first_half[i], second_half[i]);
    # multiply by freqs_cis; view_as_real.flatten(3); then de-interleave via cat(even, odd).
    b, s, h, d = x.shape
    x2 = x.reshape(b, s, h, 2, d // 2)
    x2 = jnp.swapaxes(x2, -1, -2)  # [b, s, h, d//2, 2]
    f = freqs.reshape(1, s, 1, d // 2)
    yr = x2[..., 0] * f
    yi = x2[..., 1] * f
    y = jnp.stack([yr, yi], axis=-1).reshape(b, s, h, d)  # interleaved flatten(3)
    y = jnp.concatenate([y[..., 0::2], y[..., 1::2]], axis=-1)
    return y


def _layer_norm(x, w, b):
    mu = jnp.mean(x, axis=-1, keepdims=True)
    var = jnp.mean((x - mu) ** 2, axis=-1, keepdims=True)
    return (x - mu) / jnp.sqrt(var + EPS) * w + b


def setup_inputs(seed: int = 0) -> dict:
    key = jax.random.key(seed)
    ks = jax.random.split(key, 8)
    b, s = 1, 2048
    x = jax.random.normal(ks[0], (b, s, DIM), jnp.float32)
    qr = jax.random.normal(ks[1], (b, s, Q_LORA), jnp.float32)
    freqs_cis = jax.random.uniform(ks[2], (s, ROPE_DIM // 2), jnp.float32)
    wq_b = jax.random.normal(ks[3], (N_HEADS * HEAD_DIM, Q_LORA), jnp.float32) * (Q_LORA ** -0.5)
    wk = jax.random.normal(ks[4], (HEAD_DIM, DIM), jnp.float32) * (DIM ** -0.5)
    k_norm_w = jnp.ones((HEAD_DIM,), jnp.float32)
    k_norm_b = jnp.zeros((HEAD_DIM,), jnp.float32)
    weights_proj = jax.random.normal(ks[5], (N_HEADS, DIM), jnp.float32) * (DIM ** -0.5)
    return {"x": x, "qr": qr, "freqs_cis": freqs_cis, "wq_b": wq_b, "wk": wk,
            "k_norm_w": k_norm_w, "k_norm_b": k_norm_b, "weights_proj": weights_proj}


def reference(x, qr, freqs_cis, wq_b, wk, k_norm_w, k_norm_b, weights_proj):
    b, s, _ = x.shape
    H = jnp.asarray(_hadamard(HEAD_DIM))
    q = (qr @ wq_b.T).reshape(b, s, N_HEADS, HEAD_DIM)
    q_pe = q[..., :ROPE_DIM]
    q_nope = q[..., ROPE_DIM:]
    q_pe = _apply_rotary(q_pe, freqs_cis)
    q = jnp.concatenate([q_pe, q_nope], axis=-1)
    k = _layer_norm((x @ wk.T).astype(jnp.float32), k_norm_w, k_norm_b)
    k_pe = k[..., :ROPE_DIM]
    k_nope = k[..., ROPE_DIM:]
    k_pe = _apply_rotary(k_pe[:, :, None, :], freqs_cis)[:, :, 0, :]
    k = jnp.concatenate([k_pe, k_nope], axis=-1)
    q = q @ H
    k = k @ H
    weights = (x @ weights_proj.T) * (N_HEADS ** -0.5)  # [b, s, n_heads]
    scores = jnp.einsum('bshd,btd->bsht', q, k) * (HEAD_DIM ** -0.5)
    scores = jax.nn.relu(scores)
    scores = scores * weights[:, :, :, None]
    index_scores = scores.sum(axis=2)  # [b, s, t]
    _, topk_indices = jax.lax.top_k(index_scores, min(TOPK, index_scores.shape[-1]))
    return topk_indices

if __name__ == "__main__":
    import jax
    _d = setup_inputs()
    print(jax.jit(kernel)(*tuple(_d.values())))

</pallas_src>

<mosaic_0001>
#map = affine_map<(d0, d1) -> (0)>
module attributes {stable_mosaic.version = 14 : i64} {
  func.func @_place_body(%arg0: i32, %arg1: i32, %arg2: memref<557056xi32, #tpu.memory_space<hbm>>, %arg3: memref<557056xi32, #tpu.memory_space<hbm>>, %arg4: memref<524288xi32, #tpu.memory_space<hbm>>, %arg5: memref<2176xi32, #tpu.memory_space<vmem>>, %arg6: memref<2176xi32, #tpu.memory_space<vmem>>, %arg7: memref<2048xi32, #tpu.memory_space<vmem>>, %arg8: memref<!tpu.dma_semaphore, #tpu.memory_space<semaphore_mem>>) attributes {dimension_semantics = [#tpu.dimension_semantics<core_parallel>, #tpu.dimension_semantics<subcore_parallel>], iteration_bounds = array<i64: 2, 16>, scalar_prefetch = 0 : i64, scratch_operands = 4 : i64, tpu.core_type = #tpu.core_type<sc_vector_subcore>, window_params = [{transform_indices = #map}, {transform_indices = #map}, {transform_indices = #map}]} {
    %mul3A = arith.constant 2 : i32
    %mul3A_0 = arith.muli %arg1, %mul3A : i32
    %add3A = arith.addi %mul3A_0, %arg0 : i32
    %mul3A_1 = arith.constant 64 : i32
    %mul3A_2 = arith.muli %add3A, %mul3A_1 : i32
    %scan3A = arith.constant 0 : i32
    %scan3A_3 = arith.constant 0 : i32
    %scan3A_4 = arith.constant 8 : i32
    %scan3A_5 = arith.addi %scan3A_3, %scan3A_4 : i32
    %scan3A_6 = arith.constant 1 : i32
    %scan3A_7 = scf.for %scan3A_9 = %scan3A_3 to %scan3A_5 step %scan3A_6 iter_args(%scan3A_10 = %scan3A) -> (i32)  : i32 {
      %mul3A_11 = arith.constant 8 : i32
      %mul3A_12 = arith.muli %scan3A_9, %mul3A_11 : i32
      %add3A_13 = arith.addi %mul3A_2, %mul3A_12 : i32
      %mul3A_14 = arith.constant 272 : i32
      %mul3A_15 = arith.muli %add3A_13, %mul3A_14 : i32
      "tpu.region"() ({
        %run_scoped3A = tpu.sem_alloc : memref<!tpu.dma_semaphore, #tpu.memory_space<semaphore_mem>>
        %dma_start3A = tpu.memref_slice %arg2[%mul3A_15] : memref<557056xi32, #tpu.memory_space<hbm>> -> memref<2176xi32, #tpu.memory_space<hbm>>
        %dma_start3A_28 = tpu.memref_slice %arg2[%mul3A_15] : memref<557056xi32, #tpu.memory_space<hbm>> -> memref<2176xi32, #tpu.memory_space<hbm>>
        tpu.enqueue_dma source(%dma_start3A_28 : memref<2176xi32, #tpu.memory_space<hbm>>) target(%arg5 : memref<2176xi32, #tpu.memory_space<vmem>>) target_semaphore(%run_scoped3A : memref<!tpu.dma_semaphore, #tpu.memory_space<semaphore_mem>>)
        %dma_wait3A = tpu.memref_slice %arg2[%mul3A_15] : memref<557056xi32, #tpu.memory_space<hbm>> -> memref<2176xi32, #tpu.memory_space<hbm>>
        %dma_wait3A_29 = tpu.memref_slice %arg2[%mul3A_15] : memref<557056xi32, #tpu.memory_space<hbm>> -> memref<2176xi32, #tpu.memory_space<hbm>>
        tpu.wait_dma2 semaphore(%run_scoped3A : memref<!tpu.dma_semaphore, #tpu.memory_space<semaphore_mem>>) src(%dma_wait3A_29 : memref<2176xi32, #tpu.memory_space<hbm>>) dst(%arg5 : memref<2176xi32, #tpu.memory_space<vmem>>)
        tpu.yield
      }) : () -> ()
      %mul3A_16 = arith.constant 272 : i32
      %mul3A_17 = arith.muli %add3A_13, %mul3A_16 : i32
      "tpu.region"() ({
        %run_scoped3A = tpu.sem_alloc : memref<!tpu.dma_semaphore, #tpu.memory_space<semaphore_mem>>
        %dma_start3A = tpu.memref_slice %arg3[%mul3A_17] : memref<557056xi32, #tpu.memory_space<hbm>> -> memref<2176xi32, #tpu.memory_space<hbm>>
        %dma_start3A_28 = tpu.memref_slice %arg3[%mul3A_17] : memref<557056xi32, #tpu.memory_space<hbm>> -> memref<2176xi32, #tpu.memory_space<hbm>>
        tpu.enqueue_dma source(%dma_start3A_28 : memref<2176xi32, #tpu.memory_space<hbm>>) target(%arg6 : memref<2176xi32, #tpu.memory_space<vmem>>) target_semaphore(%run_scoped3A : memref<!tpu.dma_semaphore, #tpu.memory_space<semaphore_mem>>)
        %dma_wait3A = tpu.memref_slice %arg3[%mul3A_17] : memref<557056xi32, #tpu.memory_space<hbm>> -> memref<2176xi32, #tpu.memory_space<hbm>>
        %dma_wait3A_29 = tpu.memref_slice %arg3[%mul3A_17] : memref<557056xi32, #tpu.memory_space<hbm>> -> memref<2176xi32, #tpu.memory_space<hbm>>
        tpu.wait_dma2 semaphore(%run_scoped3A : memref<!tpu.dma_semaphore, #tpu.memory_space<semaphore_mem>>) src(%dma_wait3A_29 : memref<2176xi32, #tpu.memory_space<hbm>>) dst(%arg6 : memref<2176xi32, #tpu.memory_space<vmem>>)
        tpu.yield
      }) : () -> ()
      %scan3A_18 = arith.constant 0 : i32
      %scan3A_19 = arith.constant 0 : i32
      %scan3A_20 = arith.constant 136 : i32
      %scan3A_21 = arith.addi %scan3A_19, %scan3A_20 : i32
      %scan3A_22 = arith.constant 1 : i32
      %scan3A_23 = scf.for %scan3A_28 = %scan3A_19 to %scan3A_21 step %scan3A_22 iter_args(%scan3A_29 = %scan3A_18) -> (i32)  : i32 {
        %mul3A_30 = arith.constant 16 : i32
        %mul3A_31 = arith.muli %scan3A_28, %mul3A_30 : i32
        %get3A = arith.index_cast %mul3A_31 : i32 to index
        %get3A_32 = tpu.vector_load %arg5[%get3A] {strides = array<i32>} : memref<2176xi32, #tpu.memory_space<vmem>>, vector<16xi32>,
        %mul3A_33 = arith.constant 16 : i32
        %mul3A_34 = arith.muli %scan3A_28, %mul3A_33 : i32
        %get3A_35 = arith.index_cast %mul3A_34 : i32 to index
        %get3A_36 = tpu.vector_load %arg6[%get3A_35] {strides = array<i32>} : memref<2176xi32, #tpu.memory_space<vmem>>, vector<16xi32>,
        %div3A = arith.constant 17 : i32
        %div3A_37 = arith.divsi %scan3A_28, %div3A : i32
        %lt3A = arith.constant 256 : i32
        %lt3A_38 = vector.broadcast %lt3A : i32 to vector<16xi32>
        %lt3A_39 = arith.cmpi slt, %get3A_32, %lt3A_38 : vector<16xi32>
        %jit3A = arith.constant 0 : i32
        %broadcast_in_dim3A = vector.broadcast %jit3A : i32 to vector<16xi32>
        %select_n3A = arith.select %lt3A_39, %get3A_32, %broadcast_in_dim3A : vector<16xi1>, vector<16xi32>
        %mul3A_40 = arith.constant 256 : i32
        %mul3A_41 = arith.muli %div3A_37, %mul3A_40 : i32
        %add3A_42 = vector.broadcast %mul3A_41 : i32 to vector<16xi32>
        %add3A_43 = arith.addi %select_n3A, %add3A_42 : vector<16xi32>
        tpu.vector_store_idx %arg7[%add3A_43], %get3A_36 masked %lt3A_39 : memref<2048xi32, #tpu.memory_space<vmem>>[vector<16xi32>], vector<16xi32>, vector<16xi1>
        %scan3A_44 = arith.constant 0 : i32
        scf.yield %scan3A_44 : i32
      }
      %scan3A_24 = arith.constant 136 : i32
      %mul3A_25 = arith.constant 256 : i32
      %mul3A_26 = arith.muli %add3A_13, %mul3A_25 : i32
      "tpu.region"() ({
        %run_scoped3A = tpu.sem_alloc : memref<!tpu.dma_semaphore, #tpu.memory_space<semaphore_mem>>
        %dma_start3A = tpu.memref_slice %arg4[%mul3A_26] : memref<524288xi32, #tpu.memory_space<hbm>> -> memref<2048xi32, #tpu.memory_space<hbm>>
        %dma_start3A_28 = tpu.memref_slice %arg4[%mul3A_26] : memref<524288xi32, #tpu.memory_space<hbm>> -> memref<2048xi32, #tpu.memory_space<hbm>>
        tpu.enqueue_dma source(%arg7 : memref<2048xi32, #tpu.memory_space<vmem>>) target(%dma_start3A_28 : memref<2048xi32, #tpu.memory_space<hbm>>) target_semaphore(%run_scoped3A : memref<!tpu.dma_semaphore, #tpu.memory_space<semaphore_mem>>)
        %dma_wait3A = tpu.memref_slice %arg4[%mul3A_26] : memref<524288xi32, #tpu.memory_space<hbm>> -> memref<2048xi32, #tpu.memory_space<hbm>>
        %dma_wait3A_29 = tpu.memref_slice %arg4[%mul3A_26] : memref<524288xi32, #tpu.memory_space<hbm>> -> memref<2048xi32, #tpu.memory_space<hbm>>
        tpu.wait_dma2 semaphore(%run_scoped3A : memref<!tpu.dma_semaphore, #tpu.memory_space<semaphore_mem>>) src(%arg7 : memref<2048xi32, #tpu.memory_space<vmem>>) dst(%dma_wait3A_29 : memref<2048xi32, #tpu.memory_space<hbm>>)
        tpu.yield
      }) : () -> ()
      %scan3A_27 = arith.constant 0 : i32
      scf.yield %scan3A_27 : i32
    }
    %scan3A_8 = arith.constant 8 : i32
    return
  }
}

#map = affine_map<(d0, d1) -> (0)>
module attributes {stable_mosaic.version = 14 : i64} {
  func.func @_sel_body(%arg0: i32, %arg1: i32, %arg2: memref<4194304xf32, #tpu.memory_space<hbm>>, %arg3: memref<557056xi32, #tpu.memory_space<hbm>>, %arg4: memref<557056xi32, #tpu.memory_space<hbm>>, %arg5: memref<2048xf32, #tpu.memory_space<vmem>>, %arg6: memref<2048xf32, #tpu.memory_space<vmem>>, %arg7: memref<2048xi32, #tpu.memory_space<vmem>>, %arg8: memref<4096xi32, #tpu.memory_space<vmem>>, %arg9: memref<256xi32, #tpu.memory_space<vmem>>, %arg10: memref<4096xi32, #tpu.memory_space<vmem>>, %arg11: memref<256xi32, #tpu.memory_space<vmem>>, %arg12: memref<288xi32, #tpu.memory_space<vmem>>, %arg13: memref<288xi32, #tpu.memory_space<vmem>>, %arg14: memref<288xi32, #tpu.memory_space<vmem>>, %arg15: memref<288xi32, #tpu.memory_space<vmem>>, %arg16: memref<!tpu.dma_semaphore, #tpu.memory_space<semaphore_mem>>, %arg17: memref<!tpu.dma_semaphore, #tpu.memory_space<semaphore_mem>>, %arg18: memref<!tpu.dma_semaphore, #tpu.memory_space<semaphore_mem>>, %arg19: memref<!tpu.dma_semaphore, #tpu.memory_space<semaphore_mem>>) attributes {dimension_semantics = [#tpu.dimension_semantics<core_parallel>, #tpu.dimension_semantics<subcore_parallel>], iteration_bounds = array<i64: 2, 16>, scalar_prefetch = 0 : i64, scratch_operands = 15 : i64, tpu.core_type = #tpu.core_type<sc_vector_subcore>, window_params = [{transform_indices = #map}, {transform_indices = #map}, {transform_indices = #map}]} {
    %mul3A = arith.constant 2 : i32
    %mul3A_0 = arith.muli %arg1, %mul3A : i32
    %add3A = arith.addi %mul3A_0, %arg0 : i32
    %mul3A_1 = arith.constant 64 : i32
    %mul3A_2 = arith.muli %add3A, %mul3A_1 : i32
    %iota3A = tpu.iota {dimensions = array<i32: 0>} : vector<16xi32>
    %broadcast_in_dim3A = arith.constant 1 : i32
    %broadcast_in_dim3A_3 = vector.broadcast %broadcast_in_dim3A : i32 to vector<16xi32>
    %broadcast_in_dim3A_4 = arith.constant 0 : i32
    %broadcast_in_dim3A_5 = vector.broadcast %broadcast_in_dim3A_4 : i32 to vector<16xi32>
    %mul3A_6 = arith.constant 2048 : i32
    %mul3A_7 = arith.muli %mul3A_2, %mul3A_6 : i32
    %dma_start3A = tpu.memref_slice %arg2[%mul3A_7] : memref<4194304xf32, #tpu.memory_space<hbm>> -> memref<2048xf32, #tpu.memory_space<hbm>>
    %dma_start3A_8 = tpu.memref_slice %arg2[%mul3A_7] : memref<4194304xf32, #tpu.memory_space<hbm>> -> memref<2048xf32, #tpu.memory_space<hbm>>
    tpu.enqueue_dma source(%dma_start3A_8 : memref<2048xf32, #tpu.memory_space<hbm>>) target(%arg5 : memref<2048xf32, #tpu.memory_space<vmem>>) target_semaphore(%arg16 : memref<!tpu.dma_semaphore, #tpu.memory_space<semaphore_mem>>)
    %scan3A = arith.constant -2147483647 : i32
    %scan3A_9 = arith.constant 0 : i32
    %scan3A_10 = arith.constant 0 : i32
    %scan3A_11 = arith.constant 32 : i32
    %scan3A_12 = arith.addi %scan3A_10, %scan3A_11 : i32
    %scan3A_13 = arith.constant 1 : i32
    %scan3A_14 = scf.for %scan3A_54 = %scan3A_10 to %scan3A_12 step %scan3A_13 iter_args(%scan3A_55 = %scan3A_9) -> (i32)  : i32 {
      %mul3A_56 = arith.constant 2 : i32
      %mul3A_57 = arith.muli %mul3A_56, %scan3A_54 : i32
      %add3A_58 = arith.addi %mul3A_2, %mul3A_57 : i32
      %add3A_59 = arith.constant 1 : i32
      %add3A_60 = arith.addi %add3A_58, %add3A_59 : i32
      %mul3A_61 = arith.constant 2048 : i32
      %mul3A_62 = arith.muli %add3A_60, %mul3A_61 : i32
      %dma_start3A_63 = tpu.memref_slice %arg2[%mul3A_62] : memref<4194304xf32, #tpu.memory_space<hbm>> -> memref<2048xf32, #tpu.memory_space<hbm>>
      %dma_start3A_64 = tpu.memref_slice %arg2[%mul3A_62] : memref<4194304xf32, #tpu.memory_space<hbm>> -> memref<2048xf32, #tpu.memory_space<hbm>>
      tpu.enqueue_dma source(%dma_start3A_64 : memref<2048xf32, #tpu.memory_space<hbm>>) target(%arg6 : memref<2048xf32, #tpu.memory_space<vmem>>) target_semaphore(%arg17 : memref<!tpu.dma_semaphore, #tpu.memory_space<semaphore_mem>>)
      %mul3A_65 = arith.constant 2048 : i32
      %mul3A_66 = arith.muli %add3A_58, %mul3A_65 : i32
      %dma_wait3A_67 = tpu.memref_slice %arg2[%mul3A_66] : memref<4194304xf32, #tpu.memory_space<hbm>> -> memref<2048xf32, #tpu.memory_space<hbm>>
      %dma_wait3A_68 = tpu.memref_slice %arg2[%mul3A_66] : memref<4194304xf32, #tpu.memory_space<hbm>> -> memref<2048xf32, #tpu.memory_space<hbm>>
      tpu.wait_dma2 semaphore(%arg16 : memref<!tpu.dma_semaphore, #tpu.memory_space<semaphore_mem>>) src(%dma_wait3A_68 : memref<2048xf32, #tpu.memory_space<hbm>>) dst(%arg5 : memref<2048xf32, #tpu.memory_space<vmem>>)
      %scan3A_69 = arith.constant 0 : i32
      %scan3A_70 = arith.constant 0 : i32
      %scan3A_71 = arith.constant 32 : i32
      %scan3A_72 = arith.addi %scan3A_70, %scan3A_71 : i32
      %scan3A_73 = arith.constant 1 : i32
      %scan3A_74 = scf.for %scan3A_405 = %scan3A_70 to %scan3A_72 step %scan3A_73 iter_args(%scan3A_406 = %scan3A_69) -> (i32)  : i32 {
        %mul3A_407 = arith.constant 8 : i32
        %mul3A_408 = arith.muli %scan3A_405, %mul3A_407 : i32
        %add3A_409 = arith.constant 0 : i32
        %add3A_410 = arith.addi %mul3A_408, %add3A_409 : i32
        %mul3A_411 = arith.constant 16 : i32
        %mul3A_412 = arith.muli %add3A_410, %mul3A_411 : i32
        %swap3A_413 = arith.index_cast %mul3A_412 : i32 to index
        %swap3A_414 = tpu.vector_load %arg8[%swap3A_413] {strides = array<i32>} : memref<4096xi32, #tpu.memory_space<vmem>>, vector<16xi32>,
        tpu.vector_store %arg8[%swap3A_413], %broadcast_in_dim3A_5 {strides = array<i32>} : memref<4096xi32, #tpu.memory_space<vmem>>, vector<16xi32>,
        %mul3A_415 = arith.constant 8 : i32
        %mul3A_416 = arith.muli %scan3A_405, %mul3A_415 : i32
        %add3A_417 = arith.constant 0 : i32
        %add3A_418 = arith.addi %mul3A_416, %add3A_417 : i32
        %mul3A_419 = arith.constant 16 : i32
        %mul3A_420 = arith.muli %add3A_418, %mul3A_419 : i32
        %swap3A_421 = arith.index_cast %mul3A_420 : i32 to index
        %swap3A_422 = tpu.vector_load %arg10[%swap3A_421] {strides = array<i32>} : memref<4096xi32, #tpu.memory_space<vmem>>, vector<16xi32>,
        tpu.vector_store %arg10[%swap3A_421], %broadcast_in_dim3A_5 {strides = array<i32>} : memref<4096xi32, #tpu.memory_space<vmem>>, vector<16xi32>,
        %mul3A_423 = arith.constant 8 : i32
        %mul3A_424 = arith.muli %scan3A_405, %mul3A_423 : i32
        %add3A_425 = arith.constant 1 : i32
        %add3A_426 = arith.addi %mul3A_424, %add3A_425 : i32
        %mul3A_427 = arith.constant 16 : i32
        %mul3A_428 = arith.muli %add3A_426, %mul3A_427 : i32
        %swap3A_429 = arith.index_cast %mul3A_428 : i32 to index
        %swap3A_430 = tpu.vector_load %arg8[%swap3A_429] {strides = array<i32>} : memref<4096xi32, #tpu.memory_space<vmem>>, vector<16xi32>,
        tpu.vector_store %arg8[%swap3A_429], %broadcast_in_dim3A_5 {strides = array<i32>} : memref<4096xi32, #tpu.memory_space<vmem>>, vector<16xi32>,
        %mul3A_431 = arith.constant 8 : i32
        %mul3A_432 = arith.muli %scan3A_405, %mul3A_431 : i32
        %add3A_433 = arith.constant 1 : i32
        %add3A_434 = arith.addi %mul3A_432, %add3A_433 : i32
        %mul3A_435 = arith.constant 16 : i32
        %mul3A_436 = arith.muli %add3A_434, %mul3A_435 : i32
        %swap3A_437 = arith.index_cast %mul3A_436 : i32 to index
        %swap3A_438 = tpu.vector_load %arg10[%swap3A_437] {strides = array<i32>} : memref<4096xi32, #tpu.memory_space<vmem>>, vector<16xi32>,
        tpu.vector_store %arg10[%swap3A_437], %broadcast_in_dim3A_5 {strides = array<i32>} : memref<4096xi32, #tpu.memory_space<vmem>>, vector<16xi32>,
        %mul3A_439 = arith.constant 8 : i32
        %mul3A_440 = arith.muli %scan3A_405, %mul3A_439 : i32
        %add3A_441 = arith.constant 2 : i32
        %add3A_442 = arith.addi %mul3A_440, %add3A_441 : i32
        %mul3A_443 = arith.constant 16 : i32
        %mul3A_444 = arith.muli %add3A_442, %mul3A_443 : i32
        %swap3A_445 = arith.index_cast %mul3A_444 : i32 to index
        %swap3A_446 = tpu.vector_load %arg8[%swap3A_445] {strides = array<i32>} : memref<4096xi32, #tpu.memory_space<vmem>>, vector<16xi32>,
        tpu.vector_store %arg8[%swap3A_445], %broadcast_in_dim3A_5 {strides = array<i32>} : memref<4096xi32, #tpu.memory_space<vmem>>, vector<16xi32>,
        %mul3A_447 = arith.constant 8 : i32
        %mul3A_448 = arith.muli %scan3A_405, %mul3A_447 : i32
        %add3A_449 = arith.constant 2 : i32
        %add3A_450 = arith.addi %mul3A_448, %add3A_449 : i32
        %mul3A_451 = arith.constant 16 : i32
        %mul3A_452 = arith.muli %add3A_450, %mul3A_451 : i32
        %swap3A_453 = arith.index_cast %mul3A_452 : i32 to index
        %swap3A_454 = tpu.vector_load %arg10[%swap3A_453] {strides = array<i32>} : memref<4096xi32, #tpu.memory_space<vmem>>, vector<16xi32>,
        tpu.vector_store %arg10[%swap3A_453], %broadcast_in_dim3A_5 {strides = array<i32>} : memref<4096xi32, #tpu.memory_space<vmem>>, vector<16xi32>,
        %mul3A_455 = arith.constant 8 : i32
        %mul3A_456 = arith.muli %scan3A_405, %mul3A_455 : i32
        %add3A_457 = arith.constant 3 : i32
        %add3A_458 = arith.addi %mul3A_456, %add3A_457 : i32
        %mul3A_459 = arith.constant 16 : i32
        %mul3A_460 = arith.muli %add3A_458, %mul3A_459 : i32
        %swap3A_461 = arith.index_cast %mul3A_460 : i32 to index
        %swap3A_462 = tpu.vector_load %arg8[%swap3A_461] {strides = array<i32>} : memref<4096xi32, #tpu.memory_space<vmem>>, vector<16xi32>,
        tpu.vector_store %arg8[%swap3A_461], %broadcast_in_dim3A_5 {strides = array<i32>} : memref<4096xi32, #tpu.memory_space<vmem>>, vector<16xi32>,
        %mul3A_463 = arith.constant 8 : i32
        %mul3A_464 = arith.muli %scan3A_405, %mul3A_463 : i32
        %add3A_465 = arith.constant 3 : i32
        %add3A_466 = arith.addi %mul3A_464, %add3A_465 : i32
        %mul3A_467 = arith.constant 16 : i32
        %mul3A_468 = arith.muli %add3A_466, %mul3A_467 : i32
        %swap3A_469 = arith.index_cast %mul3A_468 : i32 to index
        %swap3A_470 = tpu.vector_load %arg10[%swap3A_469] {strides = array<i32>} : memref<4096xi32, #tpu.memory_space<vmem>>, vector<16xi32>,
        tpu.vector_store %arg10[%swap3A_469], %broadcast_in_dim3A_5 {strides = array<i32>} : memref<4096xi32, #tpu.memory_space<vmem>>, vector<16xi32>,
        %mul3A_471 = arith.constant 8 : i32
        %mul3A_472 = arith.muli %scan3A_405, %mul3A_471 : i32
        %add3A_473 = arith.constant 4 : i32
        %add3A_474 = arith.addi %mul3A_472, %add3A_473 : i32
        %mul3A_475 = arith.constant 16 : i32
        %mul3A_476 = arith.muli %add3A_474, %mul3A_475 : i32
        %swap3A_477 = arith.index_cast %mul3A_476 : i32 to index
        %swap3A_478 = tpu.vector_load %arg8[%swap3A_477] {strides = array<i32>} : memref<4096xi32, #tpu.memory_space<vmem>>, vector<16xi32>,
        tpu.vector_store %arg8[%swap3A_477], %broadcast_in_dim3A_5 {strides = array<i32>} : memref<4096xi32, #tpu.memory_space<vmem>>, vector<16xi32>,
        %mul3A_479 = arith.constant 8 : i32
        %mul3A_480 = arith.muli %scan3A_405, %mul3A_479 : i32
        %add3A_481 = arith.constant 4 : i32
        %add3A_482 = arith.addi %mul3A_480, %add3A_481 : i32
        %mul3A_483 = arith.constant 16 : i32
        %mul3A_484 = arith.muli %add3A_482, %mul3A_483 : i32
        %swap3A_485 = arith.index_cast %mul3A_484 : i32 to index
        %swap3A_486 = tpu.vector_load %arg10[%swap3A_485] {strides = array<i32>} : memref<4096xi32, #tpu.memory_space<vmem>>, vector<16xi32>,
        tpu.vector_store %arg10[%swap3A_485], %broadcast_in_dim3A_5 {strides = array<i32>} : memref<4096xi32, #tpu.memory_space<vmem>>, vector<16xi32>,
        %mul3A_487 = arith.constant 8 : i32
        %mul3A_488 = arith.muli %scan3A_405, %mul3A_487 : i32
        %add3A_489 = arith.constant 5 : i32
        %add3A_490 = arith.addi %mul3A_488, %add3A_489 : i32
        %mul3A_491 = arith.constant 16 : i32
        %mul3A_492 = arith.muli %add3A_490, %mul3A_491 : i32
        %swap3A_493 = arith.index_cast %mul3A_492 : i32 to index
        %swap3A_494 = tpu.vector_load %arg8[%swap3A_493] {strides = array<i32>} : memref<4096xi32, #tpu.memory_space<vmem>>, vector<16xi32>,
        tpu.vector_store %arg8[%swap3A_493], %broadcast_in_dim3A_5 {strides = array<i32>} : memref<4096xi32, #tpu.memory_space<vmem>>, vector<16xi32>,
        %mul3A_495 = arith.constant 8 : i32
        %mul3A_496 = arith.muli %scan3A_405, %mul3A_495 : i32
        %add3A_497 = arith.constant 5 : i32
        %add3A_498 = arith.addi %mul3A_496, %add3A_497 : i32
        %mul3A_499 = arith.constant 16 : i32
        %mul3A_500 = arith.muli %add3A_498, %mul3A_499 : i32
        %swap3A_501 = arith.index_cast %mul3A_500 : i32 to index
        %swap3A_502 = tpu.vector_load %arg10[%swap3A_501] {strides = array<i32>} : memref<4096xi32, #tpu.memory_space<vmem>>, vector<16xi32>,
        tpu.vector_store %arg10[%swap3A_501], %broadcast_in_dim3A_5 {strides = array<i32>} : memref<4096xi32, #tpu.memory_space<vmem>>, vector<16xi32>,
        %mul3A_503 = arith.constant 8 : i32
        %mul3A_504 = arith.muli %scan3A_405, %mul3A_503 : i32
        %add3A_505 = arith.constant 6 : i32
        %add3A_506 = arith.addi %mul3A_504, %add3A_505 : i32
        %mul3A_507 = arith.constant 16 : i32
        %mul3A_508 = arith.muli %add3A_506, %mul3A_507 : i32
        %swap3A_509 = arith.index_cast %mul3A_508 : i32 to index
        %swap3A_510 = tpu.vector_load %arg8[%swap3A_509] {strides = array<i32>} : memref<4096xi32, #tpu.memory_space<vmem>>, vector<16xi32>,
        tpu.vector_store %arg8[%swap3A_509], %broadcast_in_dim3A_5 {strides = array<i32>} : memref<4096xi32, #tpu.memory_space<vmem>>, vector<16xi32>,
        %mul3A_511 = arith.constant 8 : i32
        %mul3A_512 = arith.muli %scan3A_405, %mul3A_511 : i32
        %add3A_513 = arith.constant 6 : i32
        %add3A_514 = arith.addi %mul3A_512, %add3A_513 : i32
        %mul3A_515 = arith.constant 16 : i32
        %mul3A_516 = arith.muli %add3A_514, %mul3A_515 : i32
        %swap3A_517 = arith.index_cast %mul3A_516 : i32 to index
        %swap3A_518 = tpu.vector_load %arg10[%swap3A_517] {strides = array<i32>} : memref<4096xi32, #tpu.memory_space<vmem>>, vector<16xi32>,
        tpu.vector_store %arg10[%swap3A_517], %broadcast_in_dim3A_5 {strides = array<i32>} : memref<4096xi32, #tpu.memory_space<vmem>>, vector<16xi32>,
        %mul3A_519 = arith.constant 8 : i32
        %mul3A_520 = arith.muli %scan3A_405, %mul3A_519 : i32
        %add3A_521 = arith.constant 7 : i32
        %add3A_522 = arith.addi %mul3A_520, %add3A_521 : i32
        %mul3A_523 = arith.constant 16 : i32
        %mul3A_524 = arith.muli %add3A_522, %mul3A_523 : i32
        %swap3A_525 = arith.index_cast %mul3A_524 : i32 to index
        %swap3A_526 = tpu.vector_load %arg8[%swap3A_525] {strides = array<i32>} : memref<4096xi32, #tpu.memory_space<vmem>>, vector<16xi32>,
        tpu.vector_store %arg8[%swap3A_525], %broadcast_in_dim3A_5 {strides = array<i32>} : memref<4096xi32, #tpu.memory_space<vmem>>, vector<16xi32>,
        %mul3A_527 = arith.constant 8 : i32
        %mul3A_528 = arith.muli %scan3A_405, %mul3A_527 : i32
        %add3A_529 = arith.constant 7 : i32
        %add3A_530 = arith.addi %mul3A_528, %add3A_529 : i32
        %mul3A_531 = arith.constant 16 : i32
        %mul3A_532 = arith.muli %add3A_530, %mul3A_531 : i32
        %swap3A_533 = arith.index_cast %mul3A_532 : i32 to index
        %swap3A_534 = tpu.vector_load %arg10[%swap3A_533] {strides = array<i32>} : memref<4096xi32, #tpu.memory_space<vmem>>, vector<16xi32>,
        tpu.vector_store %arg10[%swap3A_533], %broadcast_in_dim3A_5 {strides = array<i32>} : memref<4096xi32, #tpu.memory_space<vmem>>, vector<16xi32>,
        %scan3A_535 = arith.constant 0 : i32
        scf.yield %scan3A_535 : i32
      }
      %scan3A_75 = arith.constant 32 : i32
      %swap3A = arith.constant 0 : index
      %swap3A_76 = tpu.vector_load %arg9[%swap3A] {strides = array<i32>} : memref<256xi32, #tpu.memory_space<vmem>>, vector<16xi32>,
      tpu.vector_store %arg9[%swap3A], %broadcast_in_dim3A_5 {strides = array<i32>} : memref<256xi32, #tpu.memory_space<vmem>>, vector<16xi32>,
      %swap3A_77 = arith.constant 0 : index
      %swap3A_78 = tpu.vector_load %arg11[%swap3A_77] {strides = array<i32>} : memref<256xi32, #tpu.memory_space<vmem>>, vector<16xi32>,
      tpu.vector_store %arg11[%swap3A_77], %broadcast_in_dim3A_5 {strides = array<i32>} : memref<256xi32, #tpu.memory_space<vmem>>, vector<16xi32>,
      %swap3A_79 = arith.constant 16 : index
      %swap3A_80 = tpu.vector_load %arg9[%swap3A_79] {strides = array<i32>} : memref<256xi32, #tpu.memory_space<vmem>>, vector<16xi32>,
      tpu.vector_store %arg9[%swap3A_79], %broadcast_in_dim3A_5 {strides = array<i32>} : memref<256xi32, #tpu.memory_space<vmem>>, vector<16xi32>,
      %swap3A_81 = arith.constant 16 : index
      %swap3A_82 = tpu.vector_load %arg11[%swap3A_81] {strides = array<i32>} : memref<256xi32, #tpu.memory_space<vmem>>, vector<16xi32>,
      tpu.vector_store %arg11[%swap3A_81], %broadcast_in_dim3A_5 {strides = array<i32>} : memref<256xi32, #tpu.memory_space<vmem>>, vector<16xi32>,
      %swap3A_83 = arith.constant 32 : index
      %swap3A_84 = tpu.vector_load %arg9[%swap3A_83] {strides = array<i32>} : memref<256xi32, #tpu.memory_space<vmem>>, vector<16xi32>,
      tpu.vector_store %arg9[%swap3A_83], %broadcast_in_dim3A_5 {strides = array<i32>} : memref<256xi32, #tpu.memory_space<vmem>>, vector<16xi32>,
      %swap3A_85 = arith.constant 32 : index
      %swap3A_86 = tpu.vector_load %arg11[%swap3A_85] {strides = array<i32>} : memref<256xi32, #tpu.memory_space<vmem>>, vector<16xi32>,
      tpu.vector_store %arg11[%swap3A_85], %broadcast_in_dim3A_5 {strides = array<i32>} : memref<256xi32, #tpu.memory_space<vmem>>, vector<16xi32>,
      %swap3A_87 = arith.constant 48 : index
      %swap3A_88 = tpu.vector_load %arg9[%swap3A_87] {strides = array<i32>} : memref<256xi32, #tpu.memory_space<vmem>>, vector<16xi32>,
      tpu.vector_store %arg9[%swap3A_87], %broadcast_in_dim3A_5 {strides = array<i32>} : memref<256xi32, #tpu.memory_space<vmem>>, vector<16xi32>,
      %swap3A_89 = arith.constant 48 : index
      %swap3A_90 = tpu.vector_load %arg11[%swap3A_89] {strides = array<i32>} : memref<256xi32, #tpu.memory_space<vmem>>, vector<16xi32>,
      tpu.vector_store %arg11[%swap3A_89], %broadcast_in_dim3A_5 {strides = array<i32>} : memref<256xi32, #tpu.memory_space<vmem>>, vector<16xi32>,
      %swap3A_91 = arith.constant 64 : index
      %swap3A_92 = tpu.vector_load %arg9[%swap3A_91] {strides = array<i32>} : memref<256xi32, #tpu.memory_space<vmem>>, vector<16xi32>,
      tpu.vector_store %arg9[%swap3A_91], %broadcast_in_dim3A_5 {strides = array<i32>} : memref<256xi32, #tpu.memory_space<vmem>>, vector<16xi32>,
      %swap3A_93 = arith.constant 64 : index
      %swap3A_94 = tpu.vector_load %arg11[%swap3A_93] {strides = array<i32>} : memref<256xi32, #tpu.memory_space<vmem>>, vector<16xi32>,
      tpu.vector_store %arg11[%swap3A_93], %broadcast_in_dim3A_5 {strides = array<i32>} : memref<256xi32, #tpu.memory_space<vmem>>, vector<16xi32>,
      %swap3A_95 = arith.constant 80 : index
      %swap3A_96 = tpu.vector_load %arg9[%swap3A_95] {strides = array<i32>} : memref<256xi32, #tpu.memory_space<vmem>>, vector<16xi32>,
      tpu.vector_store %arg9[%swap3A_95], %broadcast_in_dim3A_5 {strides = array<i32>} : memref<256xi32, #tpu.memory_space<vmem>>, vector<16xi32>,
      %swap3A_97 = arith.constant 80 : index
      %swap3A_98 = tpu.vector_load %arg11[%swap3A_97] {strides = array<i32>} : memref<256xi32, #tpu.memory_space<vmem>>, vector<16xi32>,
      tpu.vector_store %arg11[%swap3A_97], %broadcast_in_dim3A_5 {strides = array<i32>} : memref<256xi32, #tpu.memory_space<vmem>>, vector<16xi32>,
      %swap3A_99 = arith.constant 96 : index
      %swap3A_100 = tpu.vector_load %arg9[%swap3A_99] {strides = array<i32>} : memref<256xi32, #tpu.memory_space<vmem>>, vector<16xi32>,
      tpu.vector_store %arg9[%swap3A_99], %broadcast_in_dim3A_5 {strides = array<i32>} : memref<256xi32, #tpu.memory_space<vmem>>, vector<16xi32>,
      %swap3A_101 = arith.constant 96 : index
      %swap3A_102 = tpu.vector_load %arg11[%swap3A_101] {strides = array<i32>} : memref<256xi32, #tpu.memory_space<vmem>>, vector<16xi32>,
      tpu.vector_store %arg11[%swap3A_101], %broadcast_in_dim3A_5 {strides = array<i32>} : memref<256xi32, #tpu.memory_space<vmem>>, vector<16xi32>,
      %swap3A_103 = arith.constant 112 : index
      %swap3A_104 = tpu.vector_load %arg9[%swap3A_103] {strides = array<i32>} : memref<256xi32, #tpu.memory_space<vmem>>, vector<16xi32>,
      tpu.vector_store %arg9[%swap3A_103], %broadcast_in_dim3A_5 {strides = array<i32>} : memref<256xi32, #tpu.memory_space<vmem>>, vector<16xi32>,
      %swap3A_105 = arith.constant 112 : index
      %swap3A_106 = tpu.vector_load %arg11[%swap3A_105] {strides = array<i32>} : memref<256xi32, #tpu.memory_space<vmem>>, vector<16xi32>,
      tpu.vector_store %arg11[%swap3A_105], %broadcast_in_dim3A_5 {strides = array<i32>} : memref<256xi32, #tpu.memory_space<vmem>>, vector<16xi32>,
      %swap3A_107 = arith.constant 128 : index
      %swap3A_108 = tpu.vector_load %arg9[%swap3A_107] {strides = array<i32>} : memref<256xi32, #tpu.memory_space<vmem>>, vector<16xi32>,
      tpu.vector_store %arg9[%swap3A_107], %broadcast_in_dim3A_5 {strides = array<i32>} : memref<256xi32, #tpu.memory_space<vmem>>, vector<16xi32>,
      %swap3A_109 = arith.constant 128 : index
      %swap3A_110 = tpu.vector_load %arg11[%swap3A_109] {strides = array<i32>} : memref<256xi32, #tpu.memory_space<vmem>>, vector<16xi32>,
      tpu.vector_store %arg11[%swap3A_109], %broadcast_in_dim3A_5 {strides = array<i32>} : memref<256xi32, #tpu.memory_space<vmem>>, vector<16xi32>,
      %swap3A_111 = arith.constant 144 : index
      %swap3A_112 = tpu.vector_load %arg9[%swap3A_111] {strides = array<i32>} : memref<256xi32, #tpu.memory_space<vmem>>, vector<16xi32>,
      tpu.vector_store %arg9[%swap3A_111], %broadcast_in_dim3A_5 {strides = array<i32>} : memref<256xi32, #tpu.memory_space<vmem>>, vector<16xi32>,
      %swap3A_113 = arith.constant 144 : index
      %swap3A_114 = tpu.vector_load %arg11[%swap3A_113] {strides = array<i32>} : memref<256xi32, #tpu.memory_space<vmem>>, vector<16xi32>,
      tpu.vector_store %arg11[%swap3A_113], %broadcast_in_dim3A_5 {strides = array<i32>} : memref<256xi32, #tpu.memory_space<vmem>>, vector<16xi32>,
      %swap3A_115 = arith.constant 160 : index
      %swap3A_116 = tpu.vector_load %arg9[%swap3A_115] {strides = array<i32>} : memref<256xi32, #tpu.memory_space<vmem>>, vector<16xi32>,
      tpu.vector_store %arg9[%swap3A_115], %broadcast_in_dim3A_5 {strides = array<i32>} : memref<256xi32, #tpu.memory_space<vmem>>, vector<16xi32>,
      %swap3A_117 = arith.constant 160 : index
      %swap3A_118 = tpu.vector_load %arg11[%swap3A_117] {strides = array<i32>} : memref<256xi32, #tpu.memory_space<vmem>>, vector<16xi32>,
      tpu.vector_store %arg11[%swap3A_117], %broadcast_in_dim3A_5 {strides = array<i32>} : memref<256xi32, #tpu.memory_space<vmem>>, vector<16xi32>,
      %swap3A_119 = arith.constant 176 : index
      %swap3A_120 = tpu.vector_load %arg9[%swap3A_119] {strides = array<i32>} : memref<256xi32, #tpu.memory_space<vmem>>, vector<16xi32>,
      tpu.vector_store %arg9[%swap3A_119], %broadcast_in_dim3A_5 {strides = array<i32>} : memref<256xi32, #tpu.memory_space<vmem>>, vector<16xi32>,
      %swap3A_121 = arith.constant 176 : index
      %swap3A_122 = tpu.vector_load %arg11[%swap3A_121] {strides = array<i32>} : memref<256xi32, #tpu.memory_space<vmem>>, vector<16xi32>,
      tpu.vector_store %arg11[%swap3A_121], %broadcast_in_dim3A_5 {strides = array<i32>} : memref<256xi32, #tpu.memory_space<vmem>>, vector<16xi32>,
      %swap3A_123 = arith.constant 192 : index
      %swap3A_124 = tpu.vector_load %arg9[%swap3A_123] {strides = array<i32>} : memref<256xi32, #tpu.memory_space<vmem>>, vector<16xi32>,
      tpu.vector_store %arg9[%swap3A_123], %broadcast_in_dim3A_5 {strides = array<i32>} : memref<256xi32, #tpu.memory_space<vmem>>, vector<16xi32>,
      %swap3A_125 = arith.constant 192 : index
      %swap3A_126 = tpu.vector_load %arg11[%swap3A_125] {strides = array<i32>} : memref<256xi32, #tpu.memory_space<vmem>>, vector<16xi32>,
      tpu.vector_store %arg11[%swap3A_125], %broadcast_in_dim3A_5 {strides = array<i32>} : memref<256xi32, #tpu.memory_space<vmem>>, vector<16xi32>,
      %swap3A_127 = arith.constant 208 : index
      %swap3A_128 = tpu.vector_load %arg9[%swap3A_127] {strides = array<i32>} : memref<256xi32, #tpu.memory_space<vmem>>, vector<16xi32>,
      tpu.vector_store %arg9[%swap3A_127], %broadcast_in_dim3A_5 {strides = array<i32>} : memref<256xi32, #tpu.memory_space<vmem>>, vector<16xi32>,
      %swap3A_129 = arith.constant 208 : index
      %swap3A_130 = tpu.vector_load %arg11[%swap3A_129] {strides = array<i32>} : memref<256xi32, #tpu.memory_space<vmem>>, vector<16xi32>,
      tpu.vector_store %arg11[%swap3A_129], %broadcast_in_dim3A_5 {strides = array<i32>} : memref<256xi32, #tpu.memory_space<vmem>>, vector<16xi32>,
      %swap3A_131 = arith.constant 224 : index
      %swap3A_132 = tpu.vector_load %arg9[%swap3A_131] {strides = array<i32>} : memref<256xi32, #tpu.memory_space<vmem>>, vector<16xi32>,
      tpu.vector_store %arg9[%swap3A_131], %broadcast_in_dim3A_5 {strides = array<i32>} : memref<256xi32, #tpu.memory_space<vmem>>, vector<16xi32>,
      %swap3A_133 = arith.constant 224 : index
      %swap3A_134 = tpu.vector_load %arg11[%swap3A_133] {strides = array<i32>} : memref<256xi32, #tpu.memory_space<vmem>>, vector<16xi32>,
      tpu.vector_store %arg11[%swap3A_133], %broadcast_in_dim3A_5 {strides = array<i32>} : memref<256xi32, #tpu.memory_space<vmem>>, vector<16xi32>,
      %swap3A_135 = arith.constant 240 : index
      %swap3A_136 = tpu.vector_load %arg9[%swap3A_135] {strides = array<i32>} : memref<256xi32, #tpu.memory_space<vmem>>, vector<16xi32>,
      tpu.vector_store %arg9[%swap3A_135], %broadcast_in_dim3A_5 {strides = array<i32>} : memref<256xi32, #tpu.memory_space<vmem>>, vector<16xi32>,
      %swap3A_137 = arith.constant 240 : index
      %swap3A_138 = tpu.vector_load %arg11[%swap3A_137] {strides = array<i32>} : memref<256xi32, #tpu.memory_space<vmem>>, vector<16xi32>,
      tpu.vector_store %arg11[%swap3A_137], %broadcast_in_dim3A_5 {strides = array<i32>} : memref<256xi32, #tpu.memory_space<vmem>>, vector<16xi32>,
      %sub3A_139 = arith.subi %add3A_58, %mul3A_2 : i32
      %ge3A = arith.constant 2 : i32
      %ge3A_140 = arith.cmpi sge, %sub3A_139, %ge3A : i32
      %convert_element_type3A = arith.extui %ge3A_140 : i1 to i32
      %cond3A = arith.constant 0 : i32
      %cond3A_141 = arith.cmpi ne, %convert_element_type3A, %cond3A : i32
      scf.if %cond3A_141 {
        %mul3A_405 = arith.constant 272 : i32
        %mul3A_406 = arith.muli %add3A_58, %mul3A_405 : i32
        %dma_wait3A_407 = arith.constant 0 : i32
        %dma_wait3A_408 = tpu.memref_slice %arg12[%dma_wait3A_407] : memref<288xi32, #tpu.memory_space<vmem>> -> memref<272xi32, #tpu.memory_space<vmem>>
        %dma_wait3A_409 = tpu.memref_slice %arg3[%mul3A_406] : memref<557056xi32, #tpu.memory_space<hbm>> -> memref<272xi32, #tpu.memory_space<hbm>>
        %dma_wait3A_410 = tpu.memref_slice %arg3[%mul3A_406] : memref<557056xi32, #tpu.memory_space<hbm>> -> memref<272xi32, #tpu.memory_space<hbm>>
        %dma_wait3A_411 = arith.constant 0 : i32
        %dma_wait3A_412 = tpu.memref_slice %arg12[%dma_wait3A_411] : memref<288xi32, #tpu.memory_space<vmem>> -> memref<272xi32, #tpu.memory_space<vmem>>
        tpu.wait_dma2 semaphore(%arg18 : memref<!tpu.dma_semaphore, #tpu.memory_space<semaphore_mem>>) src(%dma_wait3A_412 : memref<272xi32, #tpu.memory_space<vmem>>) dst(%dma_wait3A_410 : memref<272xi32, #tpu.memory_space<hbm>>)
        %mul3A_413 = arith.constant 272 : i32
        %mul3A_414 = arith.muli %add3A_58, %mul3A_413 : i32
        %dma_wait3A_415 = arith.constant 0 : i32
        %dma_wait3A_416 = tpu.memref_slice %arg13[%dma_wait3A_415] : memref<288xi32, #tpu.memory_space<vmem>> -> memref<272xi32, #tpu.memory_space<vmem>>
        %dma_wait3A_417 = tpu.memref_slice %arg4[%mul3A_414] : memref<557056xi32, #tpu.memory_space<hbm>> -> memref<272xi32, #tpu.memory_space<hbm>>
        %dma_wait3A_418 = tpu.memref_slice %arg4[%mul3A_414] : memref<557056xi32, #tpu.memory_space<hbm>> -> memref<272xi32, #tpu.memory_space<hbm>>
        %dma_wait3A_419 = arith.constant 0 : i32
        %dma_wait3A_420 = tpu.memref_slice %arg13[%dma_wait3A_419] : memref<288xi32, #tpu.memory_space<vmem>> -> memref<272xi32, #tpu.memory_space<vmem>>
        tpu.wait_dma2 semaphore(%arg18 : memref<!tpu.dma_semaphore, #tpu.memory_space<semaphore_mem>>) src(%dma_wait3A_420 : memref<272xi32, #tpu.memory_space<vmem>>) dst(%dma_wait3A_418 : memref<272xi32, #tpu.memory_space<hbm>>)
      } else {
      }
      %scan3A_142 = arith.constant 0 : i32
      %scan3A_143 = arith.constant 0 : i32
      %scan3A_144 = arith.constant 6 : i32
      %scan3A_145 = arith.addi %scan3A_143, %scan3A_144 : i32
      %scan3A_146 = arith.constant 1 : i32
      %scan3A_147 = scf.for %scan3A_405 = %scan3A_143 to %scan3A_145 step %scan3A_146 iter_args(%scan3A_406 = %scan3A_142) -> (i32)  : i32 {
        %broadcast_in_dim3A_407 = vector.broadcast %scan3A : i32 to vector<16xi32>
        %mul3A_408 = arith.constant 3 : i32
        %mul3A_409 = arith.muli %scan3A_405, %mul3A_408 : i32
        %add3A_410 = arith.constant 0 : i32
        %add3A_411 = arith.addi %mul3A_409, %add3A_410 : i32
        %mul3A_412 = arith.constant 16 : i32
        %mul3A_413 = arith.muli %add3A_411, %mul3A_412 : i32
        %swap3A_414 = arith.index_cast %mul3A_413 : i32 to index
        %swap3A_415 = tpu.vector_load %arg12[%swap3A_414] {strides = array<i32>} : memref<288xi32, #tpu.memory_space<vmem>>, vector<16xi32>,
        tpu.vector_store %arg12[%swap3A_414], %broadcast_in_dim3A_407 {strides = array<i32>} : memref<288xi32, #tpu.memory_space<vmem>>, vector<16xi32>,
        %mul3A_416 = arith.constant 3 : i32
        %mul3A_417 = arith.muli %scan3A_405, %mul3A_416 : i32
        %add3A_418 = arith.constant 0 : i32
        %add3A_419 = arith.addi %mul3A_417, %add3A_418 : i32
        %mul3A_420 = arith.constant 16 : i32
        %mul3A_421 = arith.muli %add3A_419, %mul3A_420 : i32
        %swap3A_422 = arith.index_cast %mul3A_421 : i32 to index
        %swap3A_423 = tpu.vector_load %arg13[%swap3A_422] {strides = array<i32>} : memref<288xi32, #tpu.memory_space<vmem>>, vector<16xi32>,
        tpu.vector_store %arg13[%swap3A_422], %broadcast_in_dim3A_5 {strides = array<i32>} : memref<288xi32, #tpu.memory_space<vmem>>, vector<16xi32>,
        %broadcast_in_dim3A_424 = vector.broadcast %scan3A : i32 to vector<16xi32>
        %mul3A_425 = arith.constant 3 : i32
        %mul3A_426 = arith.muli %scan3A_405, %mul3A_425 : i32
        %add3A_427 = arith.constant 1 : i32
        %add3A_428 = arith.addi %mul3A_426, %add3A_427 : i32
        %mul3A_429 = arith.constant 16 : i32
        %mul3A_430 = arith.muli %add3A_428, %mul3A_429 : i32
        %swap3A_431 = arith.index_cast %mul3A_430 : i32 to index
        %swap3A_432 = tpu.vector_load %arg12[%swap3A_431] {strides = array<i32>} : memref<288xi32, #tpu.memory_space<vmem>>, vector<16xi32>,
        tpu.vector_store %arg12[%swap3A_431], %broadcast_in_dim3A_424 {strides = array<i32>} : memref<288xi32, #tpu.memory_space<vmem>>, vector<16xi32>,
        %mul3A_433 = arith.constant 3 : i32
        %mul3A_434 = arith.muli %scan3A_405, %mul3A_433 : i32
        %add3A_435 = arith.constant 1 : i32
        %add3A_436 = arith.addi %mul3A_434, %add3A_435 : i32
        %mul3A_437 = arith.constant 16 : i32
        %mul3A_438 = arith.muli %add3A_436, %mul3A_437 : i32
        %swap3A_439 = arith.index_cast %mul3A_438 : i32 to index
        %swap3A_440 = tpu.vector_load %arg13[%swap3A_439] {strides = array<i32>} : memref<288xi32, #tpu.memory_space<vmem>>, vector<16xi32>,
        tpu.vector_store %arg13[%swap3A_439], %broadcast_in_dim3A_5 {strides = array<i32>} : memref<288xi32, #tpu.memory_space<vmem>>, vector<16xi32>,
        %broadcast_in_dim3A_441 = vector.broadcast %scan3A : i32 to vector<16xi32>
        %mul3A_442 = arith.constant 3 : i32
        %mul3A_443 = arith.muli %scan3A_405, %mul3A_442 : i32
        %add3A_444 = arith.constant 2 : i32
        %add3A_445 = arith.addi %mul3A_443, %add3A_444 : i32
        %mul3A_446 = arith.constant 16 : i32
        %mul3A_447 = arith.muli %add3A_445, %mul3A_446 : i32
        %swap3A_448 = arith.index_cast %mul3A_447 : i32 to index
        %swap3A_449 = tpu.vector_load %arg12[%swap3A_448] {strides = array<i32>} : memref<288xi32, #tpu.memory_space<vmem>>, vector<16xi32>,
        tpu.vector_store %arg12[%swap3A_448], %broadcast_in_dim3A_441 {strides = array<i32>} : memref<288xi32, #tpu.memory_space<vmem>>, vector<16xi32>,
        %mul3A_450 = arith.constant 3 : i32
        %mul3A_451 = arith.muli %scan3A_405, %mul3A_450 : i32
        %add3A_452 = arith.constant 2 : i32
        %add3A_453 = arith.addi %mul3A_451, %add3A_452 : i32
        %mul3A_454 = arith.constant 16 : i32
        %mul3A_455 = arith.muli %add3A_453, %mul3A_454 : i32
        %swap3A_456 = arith.index_cast %mul3A_455 : i32 to index
        %swap3A_457 = tpu.vector_load %arg13[%swap3A_456] {strides = array<i32>} : memref<288xi32, #tpu.memory_space<vmem>>, vector<16xi32>,
        tpu.vector_store %arg13[%swap3A_456], %broadcast_in_dim3A_5 {strides = array<i32>} : memref<288xi32, #tpu.memory_space<vmem>>, vector<16xi32>,
        %scan3A_458 = arith.constant 0 : i32
        scf.yield %scan3A_458 : i32
      }
      %scan3A_148 = arith.constant 6 : i32
      %scan3A_149 = arith.constant 0 : i32
      %scan3A_150 = arith.constant 0 : i32
      %scan3A_151 = arith.constant 64 : i32
      %scan3A_152 = arith.addi %scan3A_150, %scan3A_151 : i32
      %scan3A_153 = arith.constant 1 : i32
      %scan3A_154 = scf.for %scan3A_405 = %scan3A_150 to %scan3A_152 step %scan3A_153 iter_args(%scan3A_406 = %scan3A_149) -> (i32)  : i32 {
        %mul3A_407 = arith.constant 2 : i32
        %mul3A_408 = arith.muli %scan3A_405, %mul3A_407 : i32
        %add3A_409 = arith.constant 0 : i32
        %add3A_410 = arith.addi %mul3A_408, %add3A_409 : i32
        %mul3A_411 = arith.constant 16 : i32
        %mul3A_412 = arith.muli %add3A_410, %mul3A_411 : i32
        %get3A = arith.index_cast %mul3A_412 : i32 to index
        %get3A_413 = tpu.vector_load %arg5[%get3A] {strides = array<i32>} : memref<2048xf32, #tpu.memory_space<vmem>>, vector<16xf32>,
        %bitcast_convert_type3A = tpu.bitcast %get3A_413 : vector<16xf32> -> vector<16xi32>
        %shift_right_arithmetic3A = arith.constant 31 : i32
        %shift_right_arithmetic3A_414 = vector.broadcast %shift_right_arithmetic3A : i32 to vector<16xi32>
        %shift_right_arithmetic3A_415 = arith.shrsi %bitcast_convert_type3A, %shift_right_arithmetic3A_414 : vector<16xi32>
        %and3A = arith.constant 2147483647 : i32
        %and3A_416 = vector.broadcast %and3A : i32 to vector<16xi32>
        %and3A_417 = arith.andi %shift_right_arithmetic3A_415, %and3A_416 : vector<16xi32>
        %xor3A = arith.xori %bitcast_convert_type3A, %and3A_417 : vector<16xi32>
        %swap3A_418 = arith.index_cast %mul3A_412 : i32 to index
        %swap3A_419 = tpu.vector_load %arg7[%swap3A_418] {strides = array<i32>} : memref<2048xi32, #tpu.memory_space<vmem>>, vector<16xi32>,
        tpu.vector_store %arg7[%swap3A_418], %xor3A {strides = array<i32>} : memref<2048xi32, #tpu.memory_space<vmem>>, vector<16xi32>,
        %shift_right_arithmetic3A_420 = arith.constant 24 : i32
        %shift_right_arithmetic3A_421 = vector.broadcast %shift_right_arithmetic3A_420 : i32 to vector<16xi32>
        %shift_right_arithmetic3A_422 = arith.shrsi %xor3A, %shift_right_arithmetic3A_421 : vector<16xi32>
        %add3A_423 = arith.constant 128 : i32
        %add3A_424 = vector.broadcast %add3A_423 : i32 to vector<16xi32>
        %add3A_425 = arith.addi %shift_right_arithmetic3A_422, %add3A_424 : vector<16xi32>
        %mul3A_426 = arith.constant 16 : i32
        %mul3A_427 = vector.broadcast %mul3A_426 : i32 to vector<16xi32>
        %mul3A_428 = arith.muli %add3A_425, %mul3A_427 : vector<16xi32>
        %add3A_429 = arith.addi %mul3A_428, %iota3A : vector<16xi32>
        tpu.vector_store_idx %arg8[%add3A_429], %broadcast_in_dim3A_3 {add = true} : memref<4096xi32, #tpu.memory_space<vmem>>[vector<16xi32>], vector<16xi32>,
        %shift_right_logical3A = arith.constant 4 : i32
        %shift_right_logical3A_430 = vector.broadcast %shift_right_logical3A : i32 to vector<16xi32>
        %shift_right_logical3A_431 = arith.shrui %add3A_425, %shift_right_logical3A_430 : vector<16xi32>
        %mul3A_432 = arith.constant 16 : i32
        %mul3A_433 = vector.broadcast %mul3A_432 : i32 to vector<16xi32>
        %mul3A_434 = arith.muli %shift_right_logical3A_431, %mul3A_433 : vector<16xi32>
        %add3A_435 = arith.addi %mul3A_434, %iota3A : vector<16xi32>
        tpu.vector_store_idx %arg9[%add3A_435], %broadcast_in_dim3A_3 {add = true} : memref<256xi32, #tpu.memory_space<vmem>>[vector<16xi32>], vector<16xi32>,
        %mul3A_436 = arith.constant 2 : i32
        %mul3A_437 = arith.muli %scan3A_405, %mul3A_436 : i32
        %add3A_438 = arith.constant 1 : i32
        %add3A_439 = arith.addi %mul3A_437, %add3A_438 : i32
        %mul3A_440 = arith.constant 16 : i32
        %mul3A_441 = arith.muli %add3A_439, %mul3A_440 : i32
        %get3A_442 = arith.index_cast %mul3A_441 : i32 to index
        %get3A_443 = tpu.vector_load %arg5[%get3A_442] {strides = array<i32>} : memref<2048xf32, #tpu.memory_space<vmem>>, vector<16xf32>,
        %bitcast_convert_type3A_444 = tpu.bitcast %get3A_443 : vector<16xf32> -> vector<16xi32>
        %shift_right_arithmetic3A_445 = arith.constant 31 : i32
        %shift_right_arithmetic3A_446 = vector.broadcast %shift_right_arithmetic3A_445 : i32 to vector<16xi32>
        %shift_right_arithmetic3A_447 = arith.shrsi %bitcast_convert_type3A_444, %shift_right_arithmetic3A_446 : vector<16xi32>
        %and3A_448 = arith.constant 2147483647 : i32
        %and3A_449 = vector.broadcast %and3A_448 : i32 to vector<16xi32>
        %and3A_450 = arith.andi %shift_right_arithmetic3A_447, %and3A_449 : vector<16xi32>
        %xor3A_451 = arith.xori %bitcast_convert_type3A_444, %and3A_450 : vector<16xi32>
        %swap3A_452 = arith.index_cast %mul3A_441 : i32 to index
        %swap3A_453 = tpu.vector_load %arg7[%swap3A_452] {strides = array<i32>} : memref<2048xi32, #tpu.memory_space<vmem>>, vector<16xi32>,
        tpu.vector_store %arg7[%swap3A_452], %xor3A_451 {strides = array<i32>} : memref<2048xi32, #tpu.memory_space<vmem>>, vector<16xi32>,
        %shift_right_arithmetic3A_454 = arith.constant 24 : i32
        %shift_right_arithmetic3A_455 = vector.broadcast %shift_right_arithmetic3A_454 : i32 to vector<16xi32>
        %shift_right_arithmetic3A_456 = arith.shrsi %xor3A_451, %shift_right_arithmetic3A_455 : vector<16xi32>
        %add3A_457 = arith.constant 128 : i32
        %add3A_458 = vector.broadcast %add3A_457 : i32 to vector<16xi32>
        %add3A_459 = arith.addi %shift_right_arithmetic3A_456, %add3A_458 : vector<16xi32>
        %mul3A_460 = arith.constant 16 : i32
        %mul3A_461 = vector.broadcast %mul3A_460 : i32 to vector<16xi32>
        %mul3A_462 = arith.muli %add3A_459, %mul3A_461 : vector<16xi32>
        %add3A_463 = arith.addi %mul3A_462, %iota3A : vector<16xi32>
        tpu.vector_store_idx %arg8[%add3A_463], %broadcast_in_dim3A_3 {add = true} : memref<4096xi32, #tpu.memory_space<vmem>>[vector<16xi32>], vector<16xi32>,
        %shift_right_logical3A_464 = arith.constant 4 : i32
        %shift_right_logical3A_465 = vector.broadcast %shift_right_logical3A_464 : i32 to vector<16xi32>
        %shift_right_logical3A_466 = arith.shrui %add3A_459, %shift_right_logical3A_465 : vector<16xi32>
        %mul3A_467 = arith.constant 16 : i32
        %mul3A_468 = vector.broadcast %mul3A_467 : i32 to vector<16xi32>
        %mul3A_469 = arith.muli %shift_right_logical3A_466, %mul3A_468 : vector<16xi32>
        %add3A_470 = arith.addi %mul3A_469, %iota3A : vector<16xi32>
        tpu.vector_store_idx %arg9[%add3A_470], %broadcast_in_dim3A_3 {add = true} : memref<256xi32, #tpu.memory_space<vmem>>[vector<16xi32>], vector<16xi32>,
        %scan3A_471 = arith.constant 0 : i32
        scf.yield %scan3A_471 : i32
      }
      %scan3A_155 = arith.constant 64 : i32
      %scan3A_156 = arith.constant 256 : i32
      %scan3A_157 = arith.constant 0 : i32
      %scan3A_158 = arith.constant 0 : i32
      %scan3A_159 = arith.constant 0 : i32
      %scan3A_160 = arith.constant 0 : i32
      %scan3A_161 = arith.constant 16 : i32
      %scan3A_162 = arith.addi %scan3A_160, %scan3A_161 : i32
      %scan3A_163 = arith.constant 1 : i32
      %scan3A_164:3 = scf.for %scan3A_405 = %scan3A_160 to %scan3A_162 step %scan3A_163 iter_args(%scan3A_406 = %scan3A_157, %scan3A_407 = %scan3A_158, %scan3A_408 = %scan3A_159) -> (i32, i32, i32)  : i32 {
        %sub3A_409 = arith.constant 15 : i32
        %sub3A_410 = arith.subi %sub3A_409, %scan3A_405 : i32
        %mul3A_411 = arith.constant 16 : i32
        %mul3A_412 = arith.muli %sub3A_410, %mul3A_411 : i32
        %get3A = arith.index_cast %mul3A_412 : i32 to index
        %get3A_413 = tpu.vector_load %arg9[%get3A] {strides = array<i32>} : memref<256xi32, #tpu.memory_space<vmem>>, vector<16xi32>,
        %reduce_sum3A = arith.constant true
        %reduce_sum3A_414 = vector.broadcast %reduce_sum3A : i1 to vector<16xi1>
        %reduce_sum3A_415 = tpu.scan <sum>, %get3A_413 masked %reduce_sum3A_414 : vector<16xi32>, vector<16xi1> -> vector<16xi32>
        %reduce_sum3A_416 = vector.extract %reduce_sum3A_415[15] : i32 from vector<16xi32>
        %add3A_417 = arith.addi %scan3A_406, %reduce_sum3A_416 : i32
        %lt3A_418 = arith.cmpi slt, %scan3A_406, %scan3A_156 : i32
        %ge3A_419 = arith.cmpi sge, %add3A_417, %scan3A_156 : i32
        %and3A = arith.andi %lt3A_418, %ge3A_419 : i1
        %select_n3A = arith.select %and3A, %sub3A_410, %scan3A_407 : i32
        %select_n3A_420 = arith.select %and3A, %scan3A_406, %scan3A_408 : i32
        scf.yield %add3A_417, %select_n3A, %select_n3A_420 : i32, i32, i32
      }
      %scan3A_165 = arith.constant 16 : i32
      %scan3A_166 = arith.constant 256 : i32
      %scan3A_167 = arith.constant 0 : i32
      %scan3A_168 = arith.constant 0 : i32
      %scan3A_169 = arith.constant 0 : i32
      %scan3A_170 = arith.constant 16 : i32
      %scan3A_171 = arith.addi %scan3A_169, %scan3A_170 : i32
      %scan3A_172 = arith.constant 1 : i32
      %scan3A_173:3 = scf.for %scan3A_405 = %scan3A_169 to %scan3A_171 step %scan3A_172 iter_args(%scan3A_406 = %scan3A_164#2, %scan3A_407 = %scan3A_167, %scan3A_408 = %scan3A_168) -> (i32, i32, i32)  : i32 {
        %mul3A_409 = arith.constant 16 : i32
        %mul3A_410 = arith.muli %scan3A_164#1, %mul3A_409 : i32
        %add3A_411 = arith.constant 15 : i32
        %add3A_412 = arith.addi %mul3A_410, %add3A_411 : i32
        %sub3A_413 = arith.subi %add3A_412, %scan3A_405 : i32
        %mul3A_414 = arith.constant 16 : i32
        %mul3A_415 = arith.muli %sub3A_413, %mul3A_414 : i32
        %get3A = arith.index_cast %mul3A_415 : i32 to index
        %get3A_416 = tpu.vector_load %arg8[%get3A] {strides = array<i32>} : memref<4096xi32, #tpu.memory_space<vmem>>, vector<16xi32>,
        %reduce_sum3A = arith.constant true
        %reduce_sum3A_417 = vector.broadcast %reduce_sum3A : i1 to vector<16xi1>
        %reduce_sum3A_418 = tpu.scan <sum>, %get3A_416 masked %reduce_sum3A_417 : vector<16xi32>, vector<16xi1> -> vector<16xi32>
        %reduce_sum3A_419 = vector.extract %reduce_sum3A_418[15] : i32 from vector<16xi32>
        %add3A_420 = arith.addi %scan3A_406, %reduce_sum3A_419 : i32
        %lt3A_421 = arith.cmpi slt, %scan3A_406, %scan3A_166 : i32
        %ge3A_422 = arith.cmpi sge, %add3A_420, %scan3A_166 : i32
        %and3A = arith.andi %lt3A_421, %ge3A_422 : i1
        %select_n3A = arith.select %and3A, %sub3A_413, %scan3A_407 : i32
        %select_n3A_423 = arith.select %and3A, %scan3A_406, %scan3A_408 : i32
        scf.yield %add3A_420, %select_n3A, %select_n3A_423 : i32, i32, i32
      }
      %scan3A_174 = arith.constant 16 : i32
      %scan3A_175 = arith.constant 0 : i32
      %scan3A_176 = arith.constant 0 : i32
      %scan3A_177 = arith.constant 64 : i32
      %scan3A_178 = arith.addi %scan3A_176, %scan3A_177 : i32
      %scan3A_179 = arith.constant 1 : i32
      %scan3A_180 = scf.for %scan3A_405 = %scan3A_176 to %scan3A_178 step %scan3A_179 iter_args(%scan3A_406 = %scan3A_175) -> (i32)  : i32 {
        %mul3A_407 = arith.constant 2 : i32
        %mul3A_408 = arith.muli %scan3A_405, %mul3A_407 : i32
        %add3A_409 = arith.constant 0 : i32
        %add3A_410 = arith.addi %mul3A_408, %add3A_409 : i32
        %mul3A_411 = arith.constant 16 : i32
        %mul3A_412 = arith.muli %add3A_410, %mul3A_411 : i32
        %get3A = arith.index_cast %mul3A_412 : i32 to index
        %get3A_413 = tpu.vector_load %arg7[%get3A] {strides = array<i32>} : memref<2048xi32, #tpu.memory_space<vmem>>, vector<16xi32>,
        %shift_right_arithmetic3A = arith.constant 24 : i32
        %shift_right_arithmetic3A_414 = vector.broadcast %shift_right_arithmetic3A : i32 to vector<16xi32>
        %shift_right_arithmetic3A_415 = arith.shrsi %get3A_413, %shift_right_arithmetic3A_414 : vector<16xi32>
        %add3A_416 = arith.constant 128 : i32
        %add3A_417 = vector.broadcast %add3A_416 : i32 to vector<16xi32>
        %add3A_418 = arith.addi %shift_right_arithmetic3A_415, %add3A_417 : vector<16xi32>
        %eq3A = vector.broadcast %scan3A_173#1 : i32 to vector<16xi32>
        %eq3A_419 = arith.cmpi eq, %add3A_418, %eq3A : vector<16xi32>
        %shift_right_arithmetic3A_420 = arith.constant 16 : i32
        %shift_right_arithmetic3A_421 = vector.broadcast %shift_right_arithmetic3A_420 : i32 to vector<16xi32>
        %shift_right_arithmetic3A_422 = arith.shrsi %get3A_413, %shift_right_arithmetic3A_421 : vector<16xi32>
        %and3A = arith.constant 255 : i32
        %and3A_423 = vector.broadcast %and3A : i32 to vector<16xi32>
        %and3A_424 = arith.andi %shift_right_arithmetic3A_422, %and3A_423 : vector<16xi32>
        %mul3A_425 = arith.constant 16 : i32
        %mul3A_426 = vector.broadcast %mul3A_425 : i32 to vector<16xi32>
        %mul3A_427 = arith.muli %and3A_424, %mul3A_426 : vector<16xi32>
        %add3A_428 = arith.addi %mul3A_427, %iota3A : vector<16xi32>
        tpu.vector_store_idx %arg10[%add3A_428], %broadcast_in_dim3A_3 masked %eq3A_419 {add = true} : memref<4096xi32, #tpu.memory_space<vmem>>[vector<16xi32>], vector<16xi32>, vector<16xi1>
        %shift_right_logical3A = arith.constant 4 : i32
        %shift_right_logical3A_429 = vector.broadcast %shift_right_logical3A : i32 to vector<16xi32>
        %shift_right_logical3A_430 = arith.shrui %and3A_424, %shift_right_logical3A_429 : vector<16xi32>
        %mul3A_431 = arith.constant 16 : i32
        %mul3A_432 = vector.broadcast %mul3A_431 : i32 to vector<16xi32>
        %mul3A_433 = arith.muli %shift_right_logical3A_430, %mul3A_432 : vector<16xi32>
        %add3A_434 = arith.addi %mul3A_433, %iota3A : vector<16xi32>
        tpu.vector_store_idx %arg11[%add3A_434], %broadcast_in_dim3A_3 masked %eq3A_419 {add = true} : memref<256xi32, #tpu.memory_space<vmem>>[vector<16xi32>], vector<16xi32>, vector<16xi1>
        %mul3A_435 = arith.constant 2 : i32
        %mul3A_436 = arith.muli %scan3A_405, %mul3A_435 : i32
        %add3A_437 = arith.constant 1 : i32
        %add3A_438 = arith.addi %mul3A_436, %add3A_437 : i32
        %mul3A_439 = arith.constant 16 : i32
        %mul3A_440 = arith.muli %add3A_438, %mul3A_439 : i32
        %get3A_441 = arith.index_cast %mul3A_440 : i32 to index
        %get3A_442 = tpu.vector_load %arg7[%get3A_441] {strides = array<i32>} : memref<2048xi32, #tpu.memory_space<vmem>>, vector<16xi32>,
        %shift_right_arithmetic3A_443 = arith.constant 24 : i32
        %shift_right_arithmetic3A_444 = vector.broadcast %shift_right_arithmetic3A_443 : i32 to vector<16xi32>
        %shift_right_arithmetic3A_445 = arith.shrsi %get3A_442, %shift_right_arithmetic3A_444 : vector<16xi32>
        %add3A_446 = arith.constant 128 : i32
        %add3A_447 = vector.broadcast %add3A_446 : i32 to vector<16xi32>
        %add3A_448 = arith.addi %shift_right_arithmetic3A_445, %add3A_447 : vector<16xi32>
        %eq3A_449 = vector.broadcast %scan3A_173#1 : i32 to vector<16xi32>
        %eq3A_450 = arith.cmpi eq, %add3A_448, %eq3A_449 : vector<16xi32>
        %shift_right_arithmetic3A_451 = arith.constant 16 : i32
        %shift_right_arithmetic3A_452 = vector.broadcast %shift_right_arithmetic3A_451 : i32 to vector<16xi32>
        %shift_right_arithmetic3A_453 = arith.shrsi %get3A_442, %shift_right_arithmetic3A_452 : vector<16xi32>
        %and3A_454 = arith.constant 255 : i32
        %and3A_455 = vector.broadcast %and3A_454 : i32 to vector<16xi32>
        %and3A_456 = arith.andi %shift_right_arithmetic3A_453, %and3A_455 : vector<16xi32>
        %mul3A_457 = arith.constant 16 : i32
        %mul3A_458 = vector.broadcast %mul3A_457 : i32 to vector<16xi32>
        %mul3A_459 = arith.muli %and3A_456, %mul3A_458 : vector<16xi32>
        %add3A_460 = arith.addi %mul3A_459, %iota3A : vector<16xi32>
        tpu.vector_store_idx %arg10[%add3A_460], %broadcast_in_dim3A_3 masked %eq3A_450 {add = true} : memref<4096xi32, #tpu.memory_space<vmem>>[vector<16xi32>], vector<16xi32>, vector<16xi1>
        %shift_right_logical3A_461 = arith.constant 4 : i32
        %shift_right_logical3A_462 = vector.broadcast %shift_right_logical3A_461 : i32 to vector<16xi32>
        %shift_right_logical3A_463 = arith.shrui %and3A_456, %shift_right_logical3A_462 : vector<16xi32>
        %mul3A_464 = arith.constant 16 : i32
        %mul3A_465 = vector.broadcast %mul3A_464 : i32 to vector<16xi32>
        %mul3A_466 = arith.muli %shift_right_logical3A_463, %mul3A_465 : vector<16xi32>
        %add3A_467 = arith.addi %mul3A_466, %iota3A : vector<16xi32>
        tpu.vector_store_idx %arg11[%add3A_467], %broadcast_in_dim3A_3 masked %eq3A_450 {add = true} : memref<256xi32, #tpu.memory_space<vmem>>[vector<16xi32>], vector<16xi32>, vector<16xi1>
        %scan3A_468 = arith.constant 0 : i32
        scf.yield %scan3A_468 : i32
      }
      %scan3A_181 = arith.constant 64 : i32
      %sub3A_182 = arith.constant 256 : i32
      %sub3A_183 = arith.subi %sub3A_182, %scan3A_173#2 : i32
      %scan3A_184 = arith.constant 0 : i32
      %scan3A_185 = arith.constant 0 : i32
      %scan3A_186 = arith.constant 0 : i32
      %scan3A_187 = arith.constant 0 : i32
      %scan3A_188 = arith.constant 16 : i32
      %scan3A_189 = arith.addi %scan3A_187, %scan3A_188 : i32
      %scan3A_190 = arith.constant 1 : i32
      %scan3A_191:3 = scf.for %scan3A_405 = %scan3A_187 to %scan3A_189 step %scan3A_190 iter_args(%scan3A_406 = %scan3A_184, %scan3A_407 = %scan3A_185, %scan3A_408 = %scan3A_186) -> (i32, i32, i32)  : i32 {
        %sub3A_409 = arith.constant 15 : i32
        %sub3A_410 = arith.subi %sub3A_409, %scan3A_405 : i32
        %mul3A_411 = arith.constant 16 : i32
        %mul3A_412 = arith.muli %sub3A_410, %mul3A_411 : i32
        %get3A = arith.index_cast %mul3A_412 : i32 to index
        %get3A_413 = tpu.vector_load %arg11[%get3A] {strides = array<i32>} : memref<256xi32, #tpu.memory_space<vmem>>, vector<16xi32>,
        %reduce_sum3A = arith.constant true
        %reduce_sum3A_414 = vector.broadcast %reduce_sum3A : i1 to vector<16xi1>
        %reduce_sum3A_415 = tpu.scan <sum>, %get3A_413 masked %reduce_sum3A_414 : vector<16xi32>, vector<16xi1> -> vector<16xi32>
        %reduce_sum3A_416 = vector.extract %reduce_sum3A_415[15] : i32 from vector<16xi32>
        %add3A_417 = arith.addi %scan3A_406, %reduce_sum3A_416 : i32
        %lt3A_418 = arith.cmpi slt, %scan3A_406, %sub3A_183 : i32
        %ge3A_419 = arith.cmpi sge, %add3A_417, %sub3A_183 : i32
        %and3A = arith.andi %lt3A_418, %ge3A_419 : i1
        %select_n3A = arith.select %and3A, %sub3A_410, %scan3A_407 : i32
        %select_n3A_420 = arith.select %and3A, %scan3A_406, %scan3A_408 : i32
        scf.yield %add3A_417, %select_n3A, %select_n3A_420 : i32, i32, i32
      }
      %scan3A_192 = arith.constant 16 : i32
      %scan3A_193 = arith.constant 0 : i32
      %scan3A_194 = arith.constant 0 : i32
      %scan3A_195 = arith.constant 0 : i32
      %scan3A_196 = arith.constant 16 : i32
      %scan3A_197 = arith.addi %scan3A_195, %scan3A_196 : i32
      %scan3A_198 = arith.constant 1 : i32
      %scan3A_199:3 = scf.for %scan3A_405 = %scan3A_195 to %scan3A_197 step %scan3A_198 iter_args(%scan3A_406 = %scan3A_191#2, %scan3A_407 = %scan3A_193, %scan3A_408 = %scan3A_194) -> (i32, i32, i32)  : i32 {
        %mul3A_409 = arith.constant 16 : i32
        %mul3A_410 = arith.muli %scan3A_191#1, %mul3A_409 : i32
        %add3A_411 = arith.constant 15 : i32
        %add3A_412 = arith.addi %mul3A_410, %add3A_411 : i32
        %sub3A_413 = arith.subi %add3A_412, %scan3A_405 : i32
        %mul3A_414 = arith.constant 16 : i32
        %mul3A_415 = arith.muli %sub3A_413, %mul3A_414 : i32
        %get3A = arith.index_cast %mul3A_415 : i32 to index
        %get3A_416 = tpu.vector_load %arg10[%get3A] {strides = array<i32>} : memref<4096xi32, #tpu.memory_space<vmem>>, vector<16xi32>,
        %reduce_sum3A = arith.constant true
        %reduce_sum3A_417 = vector.broadcast %reduce_sum3A : i1 to vector<16xi1>
        %reduce_sum3A_418 = tpu.scan <sum>, %get3A_416 masked %reduce_sum3A_417 : vector<16xi32>, vector<16xi1> -> vector<16xi32>
        %reduce_sum3A_419 = vector.extract %reduce_sum3A_418[15] : i32 from vector<16xi32>
        %add3A_420 = arith.addi %scan3A_406, %reduce_sum3A_419 : i32
        %lt3A_421 = arith.cmpi slt, %scan3A_406, %sub3A_183 : i32
        %ge3A_422 = arith.cmpi sge, %add3A_420, %sub3A_183 : i32
        %and3A = arith.andi %lt3A_421, %ge3A_422 : i1
        %select_n3A = arith.select %and3A, %sub3A_413, %scan3A_407 : i32
        %select_n3A_423 = arith.select %and3A, %scan3A_406, %scan3A_408 : i32
        scf.yield %add3A_420, %select_n3A, %select_n3A_423 : i32, i32, i32
      }
      %scan3A_200 = arith.constant 16 : i32
      %sub3A_201 = arith.constant 128 : i32
      %sub3A_202 = arith.subi %scan3A_173#1, %sub3A_201 : i32
      %shift_left3A = arith.constant 24 : i32
      %shift_left3A_203 = arith.shli %sub3A_202, %shift_left3A : i32
      %shift_left3A_204 = arith.constant 16 : i32
      %shift_left3A_205 = arith.shli %scan3A_199#1, %shift_left3A_204 : i32
      %add3A_206 = arith.addi %shift_left3A_203, %shift_left3A_205 : i32
      %scan3A_207 = arith.constant 0 : i32
      %scan3A_208 = arith.constant 0 : i32
      %scan3A_209 = arith.constant 64 : i32
      %scan3A_210 = arith.addi %scan3A_208, %scan3A_209 : i32
      %scan3A_211 = arith.constant 1 : i32
      %scan3A_212 = scf.for %scan3A_405 = %scan3A_208 to %scan3A_210 step %scan3A_211 iter_args(%scan3A_406 = %scan3A_207) -> (i32)  : i32 {
        %mul3A_407 = arith.constant 2 : i32
        %mul3A_408 = arith.muli %scan3A_405, %mul3A_407 : i32
        %add3A_409 = arith.constant 0 : i32
        %add3A_410 = arith.addi %mul3A_408, %add3A_409 : i32
        %mul3A_411 = arith.constant 16 : i32
        %mul3A_412 = arith.muli %add3A_410, %mul3A_411 : i32
        %get3A = arith.index_cast %mul3A_412 : i32 to index
        %get3A_413 = tpu.vector_load %arg7[%get3A] {strides = array<i32>} : memref<2048xi32, #tpu.memory_space<vmem>>, vector<16xi32>,
        %ge3A_414 = vector.broadcast %add3A_206 : i32 to vector<16xi32>
        %ge3A_415 = arith.cmpi sge, %get3A_413, %ge3A_414 : vector<16xi32>
        %jit3A = arith.constant 1 : i32
        %jit3A_416 = arith.constant 0 : i32
        %broadcast_in_dim3A_417 = vector.broadcast %jit3A : i32 to vector<16xi32>
        %broadcast_in_dim3A_418 = vector.broadcast %jit3A_416 : i32 to vector<16xi32>
        %select_n3A = arith.select %ge3A_415, %broadcast_in_dim3A_417, %broadcast_in_dim3A_418 : vector<16xi1>, vector<16xi32>
        %broadcast_in_dim3A_419 = arith.constant true
        %broadcast_in_dim3A_420 = vector.broadcast %broadcast_in_dim3A_419 : i1 to vector<16xi1>
        %masked_cumsum3A = tpu.scan <sum>, %select_n3A masked %broadcast_in_dim3A_420 : vector<16xi32>, vector<16xi1> -> vector<16xi32>
        %add3A_421 = vector.broadcast %scan3A_406 : i32 to vector<16xi32>
        %add3A_422 = arith.addi %add3A_421, %masked_cumsum3A : vector<16xi32>
        %sub3A_423 = arith.constant 1 : i32
        %sub3A_424 = vector.broadcast %sub3A_423 : i32 to vector<16xi32>
        %sub3A_425 = arith.subi %add3A_422, %sub3A_424 : vector<16xi32>
        %max3A = arith.constant 0 : i32
        %max3A_426 = vector.broadcast %max3A : i32 to vector<16xi32>
        %max3A_427 = arith.maxsi %sub3A_425, %max3A_426 : vector<16xi32>
        %lt3A_428 = arith.constant 272 : i32
        %lt3A_429 = vector.broadcast %lt3A_428 : i32 to vector<16xi32>
        %lt3A_430 = arith.cmpi slt, %max3A_427, %lt3A_429 : vector<16xi32>
        %and3A = arith.andi %ge3A_415, %lt3A_430 : vector<16xi1>
        tpu.vector_store_idx %arg12[%max3A_427], %get3A_413 masked %and3A : memref<288xi32, #tpu.memory_space<vmem>>[vector<16xi32>], vector<16xi32>, vector<16xi1>
        %add3A_431 = vector.broadcast %mul3A_412 : i32 to vector<16xi32>
        %add3A_432 = arith.addi %add3A_431, %iota3A : vector<16xi32>
        tpu.vector_store_idx %arg13[%max3A_427], %add3A_432 masked %and3A : memref<288xi32, #tpu.memory_space<vmem>>[vector<16xi32>], vector<16xi32>, vector<16xi1>
        %reduce_max3A = arith.constant true
        %reduce_max3A_433 = vector.broadcast %reduce_max3A : i1 to vector<16xi1>
        %reduce_max3A_434 = arith.constant -2147483648 : i32
        %reduce_max3A_435 = vector.broadcast %reduce_max3A_434 : i32 to vector<16xi32>
        %reduce_max3A_436 = arith.xori %masked_cumsum3A, %reduce_max3A_435 : vector<16xi32>
        %reduce_max3A_437 = tpu.scan <max>, %reduce_max3A_436 masked %reduce_max3A_433 : vector<16xi32>, vector<16xi1> -> vector<16xi32>
        %reduce_max3A_438 = arith.xori %reduce_max3A_437, %reduce_max3A_435 : vector<16xi32>
        %reduce_max3A_439 = vector.extract %reduce_max3A_438[15] : i32 from vector<16xi32>
        %add3A_440 = arith.addi %scan3A_406, %reduce_max3A_439 : i32
        %min3A = arith.constant 272 : i32
        %min3A_441 = arith.minsi %add3A_440, %min3A : i32
        %mul3A_442 = arith.constant 2 : i32
        %mul3A_443 = arith.muli %scan3A_405, %mul3A_442 : i32
        %add3A_444 = arith.constant 1 : i32
        %add3A_445 = arith.addi %mul3A_443, %add3A_444 : i32
        %mul3A_446 = arith.constant 16 : i32
        %mul3A_447 = arith.muli %add3A_445, %mul3A_446 : i32
        %get3A_448 = arith.index_cast %mul3A_447 : i32 to index
        %get3A_449 = tpu.vector_load %arg7[%get3A_448] {strides = array<i32>} : memref<2048xi32, #tpu.memory_space<vmem>>, vector<16xi32>,
        %ge3A_450 = vector.broadcast %add3A_206 : i32 to vector<16xi32>
        %ge3A_451 = arith.cmpi sge, %get3A_449, %ge3A_450 : vector<16xi32>
        %jit3A_452 = arith.constant 1 : i32
        %jit3A_453 = arith.constant 0 : i32
        %broadcast_in_dim3A_454 = vector.broadcast %jit3A_452 : i32 to vector<16xi32>
        %broadcast_in_dim3A_455 = vector.broadcast %jit3A_453 : i32 to vector<16xi32>
        %select_n3A_456 = arith.select %ge3A_451, %broadcast_in_dim3A_454, %broadcast_in_dim3A_455 : vector<16xi1>, vector<16xi32>
        %broadcast_in_dim3A_457 = arith.constant true
        %broadcast_in_dim3A_458 = vector.broadcast %broadcast_in_dim3A_457 : i1 to vector<16xi1>
        %masked_cumsum3A_459 = tpu.scan <sum>, %select_n3A_456 masked %broadcast_in_dim3A_458 : vector<16xi32>, vector<16xi1> -> vector<16xi32>
        %add3A_460 = vector.broadcast %min3A_441 : i32 to vector<16xi32>
        %add3A_461 = arith.addi %add3A_460, %masked_cumsum3A_459 : vector<16xi32>
        %sub3A_462 = arith.constant 1 : i32
        %sub3A_463 = vector.broadcast %sub3A_462 : i32 to vector<16xi32>
        %sub3A_464 = arith.subi %add3A_461, %sub3A_463 : vector<16xi32>
        %max3A_465 = arith.constant 0 : i32
        %max3A_466 = vector.broadcast %max3A_465 : i32 to vector<16xi32>
        %max3A_467 = arith.maxsi %sub3A_464, %max3A_466 : vector<16xi32>
        %lt3A_468 = arith.constant 272 : i32
        %lt3A_469 = vector.broadcast %lt3A_468 : i32 to vector<16xi32>
        %lt3A_470 = arith.cmpi slt, %max3A_467, %lt3A_469 : vector<16xi32>
        %and3A_471 = arith.andi %ge3A_451, %lt3A_470 : vector<16xi1>
        tpu.vector_store_idx %arg12[%max3A_467], %get3A_449 masked %and3A_471 : memref<288xi32, #tpu.memory_space<vmem>>[vector<16xi32>], vector<16xi32>, vector<16xi1>
        %add3A_472 = vector.broadcast %mul3A_447 : i32 to vector<16xi32>
        %add3A_473 = arith.addi %add3A_472, %iota3A : vector<16xi32>
        tpu.vector_store_idx %arg13[%max3A_467], %add3A_473 masked %and3A_471 : memref<288xi32, #tpu.memory_space<vmem>>[vector<16xi32>], vector<16xi32>, vector<16xi1>
        %reduce_max3A_474 = arith.constant true
        %reduce_max3A_475 = vector.broadcast %reduce_max3A_474 : i1 to vector<16xi1>
        %reduce_max3A_476 = arith.constant -2147483648 : i32
        %reduce_max3A_477 = vector.broadcast %reduce_max3A_476 : i32 to vector<16xi32>
        %reduce_max3A_478 = arith.xori %masked_cumsum3A_459, %reduce_max3A_477 : vector<16xi32>
        %reduce_max3A_479 = tpu.scan <max>, %reduce_max3A_478 masked %reduce_max3A_475 : vector<16xi32>, vector<16xi1> -> vector<16xi32>
        %reduce_max3A_480 = arith.xori %reduce_max3A_479, %reduce_max3A_477 : vector<16xi32>
        %reduce_max3A_481 = vector.extract %reduce_max3A_480[15] : i32 from vector<16xi32>
        %add3A_482 = arith.addi %min3A_441, %reduce_max3A_481 : i32
        %min3A_483 = arith.constant 272 : i32
        %min3A_484 = arith.minsi %add3A_482, %min3A_483 : i32
        scf.yield %min3A_484 : i32
      }
      %scan3A_213 = arith.constant 64 : i32
      %mul3A_214 = arith.constant 272 : i32
      %mul3A_215 = arith.muli %add3A_58, %mul3A_214 : i32
      %dma_start3A_216 = arith.constant 0 : i32
      %dma_start3A_217 = tpu.memref_slice %arg12[%dma_start3A_216] : memref<288xi32, #tpu.memory_space<vmem>> -> memref<272xi32, #tpu.memory_space<vmem>>
      %dma_start3A_218 = tpu.memref_slice %arg3[%mul3A_215] : memref<557056xi32, #tpu.memory_space<hbm>> -> memref<272xi32, #tpu.memory_space<hbm>>
      %dma_start3A_219 = tpu.memref_slice %arg3[%mul3A_215] : memref<557056xi32, #tpu.memory_space<hbm>> -> memref<272xi32, #tpu.memory_space<hbm>>
      %dma_start3A_220 = arith.constant 0 : i32
      %dma_start3A_221 = tpu.memref_slice %arg12[%dma_start3A_220] : memref<288xi32, #tpu.memory_space<vmem>> -> memref<272xi32, #tpu.memory_space<vmem>>
      tpu.enqueue_dma source(%dma_start3A_221 : memref<272xi32, #tpu.memory_space<vmem>>) target(%dma_start3A_219 : memref<272xi32, #tpu.memory_space<hbm>>) target_semaphore(%arg18 : memref<!tpu.dma_semaphore, #tpu.memory_space<semaphore_mem>>)
      %mul3A_222 = arith.constant 272 : i32
      %mul3A_223 = arith.muli %add3A_58, %mul3A_222 : i32
      %dma_start3A_224 = arith.constant 0 : i32
      %dma_start3A_225 = tpu.memref_slice %arg13[%dma_start3A_224] : memref<288xi32, #tpu.memory_space<vmem>> -> memref<272xi32, #tpu.memory_space<vmem>>
      %dma_start3A_226 = tpu.memref_slice %arg4[%mul3A_223] : memref<557056xi32, #tpu.memory_space<hbm>> -> memref<272xi32, #tpu.memory_space<hbm>>
      %dma_start3A_227 = tpu.memref_slice %arg4[%mul3A_223] : memref<557056xi32, #tpu.memory_space<hbm>> -> memref<272xi32, #tpu.memory_space<hbm>>
      %dma_start3A_228 = arith.constant 0 : i32
      %dma_start3A_229 = tpu.memref_slice %arg13[%dma_start3A_228] : memref<288xi32, #tpu.memory_space<vmem>> -> memref<272xi32, #tpu.memory_space<vmem>>
      tpu.enqueue_dma source(%dma_start3A_229 : memref<272xi32, #tpu.memory_space<vmem>>) target(%dma_start3A_227 : memref<272xi32, #tpu.memory_space<hbm>>) target_semaphore(%arg18 : memref<!tpu.dma_semaphore, #tpu.memory_space<semaphore_mem>>)
      %lt3A = arith.constant 31 : i32
      %lt3A_230 = arith.cmpi slt, %scan3A_54, %lt3A : i32
      %convert_element_type3A_231 = arith.extui %lt3A_230 : i1 to i32
      %cond3A_232 = arith.constant 0 : i32
      %cond3A_233 = arith.cmpi ne, %convert_element_type3A_231, %cond3A_232 : i32
      scf.if %cond3A_233 {
        %add3A_405 = arith.constant 2 : i32
        %add3A_406 = arith.addi %add3A_58, %add3A_405 : i32
        %mul3A_407 = arith.constant 2048 : i32
        %mul3A_408 = arith.muli %add3A_406, %mul3A_407 : i32
        %dma_start3A_409 = tpu.memref_slice %arg2[%mul3A_408] : memref<4194304xf32, #tpu.memory_space<hbm>> -> memref<2048xf32, #tpu.memory_space<hbm>>
        %dma_start3A_410 = tpu.memref_slice %arg2[%mul3A_408] : memref<4194304xf32, #tpu.memory_space<hbm>> -> memref<2048xf32, #tpu.memory_space<hbm>>
        tpu.enqueue_dma source(%dma_start3A_410 : memref<2048xf32, #tpu.memory_space<hbm>>) target(%arg5 : memref<2048xf32, #tpu.memory_space<vmem>>) target_semaphore(%arg16 : memref<!tpu.dma_semaphore, #tpu.memory_space<semaphore_mem>>)
      } else {
      }
      %mul3A_234 = arith.constant 2048 : i32
      %mul3A_235 = arith.muli %add3A_60, %mul3A_234 : i32
      %dma_wait3A_236 = tpu.memref_slice %arg2[%mul3A_235] : memref<4194304xf32, #tpu.memory_space<hbm>> -> memref<2048xf32, #tpu.memory_space<hbm>>
      %dma_wait3A_237 = tpu.memref_slice %arg2[%mul3A_235] : memref<4194304xf32, #tpu.memory_space<hbm>> -> memref<2048xf32, #tpu.memory_space<hbm>>
      tpu.wait_dma2 semaphore(%arg17 : memref<!tpu.dma_semaphore, #tpu.memory_space<semaphore_mem>>) src(%dma_wait3A_237 : memref<2048xf32, #tpu.memory_space<hbm>>) dst(%arg6 : memref<2048xf32, #tpu.memory_space<vmem>>)
      %scan3A_238 = arith.constant 0 : i32
      %scan3A_239 = arith.constant 0 : i32
      %scan3A_240 = arith.constant 32 : i32
      %scan3A_241 = arith.addi %scan3A_239, %scan3A_240 : i32
      %scan3A_242 = arith.constant 1 : i32
      %scan3A_243 = scf.for %scan3A_405 = %scan3A_239 to %scan3A_241 step %scan3A_242 iter_args(%scan3A_406 = %scan3A_238) -> (i32)  : i32 {
        %mul3A_407 = arith.constant 8 : i32
        %mul3A_408 = arith.muli %scan3A_405, %mul3A_407 : i32
        %add3A_409 = arith.constant 0 : i32
        %add3A_410 = arith.addi %mul3A_408, %add3A_409 : i32
        %mul3A_411 = arith.constant 16 : i32
        %mul3A_412 = arith.muli %add3A_410, %mul3A_411 : i32
        %swap3A_413 = arith.index_cast %mul3A_412 : i32 to index
        %swap3A_414 = tpu.vector_load %arg8[%swap3A_413] {strides = array<i32>} : memref<4096xi32, #tpu.memory_space<vmem>>, vector<16xi32>,
        tpu.vector_store %arg8[%swap3A_413], %broadcast_in_dim3A_5 {strides = array<i32>} : memref<4096xi32, #tpu.memory_space<vmem>>, vector<16xi32>,
        %mul3A_415 = arith.constant 8 : i32
        %mul3A_416 = arith.muli %scan3A_405, %mul3A_415 : i32
        %add3A_417 = arith.constant 0 : i32
        %add3A_418 = arith.addi %mul3A_416, %add3A_417 : i32
        %mul3A_419 = arith.constant 16 : i32
        %mul3A_420 = arith.muli %add3A_418, %mul3A_419 : i32
        %swap3A_421 = arith.index_cast %mul3A_420 : i32 to index
        %swap3A_422 = tpu.vector_load %arg10[%swap3A_421] {strides = array<i32>} : memref<4096xi32, #tpu.memory_space<vmem>>, vector<16xi32>,
        tpu.vector_store %arg10[%swap3A_421], %broadcast_in_dim3A_5 {strides = array<i32>} : memref<4096xi32, #tpu.memory_space<vmem>>, vector<16xi32>,
        %mul3A_423 = arith.constant 8 : i32
        %mul3A_424 = arith.muli %scan3A_405, %mul3A_423 : i32
        %add3A_425 = arith.constant 1 : i32
        %add3A_426 = arith.addi %mul3A_424, %add3A_425 : i32
        %mul3A_427 = arith.constant 16 : i32
        %mul3A_428 = arith.muli %add3A_426, %mul3A_427 : i32
        %swap3A_429 = arith.index_cast %mul3A_428 : i32 to index
        %swap3A_430 = tpu.vector_load %arg8[%swap3A_429] {strides = array<i32>} : memref<4096xi32, #tpu.memory_space<vmem>>, vector<16xi32>,
        tpu.vector_store %arg8[%swap3A_429], %broadcast_in_dim3A_5 {strides = array<i32>} : memref<4096xi32, #tpu.memory_space<vmem>>, vector<16xi32>,
        %mul3A_431 = arith.constant 8 : i32
        %mul3A_432 = arith.muli %scan3A_405, %mul3A_431 : i32
        %add3A_433 = arith.constant 1 : i32
        %add3A_434 = arith.addi %mul3A_432, %add3A_433 : i32
        %mul3A_435 = arith.constant 16 : i32
        %mul3A_436 = arith.muli %add3A_434, %mul3A_435 : i32
        %swap3A_437 = arith.index_cast %mul3A_436 : i32 to index
        %swap3A_438 = tpu.vector_load %arg10[%swap3A_437] {strides = array<i32>} : memref<4096xi32, #tpu.memory_space<vmem>>, vector<16xi32>,
        tpu.vector_store %arg10[%swap3A_437], %broadcast_in_dim3A_5 {strides = array<i32>} : memref<4096xi32, #tpu.memory_space<vmem>>, vector<16xi32>,
        %mul3A_439 = arith.constant 8 : i32
        %mul3A_440 = arith.muli %scan3A_405, %mul3A_439 : i32
        %add3A_441 = arith.constant 2 : i32
        %add3A_442 = arith.addi %mul3A_440, %add3A_441 : i32
        %mul3A_443 = arith.constant 16 : i32
        %mul3A_444 = arith.muli %add3A_442, %mul3A_443 : i32
        %swap3A_445 = arith.index_cast %mul3A_444 : i32 to index
        %swap3A_446 = tpu.vector_load %arg8[%swap3A_445] {strides = array<i32>} : memref<4096xi32, #tpu.memory_space<vmem>>, vector<16xi32>,
        tpu.vector_store %arg8[%swap3A_445], %broadcast_in_dim3A_5 {strides = array<i32>} : memref<4096xi32, #tpu.memory_space<vmem>>, vector<16xi32>,
        %mul3A_447 = arith.constant 8 : i32
        %mul3A_448 = arith.muli %scan3A_405, %mul3A_447 : i32
        %add3A_449 = arith.constant 2 : i32
        %add3A_450 = arith.addi %mul3A_448, %add3A_449 : i32
        %mul3A_451 = arith.constant 16 : i32
        %mul3A_452 = arith.muli %add3A_450, %mul3A_451 : i32
        %swap3A_453 = arith.index_cast %mul3A_452 : i32 to index
        %swap3A_454 = tpu.vector_load %arg10[%swap3A_453] {strides = array<i32>} : memref<4096xi32, #tpu.memory_space<vmem>>, vector<16xi32>,
        tpu.vector_store %arg10[%swap3A_453], %broadcast_in_dim3A_5 {strides = array<i32>} : memref<4096xi32, #tpu.memory_space<vmem>>, vector<16xi32>,
        %mul3A_455 = arith.constant 8 : i32
        %mul3A_456 = arith.muli %scan3A_405, %mul3A_455 : i32
        %add3A_457 = arith.constant 3 : i32
        %add3A_458 = arith.addi %mul3A_456, %add3A_457 : i32
        %mul3A_459 = arith.constant 16 : i32
        %mul3A_460 = arith.muli %add3A_458, %mul3A_459 : i32
        %swap3A_461 = arith.index_cast %mul3A_460 : i32 to index
        %swap3A_462 = tpu.vector_load %arg8[%swap3A_461] {strides = array<i32>} : memref<4096xi32, #tpu.memory_space<vmem>>, vector<16xi32>,
        tpu.vector_store %arg8[%swap3A_461], %broadcast_in_dim3A_5 {strides = array<i32>} : memref<4096xi32, #tpu.memory_space<vmem>>, vector<16xi32>,
        %mul3A_463 = arith.constant 8 : i32
        %mul3A_464 = arith.muli %scan3A_405, %mul3A_463 : i32
        %add3A_465 = arith.constant 3 : i32
        %add3A_466 = arith.addi %mul3A_464, %add3A_465 : i32
        %mul3A_467 = arith.constant 16 : i32
        %mul3A_468 = arith.muli %add3A_466, %mul3A_467 : i32
        %swap3A_469 = arith.index_cast %mul3A_468 : i32 to index
        %swap3A_470 = tpu.vector_load %arg10[%swap3A_469] {strides = array<i32>} : memref<4096xi32, #tpu.memory_space<vmem>>, vector<16xi32>,
        tpu.vector_store %arg10[%swap3A_469], %broadcast_in_dim3A_5 {strides = array<i32>} : memref<4096xi32, #tpu.memory_space<vmem>>, vector<16xi32>,
        %mul3A_471 = arith.constant 8 : i32
        %mul3A_472 = arith.muli %scan3A_405, %mul3A_471 : i32
        %add3A_473 = arith.constant 4 : i32
        %add3A_474 = arith.addi %mul3A_472, %add3A_473 : i32
        %mul3A_475 = arith.constant 16 : i32
        %mul3A_476 = arith.muli %add3A_474, %mul3A_475 : i32
        %swap3A_477 = arith.index_cast %mul3A_476 : i32 to index
        %swap3A_478 = tpu.vector_load %arg8[%swap3A_477] {strides = array<i32>} : memref<4096xi32, #tpu.memory_space<vmem>>, vector<16xi32>,
        tpu.vector_store %arg8[%swap3A_477], %broadcast_in_dim3A_5 {strides = array<i32>} : memref<4096xi32, #tpu.memory_space<vmem>>, vector<16xi32>,
        %mul3A_479 = arith.constant 8 : i32
        %mul3A_480 = arith.muli %scan3A_405, %mul3A_479 : i32
        %add3A_481 = arith.constant 4 : i32
        %add3A_482 = arith.addi %mul3A_480, %add3A_481 : i32
        %mul3A_483 = arith.constant 16 : i32
        %mul3A_484 = arith.muli %add3A_482, %mul3A_483 : i32
        %swap3A_485 = arith.index_cast %mul3A_484 : i32 to index
        %swap3A_486 = tpu.vector_load %arg10[%swap3A_485] {strides = array<i32>} : memref<4096xi32, #tpu.memory_space<vmem>>, vector<16xi32>,
        tpu.vector_store %arg10[%swap3A_485], %broadcast_in_dim3A_5 {strides = array<i32>} : memref<4096xi32, #tpu.memory_space<vmem>>, vector<16xi32>,
        %mul3A_487 = arith.constant 8 : i32
        %mul3A_488 = arith.muli %scan3A_405, %mul3A_487 : i32
        %add3A_489 = arith.constant 5 : i32
        %add3A_490 = arith.addi %mul3A_488, %add3A_489 : i32
        %mul3A_491 = arith.constant 16 : i32
        %mul3A_492 = arith.muli %add3A_490, %mul3A_491 : i32
        %swap3A_493 = arith.index_cast %mul3A_492 : i32 to index
        %swap3A_494 = tpu.vector_load %arg8[%swap3A_493] {strides = array<i32>} : memref<4096xi32, #tpu.memory_space<vmem>>, vector<16xi32>,
        tpu.vector_store %arg8[%swap3A_493], %broadcast_in_dim3A_5 {strides = array<i32>} : memref<4096xi32, #tpu.memory_space<vmem>>, vector<16xi32>,
        %mul3A_495 = arith.constant 8 : i32
        %mul3A_496 = arith.muli %scan3A_405, %mul3A_495 : i32
        %add3A_497 = arith.constant 5 : i32
        %add3A_498 = arith.addi %mul3A_496, %add3A_497 : i32
        %mul3A_499 = arith.constant 16 : i32
        %mul3A_500 = arith.muli %add3A_498, %mul3A_499 : i32
        %swap3A_501 = arith.index_cast %mul3A_500 : i32 to index
        %swap3A_502 = tpu.vector_load %arg10[%swap3A_501] {strides = array<i32>} : memref<4096xi32, #tpu.memory_space<vmem>>, vector<16xi32>,
        tpu.vector_store %arg10[%swap3A_501], %broadcast_in_dim3A_5 {strides = array<i32>} : memref<4096xi32, #tpu.memory_space<vmem>>, vector<16xi32>,
        %mul3A_503 = arith.constant 8 : i32
        %mul3A_504 = arith.muli %scan3A_405, %mul3A_503 : i32
        %add3A_505 = arith.constant 6 : i32
        %add3A_506 = arith.addi %mul3A_504, %add3A_505 : i32
        %mul3A_507 = arith.constant 16 : i32
        %mul3A_508 = arith.muli %add3A_506, %mul3A_507 : i32
        %swap3A_509 = arith.index_cast %mul3A_508 : i32 to index
        %swap3A_510 = tpu.vector_load %arg8[%swap3A_509] {strides = array<i32>} : memref<4096xi32, #tpu.memory_space<vmem>>, vector<16xi32>,
        tpu.vector_store %arg8[%swap3A_509], %broadcast_in_dim3A_5 {strides = array<i32>} : memref<4096xi32, #tpu.memory_space<vmem>>, vector<16xi32>,
        %mul3A_511 = arith.constant 8 : i32
        %mul3A_512 = arith.muli %scan3A_405, %mul3A_511 : i32
        %add3A_513 = arith.constant 6 : i32
        %add3A_514 = arith.addi %mul3A_512, %add3A_513 : i32
        %mul3A_515 = arith.constant 16 : i32
        %mul3A_516 = arith.muli %add3A_514, %mul3A_515 : i32
        %swap3A_517 = arith.index_cast %mul3A_516 : i32 to index
        %swap3A_518 = tpu.vector_load %arg10[%swap3A_517] {strides = array<i32>} : memref<4096xi32, #tpu.memory_space<vmem>>, vector<16xi32>,
        tpu.vector_store %arg10[%swap3A_517], %broadcast_in_dim3A_5 {strides = array<i32>} : memref<4096xi32, #tpu.memory_space<vmem>>, vector<16xi32>,
        %mul3A_519 = arith.constant 8 : i32
        %mul3A_520 = arith.muli %scan3A_405, %mul3A_519 : i32
        %add3A_521 = arith.constant 7 : i32
        %add3A_522 = arith.addi %mul3A_520, %add3A_521 : i32
        %mul3A_523 = arith.constant 16 : i32
        %mul3A_524 = arith.muli %add3A_522, %mul3A_523 : i32
        %swap3A_525 = arith.index_cast %mul3A_524 : i32 to index
        %swap3A_526 = tpu.vector_load %arg8[%swap3A_525] {strides = array<i32>} : memref<4096xi32, #tpu.memory_space<vmem>>, vector<16xi32>,
        tpu.vector_store %arg8[%swap3A_525], %broadcast_in_dim3A_5 {strides = array<i32>} : memref<4096xi32, #tpu.memory_space<vmem>>, vector<16xi32>,
        %mul3A_527 = arith.constant 8 : i32
        %mul3A_528 = arith.muli %scan3A_405, %mul3A_527 : i32
        %add3A_529 = arith.constant 7 : i32
        %add3A_530 = arith.addi %mul3A_528, %add3A_529 : i32
        %mul3A_531 = arith.constant 16 : i32
        %mul3A_532 = arith.muli %add3A_530, %mul3A_531 : i32
        %swap3A_533 = arith.index_cast %mul3A_532 : i32 to index
        %swap3A_534 = tpu.vector_load %arg10[%swap3A_533] {strides = array<i32>} : memref<4096xi32, #tpu.memory_space<vmem>>, vector<16xi32>,
        tpu.vector_store %arg10[%swap3A_533], %broadcast_in_dim3A_5 {strides = array<i32>} : memref<4096xi32, #tpu.memory_space<vmem>>, vector<16xi32>,
        %scan3A_535 = arith.constant 0 : i32
        scf.yield %scan3A_535 : i32
      }
      %scan3A_244 = arith.constant 32 : i32
      %swap3A_245 = arith.constant 0 : index
      %swap3A_246 = tpu.vector_load %arg9[%swap3A_245] {strides = array<i32>} : memref<256xi32, #tpu.memory_space<vmem>>, vector<16xi32>,
      tpu.vector_store %arg9[%swap3A_245], %broadcast_in_dim3A_5 {strides = array<i32>} : memref<256xi32, #tpu.memory_space<vmem>>, vector<16xi32>,
      %swap3A_247 = arith.constant 0 : index
      %swap3A_248 = tpu.vector_load %arg11[%swap3A_247] {strides = array<i32>} : memref<256xi32, #tpu.memory_space<vmem>>, vector<16xi32>,
      tpu.vector_store %arg11[%swap3A_247], %broadcast_in_dim3A_5 {strides = array<i32>} : memref<256xi32, #tpu.memory_space<vmem>>, vector<16xi32>,
      %swap3A_249 = arith.constant 16 : index
      %swap3A_250 = tpu.vector_load %arg9[%swap3A_249] {strides = array<i32>} : memref<256xi32, #tpu.memory_space<vmem>>, vector<16xi32>,
      tpu.vector_store %arg9[%swap3A_249], %broadcast_in_dim3A_5 {strides = array<i32>} : memref<256xi32, #tpu.memory_space<vmem>>, vector<16xi32>,
      %swap3A_251 = arith.constant 16 : index
      %swap3A_252 = tpu.vector_load %arg11[%swap3A_251] {strides = array<i32>} : memref<256xi32, #tpu.memory_space<vmem>>, vector<16xi32>,
      tpu.vector_store %arg11[%swap3A_251], %broadcast_in_dim3A_5 {strides = array<i32>} : memref<256xi32, #tpu.memory_space<vmem>>, vector<16xi32>,
      %swap3A_253 = arith.constant 32 : index
      %swap3A_254 = tpu.vector_load %arg9[%swap3A_253] {strides = array<i32>} : memref<256xi32, #tpu.memory_space<vmem>>, vector<16xi32>,
      tpu.vector_store %arg9[%swap3A_253], %broadcast_in_dim3A_5 {strides = array<i32>} : memref<256xi32, #tpu.memory_space<vmem>>, vector<16xi32>,
      %swap3A_255 = arith.constant 32 : index
      %swap3A_256 = tpu.vector_load %arg11[%swap3A_255] {strides = array<i32>} : memref<256xi32, #tpu.memory_space<vmem>>, vector<16xi32>,
      tpu.vector_store %arg11[%swap3A_255], %broadcast_in_dim3A_5 {strides = array<i32>} : memref<256xi32, #tpu.memory_space<vmem>>, vector<16xi32>,
      %swap3A_257 = arith.constant 48 : index
      %swap3A_258 = tpu.vector_load %arg9[%swap3A_257] {strides = array<i32>} : memref<256xi32, #tpu.memory_space<vmem>>, vector<16xi32>,
      tpu.vector_store %arg9[%swap3A_257], %broadcast_in_dim3A_5 {strides = array<i32>} : memref<256xi32, #tpu.memory_space<vmem>>, vector<16xi32>,
      %swap3A_259 = arith.constant 48 : index
      %swap3A_260 = tpu.vector_load %arg11[%swap3A_259] {strides = array<i32>} : memref<256xi32, #tpu.memory_space<vmem>>, vector<16xi32>,
      tpu.vector_store %arg11[%swap3A_259], %broadcast_in_dim3A_5 {strides = array<i32>} : memref<256xi32, #tpu.memory_space<vmem>>, vector<16xi32>,
      %swap3A_261 = arith.constant 64 : index
      %swap3A_262 = tpu.vector_load %arg9[%swap3A_261] {strides = array<i32>} : memref<256xi32, #tpu.memory_space<vmem>>, vector<16xi32>,
      tpu.vector_store %arg9[%swap3A_261], %broadcast_in_dim3A_5 {strides = array<i32>} : memref<256xi32, #tpu.memory_space<vmem>>, vector<16xi32>,
      %swap3A_263 = arith.constant 64 : index
      %swap3A_264 = tpu.vector_load %arg11[%swap3A_263] {strides = array<i32>} : memref<256xi32, #tpu.memory_space<vmem>>, vector<16xi32>,
      tpu.vector_store %arg11[%swap3A_263], %broadcast_in_dim3A_5 {strides = array<i32>} : memref<256xi32, #tpu.memory_space<vmem>>, vector<16xi32>,
      %swap3A_265 = arith.constant 80 : index
      %swap3A_266 = tpu.vector_load %arg9[%swap3A_265] {strides = array<i32>} : memref<256xi32, #tpu.memory_space<vmem>>, vector<16xi32>,
      tpu.vector_store %arg9[%swap3A_265], %broadcast_in_dim3A_5 {strides = array<i32>} : memref<256xi32, #tpu.memory_space<vmem>>, vector<16xi32>,
      %swap3A_267 = arith.constant 80 : index
      %swap3A_268 = tpu.vector_load %arg11[%swap3A_267] {strides = array<i32>} : memref<256xi32, #tpu.memory_space<vmem>>, vector<16xi32>,
      tpu.vector_store %arg11[%swap3A_267], %broadcast_in_dim3A_5 {strides = array<i32>} : memref<256xi32, #tpu.memory_space<vmem>>, vector<16xi32>,
      %swap3A_269 = arith.constant 96 : index
      %swap3A_270 = tpu.vector_load %arg9[%swap3A_269] {strides = array<i32>} : memref<256xi32, #tpu.memory_space<vmem>>, vector<16xi32>,
      tpu.vector_store %arg9[%swap3A_269], %broadcast_in_dim3A_5 {strides = array<i32>} : memref<256xi32, #tpu.memory_space<vmem>>, vector<16xi32>,
      %swap3A_271 = arith.constant 96 : index
      %swap3A_272 = tpu.vector_load %arg11[%swap3A_271] {strides = array<i32>} : memref<256xi32, #tpu.memory_space<vmem>>, vector<16xi32>,
      tpu.vector_store %arg11[%swap3A_271], %broadcast_in_dim3A_5 {strides = array<i32>} : memref<256xi32, #tpu.memory_space<vmem>>, vector<16xi32>,
      %swap3A_273 = arith.constant 112 : index
      %swap3A_274 = tpu.vector_load %arg9[%swap3A_273] {strides = array<i32>} : memref<256xi32, #tpu.memory_space<vmem>>, vector<16xi32>,
      tpu.vector_store %arg9[%swap3A_273], %broadcast_in_dim3A_5 {strides = array<i32>} : memref<256xi32, #tpu.memory_space<vmem>>, vector<16xi32>,
      %swap3A_275 = arith.constant 112 : index
      %swap3A_276 = tpu.vector_load %arg11[%swap3A_275] {strides = array<i32>} : memref<256xi32, #tpu.memory_space<vmem>>, vector<16xi32>,
      tpu.vector_store %arg11[%swap3A_275], %broadcast_in_dim3A_5 {strides = array<i32>} : memref<256xi32, #tpu.memory_space<vmem>>, vector<16xi32>,
      %swap3A_277 = arith.constant 128 : index
      %swap3A_278 = tpu.vector_load %arg9[%swap3A_277] {strides = array<i32>} : memref<256xi32, #tpu.memory_space<vmem>>, vector<16xi32>,
      tpu.vector_store %arg9[%swap3A_277], %broadcast_in_dim3A_5 {strides = array<i32>} : memref<256xi32, #tpu.memory_space<vmem>>, vector<16xi32>,
      %swap3A_279 = arith.constant 128 : index
      %swap3A_280 = tpu.vector_load %arg11[%swap3A_279] {strides = array<i32>} : memref<256xi32, #tpu.memory_space<vmem>>, vector<16xi32>,
      tpu.vector_store %arg11[%swap3A_279], %broadcast_in_dim3A_5 {strides = array<i32>} : memref<256xi32, #tpu.memory_space<vmem>>, vector<16xi32>,
      %swap3A_281 = arith.constant 144 : index
      %swap3A_282 = tpu.vector_load %arg9[%swap3A_281] {strides = array<i32>} : memref<256xi32, #tpu.memory_space<vmem>>, vector<16xi32>,
      tpu.vector_store %arg9[%swap3A_281], %broadcast_in_dim3A_5 {strides = array<i32>} : memref<256xi32, #tpu.memory_space<vmem>>, vector<16xi32>,
      %swap3A_283 = arith.constant 144 : index
      %swap3A_284 = tpu.vector_load %arg11[%swap3A_283] {strides = array<i32>} : memref<256xi32, #tpu.memory_space<vmem>>, vector<16xi32>,
      tpu.vector_store %arg11[%swap3A_283], %broadcast_in_dim3A_5 {strides = array<i32>} : memref<256xi32, #tpu.memory_space<vmem>>, vector<16xi32>,
      %swap3A_285 = arith.constant 160 : index
      %swap3A_286 = tpu.vector_load %arg9[%swap3A_285] {strides = array<i32>} : memref<256xi32, #tpu.memory_space<vmem>>, vector<16xi32>,
      tpu.vector_store %arg9[%swap3A_285], %broadcast_in_dim3A_5 {strides = array<i32>} : memref<256xi32, #tpu.memory_space<vmem>>, vector<16xi32>,
      %swap3A_287 = arith.constant 160 : index
      %swap3A_288 = tpu.vector_load %arg11[%swap3A_287] {strides = array<i32>} : memref<256xi32, #tpu.memory_space<vmem>>, vector<16xi32>,
      tpu.vector_store %arg11[%swap3A_287], %broadcast_in_dim3A_5 {strides = array<i32>} : memref<256xi32, #tpu.memory_space<vmem>>, vector<16xi32>,
      %swap3A_289 = arith.constant 176 : index
      %swap3A_290 = tpu.vector_load %arg9[%swap3A_289] {strides = array<i32>} : memref<256xi32, #tpu.memory_space<vmem>>, vector<16xi32>,
      tpu.vector_store %arg9[%swap3A_289], %broadcast_in_dim3A_5 {strides = array<i32>} : memref<256xi32, #tpu.memory_space<vmem>>, vector<16xi32>,
      %swap3A_291 = arith.constant 176 : index
      %swap3A_292 = tpu.vector_load %arg11[%swap3A_291] {strides = array<i32>} : memref<256xi32, #tpu.memory_space<vmem>>, vector<16xi32>,
      tpu.vector_store %arg11[%swap3A_291], %broadcast_in_dim3A_5 {strides = array<i32>} : memref<256xi32, #tpu.memory_space<vmem>>, vector<16xi32>,
      %swap3A_293 = arith.constant 192 : index
      %swap3A_294 = tpu.vector_load %arg9[%swap3A_293] {strides = array<i32>} : memref<256xi32, #tpu.memory_space<vmem>>, vector<16xi32>,
      tpu.vector_store %arg9[%swap3A_293], %broadcast_in_dim3A_5 {strides = array<i32>} : memref<256xi32, #tpu.memory_space<vmem>>, vector<16xi32>,
      %swap3A_295 = arith.constant 192 : index
      %swap3A_296 = tpu.vector_load %arg11[%swap3A_295] {strides = array<i32>} : memref<256xi32, #tpu.memory_space<vmem>>, vector<16xi32>,
      tpu.vector_store %arg11[%swap3A_295], %broadcast_in_dim3A_5 {strides = array<i32>} : memref<256xi32, #tpu.memory_space<vmem>>, vector<16xi32>,
      %swap3A_297 = arith.constant 208 : index
      %swap3A_298 = tpu.vector_load %arg9[%swap3A_297] {strides = array<i32>} : memref<256xi32, #tpu.memory_space<vmem>>, vector<16xi32>,
      tpu.vector_store %arg9[%swap3A_297], %broadcast_in_dim3A_5 {strides = array<i32>} : memref<256xi32, #tpu.memory_space<vmem>>, vector<16xi32>,
      %swap3A_299 = arith.constant 208 : index
      %swap3A_300 = tpu.vector_load %arg11[%swap3A_299] {strides = array<i32>} : memref<256xi32, #tpu.memory_space<vmem>>, vector<16xi32>,
      tpu.vector_store %arg11[%swap3A_299], %broadcast_in_dim3A_5 {strides = array<i32>} : memref<256xi32, #tpu.memory_space<vmem>>, vector<16xi32>,
      %swap3A_301 = arith.constant 224 : index
      %swap3A_302 = tpu.vector_load %arg9[%swap3A_301] {strides = array<i32>} : memref<256xi32, #tpu.memory_space<vmem>>, vector<16xi32>,
      tpu.vector_store %arg9[%swap3A_301], %broadcast_in_dim3A_5 {strides = array<i32>} : memref<256xi32, #tpu.memory_space<vmem>>, vector<16xi32>,
      %swap3A_303 = arith.constant 224 : index
      %swap3A_304 = tpu.vector_load %arg11[%swap3A_303] {strides = array<i32>} : memref<256xi32, #tpu.memory_space<vmem>>, vector<16xi32>,
      tpu.vector_store %arg11[%swap3A_303], %broadcast_in_dim3A_5 {strides = array<i32>} : memref<256xi32, #tpu.memory_space<vmem>>, vector<16xi32>,
      %swap3A_305 = arith.constant 240 : index
      %swap3A_306 = tpu.vector_load %arg9[%swap3A_305] {strides = array<i32>} : memref<256xi32, #tpu.memory_space<vmem>>, vector<16xi32>,
      tpu.vector_store %arg9[%swap3A_305], %broadcast_in_dim3A_5 {strides = array<i32>} : memref<256xi32, #tpu.memory_space<vmem>>, vector<16xi32>,
      %swap3A_307 = arith.constant 240 : index
      %swap3A_308 = tpu.vector_load %arg11[%swap3A_307] {strides = array<i32>} : memref<256xi32, #tpu.memory_space<vmem>>, vector<16xi32>,
      tpu.vector_store %arg11[%swap3A_307], %broadcast_in_dim3A_5 {strides = array<i32>} : memref<256xi32, #tpu.memory_space<vmem>>, vector<16xi32>,
      %sub3A_309 = arith.subi %add3A_60, %mul3A_2 : i32
      %ge3A_310 = arith.constant 2 : i32
      %ge3A_311 = arith.cmpi sge, %sub3A_309, %ge3A_310 : i32
      %convert_element_type3A_312 = arith.extui %ge3A_311 : i1 to i32
      %cond3A_313 = arith.constant 0 : i32
      %cond3A_314 = arith.cmpi ne, %convert_element_type3A_312, %cond3A_313 : i32
      scf.if %cond3A_314 {
        %mul3A_405 = arith.constant 272 : i32
        %mul3A_406 = arith.muli %add3A_60, %mul3A_405 : i32
        %dma_wait3A_407 = arith.constant 0 : i32
        %dma_wait3A_408 = tpu.memref_slice %arg14[%dma_wait3A_407] : memref<288xi32, #tpu.memory_space<vmem>> -> memref<272xi32, #tpu.memory_space<vmem>>
        %dma_wait3A_409 = tpu.memref_slice %arg3[%mul3A_406] : memref<557056xi32, #tpu.memory_space<hbm>> -> memref<272xi32, #tpu.memory_space<hbm>>
        %dma_wait3A_410 = tpu.memref_slice %arg3[%mul3A_406] : memref<557056xi32, #tpu.memory_space<hbm>> -> memref<272xi32, #tpu.memory_space<hbm>>
        %dma_wait3A_411 = arith.constant 0 : i32
        %dma_wait3A_412 = tpu.memref_slice %arg14[%dma_wait3A_411] : memref<288xi32, #tpu.memory_space<vmem>> -> memref<272xi32, #tpu.memory_space<vmem>>
        tpu.wait_dma2 semaphore(%arg19 : memref<!tpu.dma_semaphore, #tpu.memory_space<semaphore_mem>>) src(%dma_wait3A_412 : memref<272xi32, #tpu.memory_space<vmem>>) dst(%dma_wait3A_410 : memref<272xi32, #tpu.memory_space<hbm>>)
        %mul3A_413 = arith.constant 272 : i32
        %mul3A_414 = arith.muli %add3A_60, %mul3A_413 : i32
        %dma_wait3A_415 = arith.constant 0 : i32
        %dma_wait3A_416 = tpu.memref_slice %arg15[%dma_wait3A_415] : memref<288xi32, #tpu.memory_space<vmem>> -> memref<272xi32, #tpu.memory_space<vmem>>
        %dma_wait3A_417 = tpu.memref_slice %arg4[%mul3A_414] : memref<557056xi32, #tpu.memory_space<hbm>> -> memref<272xi32, #tpu.memory_space<hbm>>
        %dma_wait3A_418 = tpu.memref_slice %arg4[%mul3A_414] : memref<557056xi32, #tpu.memory_space<hbm>> -> memref<272xi32, #tpu.memory_space<hbm>>
        %dma_wait3A_419 = arith.constant 0 : i32
        %dma_wait3A_420 = tpu.memref_slice %arg15[%dma_wait3A_419] : memref<288xi32, #tpu.memory_space<vmem>> -> memref<272xi32, #tpu.memory_space<vmem>>
        tpu.wait_dma2 semaphore(%arg19 : memref<!tpu.dma_semaphore, #tpu.memory_space<semaphore_mem>>) src(%dma_wait3A_420 : memref<272xi32, #tpu.memory_space<vmem>>) dst(%dma_wait3A_418 : memref<272xi32, #tpu.memory_space<hbm>>)
      } else {
      }
      %scan3A_315 = arith.constant 0 : i32
      %scan3A_316 = arith.constant 0 : i32
      %scan3A_317 = arith.constant 6 : i32
      %scan3A_318 = arith.addi %scan3A_316, %scan3A_317 : i32
      %scan3A_319 = arith.constant 1 : i32
      %scan3A_320 = scf.for %scan3A_405 = %scan3A_316 to %scan3A_318 step %scan3A_319 iter_args(%scan3A_406 = %scan3A_315) -> (i32)  : i32 {
        %broadcast_in_dim3A_407 = vector.broadcast %scan3A : i32 to vector<16xi32>
        %mul3A_408 = arith.constant 3 : i32
        %mul3A_409 = arith.muli %scan3A_405, %mul3A_408 : i32
        %add3A_410 = arith.constant 0 : i32
        %add3A_411 = arith.addi %mul3A_409, %add3A_410 : i32
        %mul3A_412 = arith.constant 16 : i32
        %mul3A_413 = arith.muli %add3A_411, %mul3A_412 : i32
        %swap3A_414 = arith.index_cast %mul3A_413 : i32 to index
        %swap3A_415 = tpu.vector_load %arg14[%swap3A_414] {strides = array<i32>} : memref<288xi32, #tpu.memory_space<vmem>>, vector<16xi32>,
        tpu.vector_store %arg14[%swap3A_414], %broadcast_in_dim3A_407 {strides = array<i32>} : memref<288xi32, #tpu.memory_space<vmem>>, vector<16xi32>,
        %mul3A_416 = arith.constant 3 : i32
        %mul3A_417 = arith.muli %scan3A_405, %mul3A_416 : i32
        %add3A_418 = arith.constant 0 : i32
        %add3A_419 = arith.addi %mul3A_417, %add3A_418 : i32
        %mul3A_420 = arith.constant 16 : i32
        %mul3A_421 = arith.muli %add3A_419, %mul3A_420 : i32
        %swap3A_422 = arith.index_cast %mul3A_421 : i32 to index
        %swap3A_423 = tpu.vector_load %arg15[%swap3A_422] {strides = array<i32>} : memref<288xi32, #tpu.memory_space<vmem>>, vector<16xi32>,
        tpu.vector_store %arg15[%swap3A_422], %broadcast_in_dim3A_5 {strides = array<i32>} : memref<288xi32, #tpu.memory_space<vmem>>, vector<16xi32>,
        %broadcast_in_dim3A_424 = vector.broadcast %scan3A : i32 to vector<16xi32>
        %mul3A_425 = arith.constant 3 : i32
        %mul3A_426 = arith.muli %scan3A_405, %mul3A_425 : i32
        %add3A_427 = arith.constant 1 : i32
        %add3A_428 = arith.addi %mul3A_426, %add3A_427 : i32
        %mul3A_429 = arith.constant 16 : i32
        %mul3A_430 = arith.muli %add3A_428, %mul3A_429 : i32
        %swap3A_431 = arith.index_cast %mul3A_430 : i32 to index
        %swap3A_432 = tpu.vector_load %arg14[%swap3A_431] {strides = array<i32>} : memref<288xi32, #tpu.memory_space<vmem>>, vector<16xi32>,
        tpu.vector_store %arg14[%swap3A_431], %broadcast_in_dim3A_424 {strides = array<i32>} : memref<288xi32, #tpu.memory_space<vmem>>, vector<16xi32>,
        %mul3A_433 = arith.constant 3 : i32
        %mul3A_434 = arith.muli %scan3A_405, %mul3A_433 : i32
        %add3A_435 = arith.constant 1 : i32
        %add3A_436 = arith.addi %mul3A_434, %add3A_435 : i32
        %mul3A_437 = arith.constant 16 : i32
        %mul3A_438 = arith.muli %add3A_436, %mul3A_437 : i32
        %swap3A_439 = arith.index_cast %mul3A_438 : i32 to index
        %swap3A_440 = tpu.vector_load %arg15[%swap3A_439] {strides = array<i32>} : memref<288xi32, #tpu.memory_space<vmem>>, vector<16xi32>,
        tpu.vector_store %arg15[%swap3A_439], %broadcast_in_dim3A_5 {strides = array<i32>} : memref<288xi32, #tpu.memory_space<vmem>>, vector<16xi32>,
        %broadcast_in_dim3A_441 = vector.broadcast %scan3A : i32 to vector<16xi32>
        %mul3A_442 = arith.constant 3 : i32
        %mul3A_443 = arith.muli %scan3A_405, %mul3A_442 : i32
        %add3A_444 = arith.constant 2 : i32
        %add3A_445 = arith.addi %mul3A_443, %add3A_444 : i32
        %mul3A_446 = arith.constant 16 : i32
        %mul3A_447 = arith.muli %add3A_445, %mul3A_446 : i32
        %swap3A_448 = arith.index_cast %mul3A_447 : i32 to index
        %swap3A_449 = tpu.vector_load %arg14[%swap3A_448] {strides = array<i32>} : memref<288xi32, #tpu.memory_space<vmem>>, vector<16xi32>,
        tpu.vector_store %arg14[%swap3A_448], %broadcast_in_dim3A_441 {strides = array<i32>} : memref<288xi32, #tpu.memory_space<vmem>>, vector<16xi32>,
        %mul3A_450 = arith.constant 3 : i32
        %mul3A_451 = arith.muli %scan3A_405, %mul3A_450 : i32
        %add3A_452 = arith.constant 2 : i32
        %add3A_453 = arith.addi %mul3A_451, %add3A_452 : i32
        %mul3A_454 = arith.constant 16 : i32
        %mul3A_455 = arith.muli %add3A_453, %mul3A_454 : i32
        %swap3A_456 = arith.index_cast %mul3A_455 : i32 to index
        %swap3A_457 = tpu.vector_load %arg15[%swap3A_456] {strides = array<i32>} : memref<288xi32, #tpu.memory_space<vmem>>, vector<16xi32>,
        tpu.vector_store %arg15[%swap3A_456], %broadcast_in_dim3A_5 {strides = array<i32>} : memref<288xi32, #tpu.memory_space<vmem>>, vector<16xi32>,
        %scan3A_458 = arith.constant 0 : i32
        scf.yield %scan3A_458 : i32
      }
      %scan3A_321 = arith.constant 6 : i32
      %scan3A_322 = arith.constant 0 : i32
      %scan3A_323 = arith.constant 0 : i32
      %scan3A_324 = arith.constant 64 : i32
      %scan3A_325 = arith.addi %scan3A_323, %scan3A_324 : i32
      %scan3A_326 = arith.constant 1 : i32
      %scan3A_327 = scf.for %scan3A_405 = %scan3A_323 to %scan3A_325 step %scan3A_326 iter_args(%scan3A_406 = %scan3A_322) -> (i32)  : i32 {
        %mul3A_407 = arith.constant 2 : i32
        %mul3A_408 = arith.muli %scan3A_405, %mul3A_407 : i32
        %add3A_409 = arith.constant 0 : i32
        %add3A_410 = arith.addi %mul3A_408, %add3A_409 : i32
        %mul3A_411 = arith.constant 16 : i32
        %mul3A_412 = arith.muli %add3A_410, %mul3A_411 : i32
        %get3A = arith.index_cast %mul3A_412 : i32 to index
        %get3A_413 = tpu.vector_load %arg6[%get3A] {strides = array<i32>} : memref<2048xf32, #tpu.memory_space<vmem>>, vector<16xf32>,
        %bitcast_convert_type3A = tpu.bitcast %get3A_413 : vector<16xf32> -> vector<16xi32>
        %shift_right_arithmetic3A = arith.constant 31 : i32
        %shift_right_arithmetic3A_414 = vector.broadcast %shift_right_arithmetic3A : i32 to vector<16xi32>
        %shift_right_arithmetic3A_415 = arith.shrsi %bitcast_convert_type3A, %shift_right_arithmetic3A_414 : vector<16xi32>
        %and3A = arith.constant 2147483647 : i32
        %and3A_416 = vector.broadcast %and3A : i32 to vector<16xi32>
        %and3A_417 = arith.andi %shift_right_arithmetic3A_415, %and3A_416 : vector<16xi32>
        %xor3A = arith.xori %bitcast_convert_type3A, %and3A_417 : vector<16xi32>
        %swap3A_418 = arith.index_cast %mul3A_412 : i32 to index
        %swap3A_419 = tpu.vector_load %arg7[%swap3A_418] {strides = array<i32>} : memref<2048xi32, #tpu.memory_space<vmem>>, vector<16xi32>,
        tpu.vector_store %arg7[%swap3A_418], %xor3A {strides = array<i32>} : memref<2048xi32, #tpu.memory_space<vmem>>, vector<16xi32>,
        %shift_right_arithmetic3A_420 = arith.constant 24 : i32
        %shift_right_arithmetic3A_421 = vector.broadcast %shift_right_arithmetic3A_420 : i32 to vector<16xi32>
        %shift_right_arithmetic3A_422 = arith.shrsi %xor3A, %shift_right_arithmetic3A_421 : vector<16xi32>
        %add3A_423 = arith.constant 128 : i32
        %add3A_424 = vector.broadcast %add3A_423 : i32 to vector<16xi32>
        %add3A_425 = arith.addi %shift_right_arithmetic3A_422, %add3A_424 : vector<16xi32>
        %mul3A_426 = arith.constant 16 : i32
        %mul3A_427 = vector.broadcast %mul3A_426 : i32 to vector<16xi32>
        %mul3A_428 = arith.muli %add3A_425, %mul3A_427 : vector<16xi32>
        %add3A_429 = arith.addi %mul3A_428, %iota3A : vector<16xi32>
        tpu.vector_store_idx %arg8[%add3A_429], %broadcast_in_dim3A_3 {add = true} : memref<4096xi32, #tpu.memory_space<vmem>>[vector<16xi32>], vector<16xi32>,
        %shift_right_logical3A = arith.constant 4 : i32
        %shift_right_logical3A_430 = vector.broadcast %shift_right_logical3A : i32 to vector<16xi32>
        %shift_right_logical3A_431 = arith.shrui %add3A_425, %shift_right_logical3A_430 : vector<16xi32>
        %mul3A_432 = arith.constant 16 : i32
        %mul3A_433 = vector.broadcast %mul3A_432 : i32 to vector<16xi32>
        %mul3A_434 = arith.muli %shift_right_logical3A_431, %mul3A_433 : vector<16xi32>
        %add3A_435 = arith.addi %mul3A_434, %iota3A : vector<16xi32>
        tpu.vector_store_idx %arg9[%add3A_435], %broadcast_in_dim3A_3 {add = true} : memref<256xi32, #tpu.memory_space<vmem>>[vector<16xi32>], vector<16xi32>,
        %mul3A_436 = arith.constant 2 : i32
        %mul3A_437 = arith.muli %scan3A_405, %mul3A_436 : i32
        %add3A_438 = arith.constant 1 : i32
        %add3A_439 = arith.addi %mul3A_437, %add3A_438 : i32
        %mul3A_440 = arith.constant 16 : i32
        %mul3A_441 = arith.muli %add3A_439, %mul3A_440 : i32
        %get3A_442 = arith.index_cast %mul3A_441 : i32 to index
        %get3A_443 = tpu.vector_load %arg6[%get3A_442] {strides = array<i32>} : memref<2048xf32, #tpu.memory_space<vmem>>, vector<16xf32>,
        %bitcast_convert_type3A_444 = tpu.bitcast %get3A_443 : vector<16xf32> -> vector<16xi32>
        %shift_right_arithmetic3A_445 = arith.constant 31 : i32
        %shift_right_arithmetic3A_446 = vector.broadcast %shift_right_arithmetic3A_445 : i32 to vector<16xi32>
        %shift_right_arithmetic3A_447 = arith.shrsi %bitcast_convert_type3A_444, %shift_right_arithmetic3A_446 : vector<16xi32>
        %and3A_448 = arith.constant 2147483647 : i32
        %and3A_449 = vector.broadcast %and3A_448 : i32 to vector<16xi32>
        %and3A_450 = arith.andi %shift_right_arithmetic3A_447, %and3A_449 : vector<16xi32>
        %xor3A_451 = arith.xori %bitcast_convert_type3A_444, %and3A_450 : vector<16xi32>
        %swap3A_452 = arith.index_cast %mul3A_441 : i32 to index
        %swap3A_453 = tpu.vector_load %arg7[%swap3A_452] {strides = array<i32>} : memref<2048xi32, #tpu.memory_space<vmem>>, vector<16xi32>,
        tpu.vector_store %arg7[%swap3A_452], %xor3A_451 {strides = array<i32>} : memref<2048xi32, #tpu.memory_space<vmem>>, vector<16xi32>,
        %shift_right_arithmetic3A_454 = arith.constant 24 : i32
        %shift_right_arithmetic3A_455 = vector.broadcast %shift_right_arithmetic3A_454 : i32 to vector<16xi32>
        %shift_right_arithmetic3A_456 = arith.shrsi %xor3A_451, %shift_right_arithmetic3A_455 : vector<16xi32>
        %add3A_457 = arith.constant 128 : i32
        %add3A_458 = vector.broadcast %add3A_457 : i32 to vector<16xi32>
        %add3A_459 = arith.addi %shift_right_arithmetic3A_456, %add3A_458 : vector<16xi32>
        %mul3A_460 = arith.constant 16 : i32
        %mul3A_461 = vector.broadcast %mul3A_460 : i32 to vector<16xi32>
        %mul3A_462 = arith.muli %add3A_459, %mul3A_461 : vector<16xi32>
        %add3A_463 = arith.addi %mul3A_462, %iota3A : vector<16xi32>
        tpu.vector_store_idx %arg8[%add3A_463], %broadcast_in_dim3A_3 {add = true} : memref<4096xi32, #tpu.memory_space<vmem>>[vector<16xi32>], vector<16xi32>,
        %shift_right_logical3A_464 = arith.constant 4 : i32
        %shift_right_logical3A_465 = vector.broadcast %shift_right_logical3A_464 : i32 to vector<16xi32>
        %shift_right_logical3A_466 = arith.shrui %add3A_459, %shift_right_logical3A_465 : vector<16xi32>
        %mul3A_467 = arith.constant 16 : i32
        %mul3A_468 = vector.broadcast %mul3A_467 : i32 to vector<16xi32>
        %mul3A_469 = arith.muli %shift_right_logical3A_466, %mul3A_468 : vector<16xi32>
        %add3A_470 = arith.addi %mul3A_469, %iota3A : vector<16xi32>
        tpu.vector_store_idx %arg9[%add3A_470], %broadcast_in_dim3A_3 {add = true} : memref<256xi32, #tpu.memory_space<vmem>>[vector<16xi32>], vector<16xi32>,
        %scan3A_471 = arith.constant 0 : i32
        scf.yield %scan3A_471 : i32
      }
      %scan3A_328 = arith.constant 64 : i32
      %scan3A_329 = arith.constant 256 : i32
      %scan3A_330 = arith.constant 0 : i32
      %scan3A_331 = arith.constant 0 : i32
      %scan3A_332 = arith.constant 0 : i32
      %scan3A_333 = arith.constant 0 : i32
      %scan3A_334 = arith.constant 16 : i32
      %scan3A_335 = arith.addi %scan3A_333, %scan3A_334 : i32
      %scan3A_336 = arith.constant 1 : i32
      %scan3A_337:3 = scf.for %scan3A_405 = %scan3A_333 to %scan3A_335 step %scan3A_336 iter_args(%scan3A_406 = %scan3A_330, %scan3A_407 = %scan3A_331, %scan3A_408 = %scan3A_332) -> (i32, i32, i32)  : i32 {
        %sub3A_409 = arith.constant 15 : i32
        %sub3A_410 = arith.subi %sub3A_409, %scan3A_405 : i32
        %mul3A_411 = arith.constant 16 : i32
        %mul3A_412 = arith.muli %sub3A_410, %mul3A_411 : i32
        %get3A = arith.index_cast %mul3A_412 : i32 to index
        %get3A_413 = tpu.vector_load %arg9[%get3A] {strides = array<i32>} : memref<256xi32, #tpu.memory_space<vmem>>, vector<16xi32>,
        %reduce_sum3A = arith.constant true
        %reduce_sum3A_414 = vector.broadcast %reduce_sum3A : i1 to vector<16xi1>
        %reduce_sum3A_415 = tpu.scan <sum>, %get3A_413 masked %reduce_sum3A_414 : vector<16xi32>, vector<16xi1> -> vector<16xi32>
        %reduce_sum3A_416 = vector.extract %reduce_sum3A_415[15] : i32 from vector<16xi32>
        %add3A_417 = arith.addi %scan3A_406, %reduce_sum3A_416 : i32
        %lt3A_418 = arith.cmpi slt, %scan3A_406, %scan3A_329 : i32
        %ge3A_419 = arith.cmpi sge, %add3A_417, %scan3A_329 : i32
        %and3A = arith.andi %lt3A_418, %ge3A_419 : i1
        %select_n3A = arith.select %and3A, %sub3A_410, %scan3A_407 : i32
        %select_n3A_420 = arith.select %and3A, %scan3A_406, %scan3A_408 : i32
        scf.yield %add3A_417, %select_n3A, %select_n3A_420 : i32, i32, i32
      }
      %scan3A_338 = arith.constant 16 : i32
      %scan3A_339 = arith.constant 256 : i32
      %scan3A_340 = arith.constant 0 : i32
      %scan3A_341 = arith.constant 0 : i32
      %scan3A_342 = arith.constant 0 : i32
      %scan3A_343 = arith.constant 16 : i32
      %scan3A_344 = arith.addi %scan3A_342, %scan3A_343 : i32
      %scan3A_345 = arith.constant 1 : i32
      %scan3A_346:3 = scf.for %scan3A_405 = %scan3A_342 to %scan3A_344 step %scan3A_345 iter_args(%scan3A_406 = %scan3A_337#2, %scan3A_407 = %scan3A_340, %scan3A_408 = %scan3A_341) -> (i32, i32, i32)  : i32 {
        %mul3A_409 = arith.constant 16 : i32
        %mul3A_410 = arith.muli %scan3A_337#1, %mul3A_409 : i32
        %add3A_411 = arith.constant 15 : i32
        %add3A_412 = arith.addi %mul3A_410, %add3A_411 : i32
        %sub3A_413 = arith.subi %add3A_412, %scan3A_405 : i32
        %mul3A_414 = arith.constant 16 : i32
        %mul3A_415 = arith.muli %sub3A_413, %mul3A_414 : i32
        %get3A = arith.index_cast %mul3A_415 : i32 to index
        %get3A_416 = tpu.vector_load %arg8[%get3A] {strides = array<i32>} : memref<4096xi32, #tpu.memory_space<vmem>>, vector<16xi32>,
        %reduce_sum3A = arith.constant true
        %reduce_sum3A_417 = vector.broadcast %reduce_sum3A : i1 to vector<16xi1>
        %reduce_sum3A_418 = tpu.scan <sum>, %get3A_416 masked %reduce_sum3A_417 : vector<16xi32>, vector<16xi1> -> vector<16xi32>
        %reduce_sum3A_419 = vector.extract %reduce_sum3A_418[15] : i32 from vector<16xi32>
        %add3A_420 = arith.addi %scan3A_406, %reduce_sum3A_419 : i32
        %lt3A_421 = arith.cmpi slt, %scan3A_406, %scan3A_339 : i32
        %ge3A_422 = arith.cmpi sge, %add3A_420, %scan3A_339 : i32
        %and3A = arith.andi %lt3A_421, %ge3A_422 : i1
        %select_n3A = arith.select %and3A, %sub3A_413, %scan3A_407 : i32
        %select_n3A_423 = arith.select %and3A, %scan3A_406, %scan3A_408 : i32
        scf.yield %add3A_420, %select_n3A, %select_n3A_423 : i32, i32, i32
      }
      %scan3A_347 = arith.constant 16 : i32
      %scan3A_348 = arith.constant 0 : i32
      %scan3A_349 = arith.constant 0 : i32
      %scan3A_350 = arith.constant 64 : i32
      %scan3A_351 = arith.addi %scan3A_349, %scan3A_350 : i32
      %scan3A_352 = arith.constant 1 : i32
      %scan3A_353 = scf.for %scan3A_405 = %scan3A_349 to %scan3A_351 step %scan3A_352 iter_args(%scan3A_406 = %scan3A_348) -> (i32)  : i32 {
        %mul3A_407 = arith.constant 2 : i32
        %mul3A_408 = arith.muli %scan3A_405, %mul3A_407 : i32
        %add3A_409 = arith.constant 0 : i32
        %add3A_410 = arith.addi %mul3A_408, %add3A_409 : i32
        %mul3A_411 = arith.constant 16 : i32
        %mul3A_412 = arith.muli %add3A_410, %mul3A_411 : i32
        %get3A = arith.index_cast %mul3A_412 : i32 to index
        %get3A_413 = tpu.vector_load %arg7[%get3A] {strides = array<i32>} : memref<2048xi32, #tpu.memory_space<vmem>>, vector<16xi32>,
        %shift_right_arithmetic3A = arith.constant 24 : i32
        %shift_right_arithmetic3A_414 = vector.broadcast %shift_right_arithmetic3A : i32 to vector<16xi32>
        %shift_right_arithmetic3A_415 = arith.shrsi %get3A_413, %shift_right_arithmetic3A_414 : vector<16xi32>
        %add3A_416 = arith.constant 128 : i32
        %add3A_417 = vector.broadcast %add3A_416 : i32 to vector<16xi32>
        %add3A_418 = arith.addi %shift_right_arithmetic3A_415, %add3A_417 : vector<16xi32>
        %eq3A = vector.broadcast %scan3A_346#1 : i32 to vector<16xi32>
        %eq3A_419 = arith.cmpi eq, %add3A_418, %eq3A : vector<16xi32>
        %shift_right_arithmetic3A_420 = arith.constant 16 : i32
        %shift_right_arithmetic3A_421 = vector.broadcast %shift_right_arithmetic3A_420 : i32 to vector<16xi32>
        %shift_right_arithmetic3A_422 = arith.shrsi %get3A_413, %shift_right_arithmetic3A_421 : vector<16xi32>
        %and3A = arith.constant 255 : i32
        %and3A_423 = vector.broadcast %and3A : i32 to vector<16xi32>
        %and3A_424 = arith.andi %shift_right_arithmetic3A_422, %and3A_423 : vector<16xi32>
        %mul3A_425 = arith.constant 16 : i32
        %mul3A_426 = vector.broadcast %mul3A_425 : i32 to vector<16xi32>
        %mul3A_427 = arith.muli %and3A_424, %mul3A_426 : vector<16xi32>
        %add3A_428 = arith.addi %mul3A_427, %iota3A : vector<16xi32>
        tpu.vector_store_idx %arg10[%add3A_428], %broadcast_in_dim3A_3 masked %eq3A_419 {add = true} : memref<4096xi32, #tpu.memory_space<vmem>>[vector<16xi32>], vector<16xi32>, vector<16xi1>
        %shift_right_logical3A = arith.constant 4 : i32
        %shift_right_logical3A_429 = vector.broadcast %shift_right_logical3A : i32 to vector<16xi32>
        %shift_right_logical3A_430 = arith.shrui %and3A_424, %shift_right_logical3A_429 : vector<16xi32>
        %mul3A_431 = arith.constant 16 : i32
        %mul3A_432 = vector.broadcast %mul3A_431 : i32 to vector<16xi32>
        %mul3A_433 = arith.muli %shift_right_logical3A_430, %mul3A_432 : vector<16xi32>
        %add3A_434 = arith.addi %mul3A_433, %iota3A : vector<16xi32>
        tpu.vector_store_idx %arg11[%add3A_434], %broadcast_in_dim3A_3 masked %eq3A_419 {add = true} : memref<256xi32, #tpu.memory_space<vmem>>[vector<16xi32>], vector<16xi32>, vector<16xi1>
        %mul3A_435 = arith.constant 2 : i32
        %mul3A_436 = arith.muli %scan3A_405, %mul3A_435 : i32
        %add3A_437 = arith.constant 1 : i32
        %add3A_438 = arith.addi %mul3A_436, %add3A_437 : i32
        %mul3A_439 = arith.constant 16 : i32
        %mul3A_440 = arith.muli %add3A_438, %mul3A_439 : i32
        %get3A_441 = arith.index_cast %mul3A_440 : i32 to index
        %get3A_442 = tpu.vector_load %arg7[%get3A_441] {strides = array<i32>} : memref<2048xi32, #tpu.memory_space<vmem>>, vector<16xi32>,
        %shift_right_arithmetic3A_443 = arith.constant 24 : i32
        %shift_right_arithmetic3A_444 = vector.broadcast %shift_right_arithmetic3A_443 : i32 to vector<16xi32>
        %shift_right_arithmetic3A_445 = arith.shrsi %get3A_442, %shift_right_arithmetic3A_444 : vector<16xi32>
        %add3A_446 = arith.constant 128 : i32
        %add3A_447 = vector.broadcast %add3A_446 : i32 to vector<16xi32>
        %add3A_448 = arith.addi %shift_right_arithmetic3A_445, %add3A_447 : vector<16xi32>
        %eq3A_449 = vector.broadcast %scan3A_346#1 : i32 to vector<16xi32>
        %eq3A_450 = arith.cmpi eq, %add3A_448, %eq3A_449 : vector<16xi32>
        %shift_right_arithmetic3A_451 = arith.constant 16 : i32
        %shift_right_arithmetic3A_452 = vector.broadcast %shift_right_arithmetic3A_451 : i32 to vector<16xi32>
        %shift_right_arithmetic3A_453 = arith.shrsi %get3A_442, %shift_right_arithmetic3A_452 : vector<16xi32>
        %and3A_454 = arith.constant 255 : i32
        %and3A_455 = vector.broadcast %and3A_454 : i32 to vector<16xi32>
        %and3A_456 = arith.andi %shift_right_arithmetic3A_453, %and3A_455 : vector<16xi32>
        %mul3A_457 = arith.constant 16 : i32
        %mul3A_458 = vector.broadcast %mul3A_457 : i32 to vector<16xi32>
        %mul3A_459 = arith.muli %and3A_456, %mul3A_458 : vector<16xi32>
        %add3A_460 = arith.addi %mul3A_459, %iota3A : vector<16xi32>
        tpu.vector_store_idx %arg10[%add3A_460], %broadcast_in_dim3A_3 masked %eq3A_450 {add = true} : memref<4096xi32, #tpu.memory_space<vmem>>[vector<16xi32>], vector<16xi32>, vector<16xi1>
        %shift_right_logical3A_461 = arith.constant 4 : i32
        %shift_right_logical3A_462 = vector.broadcast %shift_right_logical3A_461 : i32 to vector<16xi32>
        %shift_right_logical3A_463 = arith.shrui %and3A_456, %shift_right_logical3A_462 : vector<16xi32>
        %mul3A_464 = arith.constant 16 : i32
        %mul3A_465 = vector.broadcast %mul3A_464 : i32 to vector<16xi32>
        %mul3A_466 = arith.muli %shift_right_logical3A_463, %mul3A_465 : vector<16xi32>
        %add3A_467 = arith.addi %mul3A_466, %iota3A : vector<16xi32>
        tpu.vector_store_idx %arg11[%add3A_467], %broadcast_in_dim3A_3 masked %eq3A_450 {add = true} : memref<256xi32, #tpu.memory_space<vmem>>[vector<16xi32>], vector<16xi32>, vector<16xi1>
        %scan3A_468 = arith.constant 0 : i32
        scf.yield %scan3A_468 : i32
      }
      %scan3A_354 = arith.constant 64 : i32
      %sub3A_355 = arith.constant 256 : i32
      %sub3A_356 = arith.subi %sub3A_355, %scan3A_346#2 : i32
      %scan3A_357 = arith.constant 0 : i32
      %scan3A_358 = arith.constant 0 : i32
      %scan3A_359 = arith.constant 0 : i32
      %scan3A_360 = arith.constant 0 : i32
      %scan3A_361 = arith.constant 16 : i32
      %scan3A_362 = arith.addi %scan3A_360, %scan3A_361 : i32
      %scan3A_363 = arith.constant 1 : i32
      %scan3A_364:3 = scf.for %scan3A_405 = %scan3A_360 to %scan3A_362 step %scan3A_363 iter_args(%scan3A_406 = %scan3A_357, %scan3A_407 = %scan3A_358, %scan3A_408 = %scan3A_359) -> (i32, i32, i32)  : i32 {
        %sub3A_409 = arith.constant 15 : i32
        %sub3A_410 = arith.subi %sub3A_409, %scan3A_405 : i32
        %mul3A_411 = arith.constant 16 : i32
        %mul3A_412 = arith.muli %sub3A_410, %mul3A_411 : i32
        %get3A = arith.index_cast %mul3A_412 : i32 to index
        %get3A_413 = tpu.vector_load %arg11[%get3A] {strides = array<i32>} : memref<256xi32, #tpu.memory_space<vmem>>, vector<16xi32>,
        %reduce_sum3A = arith.constant true
        %reduce_sum3A_414 = vector.broadcast %reduce_sum3A : i1 to vector<16xi1>
        %reduce_sum3A_415 = tpu.scan <sum>, %get3A_413 masked %reduce_sum3A_414 : vector<16xi32>, vector<16xi1> -> vector<16xi32>
        %reduce_sum3A_416 = vector.extract %reduce_sum3A_415[15] : i32 from vector<16xi32>
        %add3A_417 = arith.addi %scan3A_406, %reduce_sum3A_416 : i32
        %lt3A_418 = arith.cmpi slt, %scan3A_406, %sub3A_356 : i32
        %ge3A_419 = arith.cmpi sge, %add3A_417, %sub3A_356 : i32
        %and3A = arith.andi %lt3A_418, %ge3A_419 : i1
        %select_n3A = arith.select %and3A, %sub3A_410, %scan3A_407 : i32
        %select_n3A_420 = arith.select %and3A, %scan3A_406, %scan3A_408 : i32
        scf.yield %add3A_417, %select_n3A, %select_n3A_420 : i32, i32, i32
      }
      %scan3A_365 = arith.constant 16 : i32
      %scan3A_366 = arith.constant 0 : i32
      %scan3A_367 = arith.constant 0 : i32
      %scan3A_368 = arith.constant 0 : i32
      %scan3A_369 = arith.constant 16 : i32
      %scan3A_370 = arith.addi %scan3A_368, %scan3A_369 : i32
      %scan3A_371 = arith.constant 1 : i32
      %scan3A_372:3 = scf.for %scan3A_405 = %scan3A_368 to %scan3A_370 step %scan3A_371 iter_args(%scan3A_406 = %scan3A_364#2, %scan3A_407 = %scan3A_366, %scan3A_408 = %scan3A_367) -> (i32, i32, i32)  : i32 {
        %mul3A_409 = arith.constant 16 : i32
        %mul3A_410 = arith.muli %scan3A_364#1, %mul3A_409 : i32
        %add3A_411 = arith.constant 15 : i32
        %add3A_412 = arith.addi %mul3A_410, %add3A_411 : i32
        %sub3A_413 = arith.subi %add3A_412, %scan3A_405 : i32
        %mul3A_414 = arith.constant 16 : i32
        %mul3A_415 = arith.muli %sub3A_413, %mul3A_414 : i32
        %get3A = arith.index_cast %mul3A_415 : i32 to index
        %get3A_416 = tpu.vector_load %arg10[%get3A] {strides = array<i32>} : memref<4096xi32, #tpu.memory_space<vmem>>, vector<16xi32>,
        %reduce_sum3A = arith.constant true
        %reduce_sum3A_417 = vector.broadcast %reduce_sum3A : i1 to vector<16xi1>
        %reduce_sum3A_418 = tpu.scan <sum>, %get3A_416 masked %reduce_sum3A_417 : vector<16xi32>, vector<16xi1> -> vector<16xi32>
        %reduce_sum3A_419 = vector.extract %reduce_sum3A_418[15] : i32 from vector<16xi32>
        %add3A_420 = arith.addi %scan3A_406, %reduce_sum3A_419 : i32
        %lt3A_421 = arith.cmpi slt, %scan3A_406, %sub3A_356 : i32
        %ge3A_422 = arith.cmpi sge, %add3A_420, %sub3A_356 : i32
        %and3A = arith.andi %lt3A_421, %ge3A_422 : i1
        %select_n3A = arith.select %and3A, %sub3A_413, %scan3A_407 : i32
        %select_n3A_423 = arith.select %and3A, %scan3A_406, %scan3A_408 : i32
        scf.yield %add3A_420, %select_n3A, %select_n3A_423 : i32, i32, i32
      }
      %scan3A_373 = arith.constant 16 : i32
      %sub3A_374 = arith.constant 128 : i32
      %sub3A_375 = arith.subi %scan3A_346#1, %sub3A_374 : i32
      %shift_left3A_376 = arith.constant 24 : i32
      %shift_left3A_377 = arith.shli %sub3A_375, %shift_left3A_376 : i32
      %shift_left3A_378 = arith.constant 16 : i32
      %shift_left3A_379 = arith.shli %scan3A_372#1, %shift_left3A_378 : i32
      %add3A_380 = arith.addi %shift_left3A_377, %shift_left3A_379 : i32
      %scan3A_381 = arith.constant 0 : i32
      %scan3A_382 = arith.constant 0 : i32
      %scan3A_383 = arith.constant 64 : i32
      %scan3A_384 = arith.addi %scan3A_382, %scan3A_383 : i32
      %scan3A_385 = arith.constant 1 : i32
      %scan3A_386 = scf.for %scan3A_405 = %scan3A_382 to %scan3A_384 step %scan3A_385 iter_args(%scan3A_406 = %scan3A_381) -> (i32)  : i32 {
        %mul3A_407 = arith.constant 2 : i32
        %mul3A_408 = arith.muli %scan3A_405, %mul3A_407 : i32
        %add3A_409 = arith.constant 0 : i32
        %add3A_410 = arith.addi %mul3A_408, %add3A_409 : i32
        %mul3A_411 = arith.constant 16 : i32
        %mul3A_412 = arith.muli %add3A_410, %mul3A_411 : i32
        %get3A = arith.index_cast %mul3A_412 : i32 to index
        %get3A_413 = tpu.vector_load %arg7[%get3A] {strides = array<i32>} : memref<2048xi32, #tpu.memory_space<vmem>>, vector<16xi32>,
        %ge3A_414 = vector.broadcast %add3A_380 : i32 to vector<16xi32>
        %ge3A_415 = arith.cmpi sge, %get3A_413, %ge3A_414 : vector<16xi32>
        %jit3A = arith.constant 1 : i32
        %jit3A_416 = arith.constant 0 : i32
        %broadcast_in_dim3A_417 = vector.broadcast %jit3A : i32 to vector<16xi32>
        %broadcast_in_dim3A_418 = vector.broadcast %jit3A_416 : i32 to vector<16xi32>
        %select_n3A = arith.select %ge3A_415, %broadcast_in_dim3A_417, %broadcast_in_dim3A_418 : vector<16xi1>, vector<16xi32>
        %broadcast_in_dim3A_419 = arith.constant true
        %broadcast_in_dim3A_420 = vector.broadcast %broadcast_in_dim3A_419 : i1 to vector<16xi1>
        %masked_cumsum3A = tpu.scan <sum>, %select_n3A masked %broadcast_in_dim3A_420 : vector<16xi32>, vector<16xi1> -> vector<16xi32>
        %add3A_421 = vector.broadcast %scan3A_406 : i32 to vector<16xi32>
        %add3A_422 = arith.addi %add3A_421, %masked_cumsum3A : vector<16xi32>
        %sub3A_423 = arith.constant 1 : i32
        %sub3A_424 = vector.broadcast %sub3A_423 : i32 to vector<16xi32>
        %sub3A_425 = arith.subi %add3A_422, %sub3A_424 : vector<16xi32>
        %max3A = arith.constant 0 : i32
        %max3A_426 = vector.broadcast %max3A : i32 to vector<16xi32>
        %max3A_427 = arith.maxsi %sub3A_425, %max3A_426 : vector<16xi32>
        %lt3A_428 = arith.constant 272 : i32
        %lt3A_429 = vector.broadcast %lt3A_428 : i32 to vector<16xi32>
        %lt3A_430 = arith.cmpi slt, %max3A_427, %lt3A_429 : vector<16xi32>
        %and3A = arith.andi %ge3A_415, %lt3A_430 : vector<16xi1>
        tpu.vector_store_idx %arg14[%max3A_427], %get3A_413 masked %and3A : memref<288xi32, #tpu.memory_space<vmem>>[vector<16xi32>], vector<16xi32>, vector<16xi1>
        %add3A_431 = vector.broadcast %mul3A_412 : i32 to vector<16xi32>
        %add3A_432 = arith.addi %add3A_431, %iota3A : vector<16xi32>
        tpu.vector_store_idx %arg15[%max3A_427], %add3A_432 masked %and3A : memref<288xi32, #tpu.memory_space<vmem>>[vector<16xi32>], vector<16xi32>, vector<16xi1>
        %reduce_max3A = arith.constant true
        %reduce_max3A_433 = vector.broadcast %reduce_max3A : i1 to vector<16xi1>
        %reduce_max3A_434 = arith.constant -2147483648 : i32
        %reduce_max3A_435 = vector.broadcast %reduce_max3A_434 : i32 to vector<16xi32>
        %reduce_max3A_436 = arith.xori %masked_cumsum3A, %reduce_max3A_435 : vector<16xi32>
        %reduce_max3A_437 = tpu.scan <max>, %reduce_max3A_436 masked %reduce_max3A_433 : vector<16xi32>, vector<16xi1> -> vector<16xi32>
        %reduce_max3A_438 = arith.xori %reduce_max3A_437, %reduce_max3A_435 : vector<16xi32>
        %reduce_max3A_439 = vector.extract %reduce_max3A_438[15] : i32 from vector<16xi32>
        %add3A_440 = arith.addi %scan3A_406, %reduce_max3A_439 : i32
        %min3A = arith.constant 272 : i32
        %min3A_441 = arith.minsi %add3A_440, %min3A : i32
        %mul3A_442 = arith.constant 2 : i32
        %mul3A_443 = arith.muli %scan3A_405, %mul3A_442 : i32
        %add3A_444 = arith.constant 1 : i32
        %add3A_445 = arith.addi %mul3A_443, %add3A_444 : i32
        %mul3A_446 = arith.constant 16 : i32
        %mul3A_447 = arith.muli %add3A_445, %mul3A_446 : i32
        %get3A_448 = arith.index_cast %mul3A_447 : i32 to index
        %get3A_449 = tpu.vector_load %arg7[%get3A_448] {strides = array<i32>} : memref<2048xi32, #tpu.memory_space<vmem>>, vector<16xi32>,
        %ge3A_450 = vector.broadcast %add3A_380 : i32 to vector<16xi32>
        %ge3A_451 = arith.cmpi sge, %get3A_449, %ge3A_450 : vector<16xi32>
        %jit3A_452 = arith.constant 1 : i32
        %jit3A_453 = arith.constant 0 : i32
        %broadcast_in_dim3A_454 = vector.broadcast %jit3A_452 : i32 to vector<16xi32>
        %broadcast_in_dim3A_455 = vector.broadcast %jit3A_453 : i32 to vector<16xi32>
        %select_n3A_456 = arith.select %ge3A_451, %broadcast_in_dim3A_454, %broadcast_in_dim3A_455 : vector<16xi1>, vector<16xi32>
        %broadcast_in_dim3A_457 = arith.constant true
        %broadcast_in_dim3A_458 = vector.broadcast %broadcast_in_dim3A_457 : i1 to vector<16xi1>
        %masked_cumsum3A_459 = tpu.scan <sum>, %select_n3A_456 masked %broadcast_in_dim3A_458 : vector<16xi32>, vector<16xi1> -> vector<16xi32>
        %add3A_460 = vector.broadcast %min3A_441 : i32 to vector<16xi32>
        %add3A_461 = arith.addi %add3A_460, %masked_cumsum3A_459 : vector<16xi32>
        %sub3A_462 = arith.constant 1 : i32
        %sub3A_463 = vector.broadcast %sub3A_462 : i32 to vector<16xi32>
        %sub3A_464 = arith.subi %add3A_461, %sub3A_463 : vector<16xi32>
        %max3A_465 = arith.constant 0 : i32
        %max3A_466 = vector.broadcast %max3A_465 : i32 to vector<16xi32>
        %max3A_467 = arith.maxsi %sub3A_464, %max3A_466 : vector<16xi32>
        %lt3A_468 = arith.constant 272 : i32
        %lt3A_469 = vector.broadcast %lt3A_468 : i32 to vector<16xi32>
        %lt3A_470 = arith.cmpi slt, %max3A_467, %lt3A_469 : vector<16xi32>
        %and3A_471 = arith.andi %ge3A_451, %lt3A_470 : vector<16xi1>
        tpu.vector_store_idx %arg14[%max3A_467], %get3A_449 masked %and3A_471 : memref<288xi32, #tpu.memory_space<vmem>>[vector<16xi32>], vector<16xi32>, vector<16xi1>
        %add3A_472 = vector.broadcast %mul3A_447 : i32 to vector<16xi32>
        %add3A_473 = arith.addi %add3A_472, %iota3A : vector<16xi32>
        tpu.vector_store_idx %arg15[%max3A_467], %add3A_473 masked %and3A_471 : memref<288xi32, #tpu.memory_space<vmem>>[vector<16xi32>], vector<16xi32>, vector<16xi1>
        %reduce_max3A_474 = arith.constant true
        %reduce_max3A_475 = vector.broadcast %reduce_max3A_474 : i1 to vector<16xi1>
        %reduce_max3A_476 = arith.constant -2147483648 : i32
        %reduce_max3A_477 = vector.broadcast %reduce_max3A_476 : i32 to vector<16xi32>
        %reduce_max3A_478 = arith.xori %masked_cumsum3A_459, %reduce_max3A_477 : vector<16xi32>
        %reduce_max3A_479 = tpu.scan <max>, %reduce_max3A_478 masked %reduce_max3A_475 : vector<16xi32>, vector<16xi1> -> vector<16xi32>
        %reduce_max3A_480 = arith.xori %reduce_max3A_479, %reduce_max3A_477 : vector<16xi32>
        %reduce_max3A_481 = vector.extract %reduce_max3A_480[15] : i32 from vector<16xi32>
        %add3A_482 = arith.addi %min3A_441, %reduce_max3A_481 : i32
        %min3A_483 = arith.constant 272 : i32
        %min3A_484 = arith.minsi %add3A_482, %min3A_483 : i32
        scf.yield %min3A_484 : i32
      }
      %scan3A_387 = arith.constant 64 : i32
      %mul3A_388 = arith.constant 272 : i32
      %mul3A_389 = arith.muli %add3A_60, %mul3A_388 : i32
      %dma_start3A_390 = arith.constant 0 : i32
      %dma_start3A_391 = tpu.memref_slice %arg14[%dma_start3A_390] : memref<288xi32, #tpu.memory_space<vmem>> -> memref<272xi32, #tpu.memory_space<vmem>>
      %dma_start3A_392 = tpu.memref_slice %arg3[%mul3A_389] : memref<557056xi32, #tpu.memory_space<hbm>> -> memref<272xi32, #tpu.memory_space<hbm>>
      %dma_start3A_393 = tpu.memref_slice %arg3[%mul3A_389] : memref<557056xi32, #tpu.memory_space<hbm>> -> memref<272xi32, #tpu.memory_space<hbm>>
      %dma_start3A_394 = arith.constant 0 : i32
      %dma_start3A_395 = tpu.memref_slice %arg14[%dma_start3A_394] : memref<288xi32, #tpu.memory_space<vmem>> -> memref<272xi32, #tpu.memory_space<vmem>>
      tpu.enqueue_dma source(%dma_start3A_395 : memref<272xi32, #tpu.memory_space<vmem>>) target(%dma_start3A_393 : memref<272xi32, #tpu.memory_space<hbm>>) target_semaphore(%arg19 : memref<!tpu.dma_semaphore, #tpu.memory_space<semaphore_mem>>)
      %mul3A_396 = arith.constant 272 : i32
      %mul3A_397 = arith.muli %add3A_60, %mul3A_396 : i32
      %dma_start3A_398 = arith.constant 0 : i32
      %dma_start3A_399 = tpu.memref_slice %arg15[%dma_start3A_398] : memref<288xi32, #tpu.memory_space<vmem>> -> memref<272xi32, #tpu.memory_space<vmem>>
      %dma_start3A_400 = tpu.memref_slice %arg4[%mul3A_397] : memref<557056xi32, #tpu.memory_space<hbm>> -> memref<272xi32, #tpu.memory_space<hbm>>
      %dma_start3A_401 = tpu.memref_slice %arg4[%mul3A_397] : memref<557056xi32, #tpu.memory_space<hbm>> -> memref<272xi32, #tpu.memory_space<hbm>>
      %dma_start3A_402 = arith.constant 0 : i32
      %dma_start3A_403 = tpu.memref_slice %arg15[%dma_start3A_402] : memref<288xi32, #tpu.memory_space<vmem>> -> memref<272xi32, #tpu.memory_space<vmem>>
      tpu.enqueue_dma source(%dma_start3A_403 : memref<272xi32, #tpu.memory_space<vmem>>) target(%dma_start3A_401 : memref<272xi32, #tpu.memory_space<hbm>>) target_semaphore(%arg19 : memref<!tpu.dma_semaphore, #tpu.memory_space<semaphore_mem>>)
      %scan3A_404 = arith.constant 0 : i32
      scf.yield %scan3A_404 : i32
    }
    %scan3A_15 = arith.constant 32 : i32
    %add3A_16 = arith.constant 64 : i32
    %add3A_17 = arith.addi %mul3A_2, %add3A_16 : i32
    %sub3A = arith.constant 2 : i32
    %sub3A_18 = arith.subi %add3A_17, %sub3A : i32
    %mul3A_19 = arith.constant 272 : i32
    %mul3A_20 = arith.muli %sub3A_18, %mul3A_19 : i32
    %dma_wait3A = arith.constant 0 : i32
    %dma_wait3A_21 = tpu.memref_slice %arg12[%dma_wait3A] : memref<288xi32, #tpu.memory_space<vmem>> -> memref<272xi32, #tpu.memory_space<vmem>>
    %dma_wait3A_22 = tpu.memref_slice %arg3[%mul3A_20] : memref<557056xi32, #tpu.memory_space<hbm>> -> memref<272xi32, #tpu.memory_space<hbm>>
    %dma_wait3A_23 = tpu.memref_slice %arg3[%mul3A_20] : memref<557056xi32, #tpu.memory_space<hbm>> -> memref<272xi32, #tpu.memory_space<hbm>>
    %dma_wait3A_24 = arith.constant 0 : i32
    %dma_wait3A_25 = tpu.memref_slice %arg12[%dma_wait3A_24] : memref<288xi32, #tpu.memory_space<vmem>> -> memref<272xi32, #tpu.memory_space<vmem>>
    tpu.wait_dma2 semaphore(%arg18 : memref<!tpu.dma_semaphore, #tpu.memory_space<semaphore_mem>>) src(%dma_wait3A_25 : memref<272xi32, #tpu.memory_space<vmem>>) dst(%dma_wait3A_23 : memref<272xi32, #tpu.memory_space<hbm>>)
    %mul3A_26 = arith.constant 272 : i32
    %mul3A_27 = arith.muli %sub3A_18, %mul3A_26 : i32
    %dma_wait3A_28 = arith.constant 0 : i32
    %dma_wait3A_29 = tpu.memref_slice %arg13[%dma_wait3A_28] : memref<288xi32, #tpu.memory_space<vmem>> -> memref<272xi32, #tpu.memory_space<vmem>>
    %dma_wait3A_30 = tpu.memref_slice %arg4[%mul3A_27] : memref<557056xi32, #tpu.memory_space<hbm>> -> memref<272xi32, #tpu.memory_space<hbm>>
    %dma_wait3A_31 = tpu.memref_slice %arg4[%mul3A_27] : memref<557056xi32, #tpu.memory_space<hbm>> -> memref<272xi32, #tpu.memory_space<hbm>>
    %dma_wait3A_32 = arith.constant 0 : i32
    %dma_wait3A_33 = tpu.memref_slice %arg13[%dma_wait3A_32] : memref<288xi32, #tpu.memory_space<vmem>> -> memref<272xi32, #tpu.memory_space<vmem>>
    tpu.wait_dma2 semaphore(%arg18 : memref<!tpu.dma_semaphore, #tpu.memory_space<semaphore_mem>>) src(%dma_wait3A_33 : memref<272xi32, #tpu.memory_space<vmem>>) dst(%dma_wait3A_31 : memref<272xi32, #tpu.memory_space<hbm>>)
    %add3A_34 = arith.constant 1 : i32
    %add3A_35 = arith.addi %sub3A_18, %add3A_34 : i32
    %mul3A_36 = arith.constant 272 : i32
    %mul3A_37 = arith.muli %add3A_35, %mul3A_36 : i32
    %dma_wait3A_38 = arith.constant 0 : i32
    %dma_wait3A_39 = tpu.memref_slice %arg14[%dma_wait3A_38] : memref<288xi32, #tpu.memory_space<vmem>> -> memref<272xi32, #tpu.memory_space<vmem>>
    %dma_wait3A_40 = tpu.memref_slice %arg3[%mul3A_37] : memref<557056xi32, #tpu.memory_space<hbm>> -> memref<272xi32, #tpu.memory_space<hbm>>
    %dma_wait3A_41 = tpu.memref_slice %arg3[%mul3A_37] : memref<557056xi32, #tpu.memory_space<hbm>> -> memref<272xi32, #tpu.memory_space<hbm>>
    %dma_wait3A_42 = arith.constant 0 : i32
    %dma_wait3A_43 = tpu.memref_slice %arg14[%dma_wait3A_42] : memref<288xi32, #tpu.memory_space<vmem>> -> memref<272xi32, #tpu.memory_space<vmem>>
    tpu.wait_dma2 semaphore(%arg19 : memref<!tpu.dma_semaphore, #tpu.memory_space<semaphore_mem>>) src(%dma_wait3A_43 : memref<272xi32, #tpu.memory_space<vmem>>) dst(%dma_wait3A_41 : memref<272xi32, #tpu.memory_space<hbm>>)
    %add3A_44 = arith.constant 1 : i32
    %add3A_45 = arith.addi %sub3A_18, %add3A_44 : i32
    %mul3A_46 = arith.constant 272 : i32
    %mul3A_47 = arith.muli %add3A_45, %mul3A_46 : i32
    %dma_wait3A_48 = arith.constant 0 : i32
    %dma_wait3A_49 = tpu.memref_slice %arg15[%dma_wait3A_48] : memref<288xi32, #tpu.memory_space<vmem>> -> memref<272xi32, #tpu.memory_space<vmem>>
    %dma_wait3A_50 = tpu.memref_slice %arg4[%mul3A_47] : memref<557056xi32, #tpu.memory_space<hbm>> -> memref<272xi32, #tpu.memory_space<hbm>>
    %dma_wait3A_51 = tpu.memref_slice %arg4[%mul3A_47] : memref<557056xi32, #tpu.memory_space<hbm>> -> memref<272xi32, #tpu.memory_space<hbm>>
    %dma_wait3A_52 = arith.constant 0 : i32
    %dma_wait3A_53 = tpu.memref_slice %arg15[%dma_wait3A_52] : memref<288xi32, #tpu.memory_space<vmem>> -> memref<272xi32, #tpu.memory_space<vmem>>
    tpu.wait_dma2 semaphore(%arg19 : memref<!tpu.dma_semaphore, #tpu.memory_space<semaphore_mem>>) src(%dma_wait3A_53 : memref<272xi32, #tpu.memory_space<vmem>>) dst(%dma_wait3A_51 : memref<272xi32, #tpu.memory_space<hbm>>)
    return
  }
}

module attributes {stable_mosaic.version = 14 : i64} {
  func.func @_qprep_body(%arg0: i32, %arg1: memref<256x512xf32, #tpu.memory_space<vmem>>, %arg2: memref<256x64xf32, #tpu.memory_space<vmem>>, %arg3: memref<512x2048xbf16, #tpu.memory_space<vmem>>, %arg4: memref<128x128xbf16, #tpu.memory_space<vmem>>, %arg5: memref<256x2048xf32, #tpu.memory_space<vmem>>) attributes {dimension_semantics = [#tpu.dimension_semantics<arbitrary>], iteration_bounds = array<i64: 8>, scalar_prefetch = 0 : i64, scratch_operands = 0 : i64, tpu.core_type = #tpu.core_type<tc>, window_params = [{transform_indices = @transform_0, window_bounds = array<i64: 256, 512>}, {transform_indices = @transform_1, window_bounds = array<i64: 256, 64>}, {pipeline_mode = #tpu.pipeline_mode<synchronous>, transform_indices = @transform_2, window_bounds = array<i64: 512, 2048>}, {pipeline_mode = #tpu.pipeline_mode<synchronous>, transform_indices = @transform_3, window_bounds = array<i64: 128, 128>}, {transform_indices = @transform_4, window_bounds = array<i64: 256, 2048>}]} {
    %get3A = arith.constant 0 : index
    %get3A_0 = arith.constant 0 : index
    %get3A_1 = vector.load %arg1[%get3A, %get3A_0] : memref<256x512xf32, #tpu.memory_space<vmem>>, vector<256x512xf32>
    %convert_element_type3A = arith.truncf %get3A_1 : vector<256x512xf32> to vector<256x512xbf16>
    %get3A_2 = arith.constant 0 : index
    %get3A_3 = arith.constant 0 : index
    %get3A_4 = vector.load %arg3[%get3A_2, %get3A_3] : memref<512x2048xbf16, #tpu.memory_space<vmem>>, vector<512x2048xbf16>
    %dot_general3A = arith.constant dense<0.000000e+00> : vector<256x2048xf32>
    %dot_general3A_5 = tpu.matmul %convert_element_type3A, %get3A_4, %dot_general3A {dimension_numbers = #tpu.dot_dimension_numbers<[1], [0], [0], [1], [0, 0, 1, 1], [], []>, transpose_lhs_hint = false} : vector<256x512xbf16>, vector<512x2048xbf16>, vector<256x2048xf32> -> vector<256x2048xf32>
    %get3A_6 = arith.constant 0 : index
    %get3A_7 = arith.constant 0 : index
    %get3A_8 = vector.load %arg2[%get3A_6, %get3A_7] : memref<256x64xf32, #tpu.memory_space<vmem>>, vector<256x64xf32>
    %broadcast_in_dim3A = arith.constant 1.000000e+00 : f32
    %broadcast_in_dim3A_9 = vector.broadcast %broadcast_in_dim3A : f32 to vector<256x64xf32>
    %concatenate3A = tpu.concatenate %get3A_8, %broadcast_in_dim3A_9 in 1 : vector<256x64xf32>, vector<256x64xf32> -> vector<256x128xf32>
    %slice3A = vector.extract_strided_slice %dot_general3A_5 {offsets = [0, 0], sizes = [256, 128], strides = [1, 1]} : vector<256x2048xf32> to vector<256x128xf32>
    %mul3A = arith.mulf %slice3A, %concatenate3A : vector<256x128xf32>
    %convert_element_type3A_10 = arith.truncf %mul3A : vector<256x128xf32> to vector<256x128xbf16>
    %get3A_11 = arith.constant 0 : index
    %get3A_12 = arith.constant 0 : index
    %get3A_13 = vector.load %arg4[%get3A_11, %get3A_12] : memref<128x128xbf16, #tpu.memory_space<vmem>>, vector<128x128xbf16>
    %dot_general3A_14 = arith.constant dense<0.000000e+00> : vector<256x128xf32>
    %dot_general3A_15 = tpu.matmul %convert_element_type3A_10, %get3A_13, %dot_general3A_14 {dimension_numbers = #tpu.dot_dimension_numbers<[1], [0], [0], [1], [0, 0, 1, 1], [], []>, transpose_lhs_hint = false} : vector<256x128xbf16>, vector<128x128xbf16>, vector<256x128xf32> -> vector<256x128xf32>
    %swap3A = arith.constant 0 : index
    %swap3A_16 = arith.constant 0 : index
    %swap3A_17 = vector.load %arg5[%swap3A, %swap3A_16] : memref<256x2048xf32, #tpu.memory_space<vmem>>, vector<256x128xf32>
    tpu.vector_store %arg5[%swap3A, %swap3A_16], %dot_general3A_15 {strides = array<i32>} : memref<256x2048xf32, #tpu.memory_space<vmem>>, vector<256x128xf32>,
    %slice3A_18 = vector.extract_strided_slice %dot_general3A_5 {offsets = [0, 128], sizes = [256, 128], strides = [1, 1]} : vector<256x2048xf32> to vector<256x128xf32>
    %mul3A_19 = arith.mulf %slice3A_18, %concatenate3A : vector<256x128xf32>
    %convert_element_type3A_20 = arith.truncf %mul3A_19 : vector<256x128xf32> to vector<256x128xbf16>
    %get3A_21 = arith.constant 0 : index
    %get3A_22 = arith.constant 0 : index
    %get3A_23 = vector.load %arg4[%get3A_21, %get3A_22] : memref<128x128xbf16, #tpu.memory_space<vmem>>, vector<128x128xbf16>
    %dot_general3A_24 = arith.constant dense<0.000000e+00> : vector<256x128xf32>
    %dot_general3A_25 = tpu.matmul %convert_element_type3A_20, %get3A_23, %dot_general3A_24 {dimension_numbers = #tpu.dot_dimension_numbers<[1], [0], [0], [1], [0, 0, 1, 1], [], []>, transpose_lhs_hint = false} : vector<256x128xbf16>, vector<128x128xbf16>, vector<256x128xf32> -> vector<256x128xf32>
    %swap3A_26 = arith.constant 0 : index
    %swap3A_27 = arith.constant 128 : index
    %swap3A_28 = vector.load %arg5[%swap3A_26, %swap3A_27] : memref<256x2048xf32, #tpu.memory_space<vmem>>, vector<256x128xf32>
    tpu.vector_store %arg5[%swap3A_26, %swap3A_27], %dot_general3A_25 {strides = array<i32>} : memref<256x2048xf32, #tpu.memory_space<vmem>>, vector<256x128xf32>,
    %slice3A_29 = vector.extract_strided_slice %dot_general3A_5 {offsets = [0, 256], sizes = [256, 128], strides = [1, 1]} : vector<256x2048xf32> to vector<256x128xf32>
    %mul3A_30 = arith.mulf %slice3A_29, %concatenate3A : vector<256x128xf32>
    %convert_element_type3A_31 = arith.truncf %mul3A_30 : vector<256x128xf32> to vector<256x128xbf16>
    %get3A_32 = arith.constant 0 : index
    %get3A_33 = arith.constant 0 : index
    %get3A_34 = vector.load %arg4[%get3A_32, %get3A_33] : memref<128x128xbf16, #tpu.memory_space<vmem>>, vector<128x128xbf16>
    %dot_general3A_35 = arith.constant dense<0.000000e+00> : vector<256x128xf32>
    %dot_general3A_36 = tpu.matmul %convert_element_type3A_31, %get3A_34, %dot_general3A_35 {dimension_numbers = #tpu.dot_dimension_numbers<[1], [0], [0], [1], [0, 0, 1, 1], [], []>, transpose_lhs_hint = false} : vector<256x128xbf16>, vector<128x128xbf16>, vector<256x128xf32> -> vector<256x128xf32>
    %swap3A_37 = arith.constant 0 : index
    %swap3A_38 = arith.constant 256 : index
    %swap3A_39 = vector.load %arg5[%swap3A_37, %swap3A_38] : memref<256x2048xf32, #tpu.memory_space<vmem>>, vector<256x128xf32>
    tpu.vector_store %arg5[%swap3A_37, %swap3A_38], %dot_general3A_36 {strides = array<i32>} : memref<256x2048xf32, #tpu.memory_space<vmem>>, vector<256x128xf32>,
    %slice3A_40 = vector.extract_strided_slice %dot_general3A_5 {offsets = [0, 384], sizes = [256, 128], strides = [1, 1]} : vector<256x2048xf32> to vector<256x128xf32>
    %mul3A_41 = arith.mulf %slice3A_40, %concatenate3A : vector<256x128xf32>
    %convert_element_type3A_42 = arith.truncf %mul3A_41 : vector<256x128xf32> to vector<256x128xbf16>
    %get3A_43 = arith.constant 0 : index
    %get3A_44 = arith.constant 0 : index
    %get3A_45 = vector.load %arg4[%get3A_43, %get3A_44] : memref<128x128xbf16, #tpu.memory_space<vmem>>, vector<128x128xbf16>
    %dot_general3A_46 = arith.constant dense<0.000000e+00> : vector<256x128xf32>
    %dot_general3A_47 = tpu.matmul %convert_element_type3A_42, %get3A_45, %dot_general3A_46 {dimension_numbers = #tpu.dot_dimension_numbers<[1], [0], [0], [1], [0, 0, 1, 1], [], []>, transpose_lhs_hint = false} : vector<256x128xbf16>, vector<128x128xbf16>, vector<256x128xf32> -> vector<256x128xf32>
    %swap3A_48 = arith.constant 0 : index
    %swap3A_49 = arith.constant 384 : index
    %swap3A_50 = vector.load %arg5[%swap3A_48, %swap3A_49] : memref<256x2048xf32, #tpu.memory_space<vmem>>, vector<256x128xf32>
    tpu.vector_store %arg5[%swap3A_48, %swap3A_49], %dot_general3A_47 {strides = array<i32>} : memref<256x2048xf32, #tpu.memory_space<vmem>>, vector<256x128xf32>,
    %slice3A_51 = vector.extract_strided_slice %dot_general3A_5 {offsets = [0, 512], sizes = [256, 128], strides = [1, 1]} : vector<256x2048xf32> to vector<256x128xf32>
    %mul3A_52 = arith.mulf %slice3A_51, %concatenate3A : vector<256x128xf32>
    %convert_element_type3A_53 = arith.truncf %mul3A_52 : vector<256x128xf32> to vector<256x128xbf16>
    %get3A_54 = arith.constant 0 : index
    %get3A_55 = arith.constant 0 : index
    %get3A_56 = vector.load %arg4[%get3A_54, %get3A_55] : memref<128x128xbf16, #tpu.memory_space<vmem>>, vector<128x128xbf16>
    %dot_general3A_57 = arith.constant dense<0.000000e+00> : vector<256x128xf32>
    %dot_general3A_58 = tpu.matmul %convert_element_type3A_53, %get3A_56, %dot_general3A_57 {dimension_numbers = #tpu.dot_dimension_numbers<[1], [0], [0], [1], [0, 0, 1, 1], [], []>, transpose_lhs_hint = false} : vector<256x128xbf16>, vector<128x128xbf16>, vector<256x128xf32> -> vector<256x128xf32>
    %swap3A_59 = arith.constant 0 : index
    %swap3A_60 = arith.constant 512 : index
    %swap3A_61 = vector.load %arg5[%swap3A_59, %swap3A_60] : memref<256x2048xf32, #tpu.memory_space<vmem>>, vector<256x128xf32>
    tpu.vector_store %arg5[%swap3A_59, %swap3A_60], %dot_general3A_58 {strides = array<i32>} : memref<256x2048xf32, #tpu.memory_space<vmem>>, vector<256x128xf32>,
    %slice3A_62 = vector.extract_strided_slice %dot_general3A_5 {offsets = [0, 640], sizes = [256, 128], strides = [1, 1]} : vector<256x2048xf32> to vector<256x128xf32>
    %mul3A_63 = arith.mulf %slice3A_62, %concatenate3A : vector<256x128xf32>
    %convert_element_type3A_64 = arith.truncf %mul3A_63 : vector<256x128xf32> to vector<256x128xbf16>
    %get3A_65 = arith.constant 0 : index
    %get3A_66 = arith.constant 0 : index
    %get3A_67 = vector.load %arg4[%get3A_65, %get3A_66] : memref<128x128xbf16, #tpu.memory_space<vmem>>, vector<128x128xbf16>
    %dot_general3A_68 = arith.constant dense<0.000000e+00> : vector<256x128xf32>
    %dot_general3A_69 = tpu.matmul %convert_element_type3A_64, %get3A_67, %dot_general3A_68 {dimension_numbers = #tpu.dot_dimension_numbers<[1], [0], [0], [1], [0, 0, 1, 1], [], []>, transpose_lhs_hint = false} : vector<256x128xbf16>, vector<128x128xbf16>, vector<256x128xf32> -> vector<256x128xf32>
    %swap3A_70 = arith.constant 0 : index
    %swap3A_71 = arith.constant 640 : index
    %swap3A_72 = vector.load %arg5[%swap3A_70, %swap3A_71] : memref<256x2048xf32, #tpu.memory_space<vmem>>, vector<256x128xf32>
    tpu.vector_store %arg5[%swap3A_70, %swap3A_71], %dot_general3A_69 {strides = array<i32>} : memref<256x2048xf32, #tpu.memory_space<vmem>>, vector<256x128xf32>,
    %slice3A_73 = vector.extract_strided_slice %dot_general3A_5 {offsets = [0, 768], sizes = [256, 128], strides = [1, 1]} : vector<256x2048xf32> to vector<256x128xf32>
    %mul3A_74 = arith.mulf %slice3A_73, %concatenate3A : vector<256x128xf32>
    %convert_element_type3A_75 = arith.truncf %mul3A_74 : vector<256x128xf32> to vector<256x128xbf16>
    %get3A_76 = arith.constant 0 : index
    %get3A_77 = arith.constant 0 : index
    %get3A_78 = vector.load %arg4[%get3A_76, %get3A_77] : memref<128x128xbf16, #tpu.memory_space<vmem>>, vector<128x128xbf16>
    %dot_general3A_79 = arith.constant dense<0.000000e+00> : vector<256x128xf32>
    %dot_general3A_80 = tpu.matmul %convert_element_type3A_75, %get3A_78, %dot_general3A_79 {dimension_numbers = #tpu.dot_dimension_numbers<[1], [0], [0], [1], [0, 0, 1, 1], [], []>, transpose_lhs_hint = false} : vector<256x128xbf16>, vector<128x128xbf16>, vector<256x128xf32> -> vector<256x128xf32>
    %swap3A_81 = arith.constant 0 : index
    %swap3A_82 = arith.constant 768 : index
    %swap3A_83 = vector.load %arg5[%swap3A_81, %swap3A_82] : memref<256x2048xf32, #tpu.memory_space<vmem>>, vector<256x128xf32>
    tpu.vector_store %arg5[%swap3A_81, %swap3A_82], %dot_general3A_80 {strides = array<i32>} : memref<256x2048xf32, #tpu.memory_space<vmem>>, vector<256x128xf32>,
    %slice3A_84 = vector.extract_strided_slice %dot_general3A_5 {offsets = [0, 896], sizes = [256, 128], strides = [1, 1]} : vector<256x2048xf32> to vector<256x128xf32>
    %mul3A_85 = arith.mulf %slice3A_84, %concatenate3A : vector<256x128xf32>
    %convert_element_type3A_86 = arith.truncf %mul3A_85 : vector<256x128xf32> to vector<256x128xbf16>
    %get3A_87 = arith.constant 0 : index
    %get3A_88 = arith.constant 0 : index
    %get3A_89 = vector.load %arg4[%get3A_87, %get3A_88] : memref<128x128xbf16, #tpu.memory_space<vmem>>, vector<128x128xbf16>
    %dot_general3A_90 = arith.constant dense<0.000000e+00> : vector<256x128xf32>
    %dot_general3A_91 = tpu.matmul %convert_element_type3A_86, %get3A_89, %dot_general3A_90 {dimension_numbers = #tpu.dot_dimension_numbers<[1], [0], [0], [1], [0, 0, 1, 1], [], []>, transpose_lhs_hint = false} : vector<256x128xbf16>, vector<128x128xbf16>, vector<256x128xf32> -> vector<256x128xf32>
    %swap3A_92 = arith.constant 0 : index
    %swap3A_93 = arith.constant 896 : index
    %swap3A_94 = vector.load %arg5[%swap3A_92, %swap3A_93] : memref<256x2048xf32, #tpu.memory_space<vmem>>, vector<256x128xf32>
    tpu.vector_store %arg5[%swap3A_92, %swap3A_93], %dot_general3A_91 {strides = array<i32>} : memref<256x2048xf32, #tpu.memory_space<vmem>>, vector<256x128xf32>,
    %slice3A_95 = vector.extract_strided_slice %dot_general3A_5 {offsets = [0, 1024], sizes = [256, 128], strides = [1, 1]} : vector<256x2048xf32> to vector<256x128xf32>
    %mul3A_96 = arith.mulf %slice3A_95, %concatenate3A : vector<256x128xf32>
    %convert_element_type3A_97 = arith.truncf %mul3A_96 : vector<256x128xf32> to vector<256x128xbf16>
    %get3A_98 = arith.constant 0 : index
    %get3A_99 = arith.constant 0 : index
    %get3A_100 = vector.load %arg4[%get3A_98, %get3A_99] : memref<128x128xbf16, #tpu.memory_space<vmem>>, vector<128x128xbf16>
    %dot_general3A_101 = arith.constant dense<0.000000e+00> : vector<256x128xf32>
    %dot_general3A_102 = tpu.matmul %convert_element_type3A_97, %get3A_100, %dot_general3A_101 {dimension_numbers = #tpu.dot_dimension_numbers<[1], [0], [0], [1], [0, 0, 1, 1], [], []>, transpose_lhs_hint = false} : vector<256x128xbf16>, vector<128x128xbf16>, vector<256x128xf32> -> vector<256x128xf32>
    %swap3A_103 = arith.constant 0 : index
    %swap3A_104 = arith.constant 1024 : index
    %swap3A_105 = vector.load %arg5[%swap3A_103, %swap3A_104] : memref<256x2048xf32, #tpu.memory_space<vmem>>, vector<256x128xf32>
    tpu.vector_store %arg5[%swap3A_103, %swap3A_104], %dot_general3A_102 {strides = array<i32>} : memref<256x2048xf32, #tpu.memory_space<vmem>>, vector<256x128xf32>,
    %slice3A_106 = vector.extract_strided_slice %dot_general3A_5 {offsets = [0, 1152], sizes = [256, 128], strides = [1, 1]} : vector<256x2048xf32> to vector<256x128xf32>
    %mul3A_107 = arith.mulf %slice3A_106, %concatenate3A : vector<256x128xf32>
    %convert_element_type3A_108 = arith.truncf %mul3A_107 : vector<256x128xf32> to vector<256x128xbf16>
    %get3A_109 = arith.constant 0 : index
    %get3A_110 = arith.constant 0 : index
    %get3A_111 = vector.load %arg4[%get3A_109, %get3A_110] : memref<128x128xbf16, #tpu.memory_space<vmem>>, vector<128x128xbf16>
    %dot_general3A_112 = arith.constant dense<0.000000e+00> : vector<256x128xf32>
    %dot_general3A_113 = tpu.matmul %convert_element_type3A_108, %get3A_111, %dot_general3A_112 {dimension_numbers = #tpu.dot_dimension_numbers<[1], [0], [0], [1], [0, 0, 1, 1], [], []>, transpose_lhs_hint = false} : vector<256x128xbf16>, vector<128x128xbf16>, vector<256x128xf32> -> vector<256x128xf32>
    %swap3A_114 = arith.constant 0 : index
    %swap3A_115 = arith.constant 1152 : index
    %swap3A_116 = vector.load %arg5[%swap3A_114, %swap3A_115] : memref<256x2048xf32, #tpu.memory_space<vmem>>, vector<256x128xf32>
    tpu.vector_store %arg5[%swap3A_114, %swap3A_115], %dot_general3A_113 {strides = array<i32>} : memref<256x2048xf32, #tpu.memory_space<vmem>>, vector<256x128xf32>,
    %slice3A_117 = vector.extract_strided_slice %dot_general3A_5 {offsets = [0, 1280], sizes = [256, 128], strides = [1, 1]} : vector<256x2048xf32> to vector<256x128xf32>
    %mul3A_118 = arith.mulf %slice3A_117, %concatenate3A : vector<256x128xf32>
    %convert_element_type3A_119 = arith.truncf %mul3A_118 : vector<256x128xf32> to vector<256x128xbf16>
    %get3A_120 = arith.constant 0 : index
    %get3A_121 = arith.constant 0 : index
    %get3A_122 = vector.load %arg4[%get3A_120, %get3A_121] : memref<128x128xbf16, #tpu.memory_space<vmem>>, vector<128x128xbf16>
    %dot_general3A_123 = arith.constant dense<0.000000e+00> : vector<256x128xf32>
    %dot_general3A_124 = tpu.matmul %convert_element_type3A_119, %get3A_122, %dot_general3A_123 {dimension_numbers = #tpu.dot_dimension_numbers<[1], [0], [0], [1], [0, 0, 1, 1], [], []>, transpose_lhs_hint = false} : vector<256x128xbf16>, vector<128x128xbf16>, vector<256x128xf32> -> vector<256x128xf32>
    %swap3A_125 = arith.constant 0 : index
    %swap3A_126 = arith.constant 1280 : index
    %swap3A_127 = vector.load %arg5[%swap3A_125, %swap3A_126] : memref<256x2048xf32, #tpu.memory_space<vmem>>, vector<256x128xf32>
    tpu.vector_store %arg5[%swap3A_125, %swap3A_126], %dot_general3A_124 {strides = array<i32>} : memref<256x2048xf32, #tpu.memory_space<vmem>>, vector<256x128xf32>,
    %slice3A_128 = vector.extract_strided_slice %dot_general3A_5 {offsets = [0, 1408], sizes = [256, 128], strides = [1, 1]} : vector<256x2048xf32> to vector<256x128xf32>
    %mul3A_129 = arith.mulf %slice3A_128, %concatenate3A : vector<256x128xf32>
    %convert_element_type3A_130 = arith.truncf %mul3A_129 : vector<256x128xf32> to vector<256x128xbf16>
    %get3A_131 = arith.constant 0 : index
    %get3A_132 = arith.constant 0 : index
    %get3A_133 = vector.load %arg4[%get3A_131, %get3A_132] : memref<128x128xbf16, #tpu.memory_space<vmem>>, vector<128x128xbf16>
    %dot_general3A_134 = arith.constant dense<0.000000e+00> : vector<256x128xf32>
    %dot_general3A_135 = tpu.matmul %convert_element_type3A_130, %get3A_133, %dot_general3A_134 {dimension_numbers = #tpu.dot_dimension_numbers<[1], [0], [0], [1], [0, 0, 1, 1], [], []>, transpose_lhs_hint = false} : vector<256x128xbf16>, vector<128x128xbf16>, vector<256x128xf32> -> vector<256x128xf32>
    %swap3A_136 = arith.constant 0 : index
    %swap3A_137 = arith.constant 1408 : index
    %swap3A_138 = vector.load %arg5[%swap3A_136, %swap3A_137] : memref<256x2048xf32, #tpu.memory_space<vmem>>, vector<256x128xf32>
    tpu.vector_store %arg5[%swap3A_136, %swap3A_137], %dot_general3A_135 {strides = array<i32>} : memref<256x2048xf32, #tpu.memory_space<vmem>>, vector<256x128xf32>,
    %slice3A_139 = vector.extract_strided_slice %dot_general3A_5 {offsets = [0, 1536], sizes = [256, 128], strides = [1, 1]} : vector<256x2048xf32> to vector<256x128xf32>
    %mul3A_140 = arith.mulf %slice3A_139, %concatenate3A : vector<256x128xf32>
    %convert_element_type3A_141 = arith.truncf %mul3A_140 : vector<256x128xf32> to vector<256x128xbf16>
    %get3A_142 = arith.constant 0 : index
    %get3A_143 = arith.constant 0 : index
    %get3A_144 = vector.load %arg4[%get3A_142, %get3A_143] : memref<128x128xbf16, #tpu.memory_space<vmem>>, vector<128x128xbf16>
    %dot_general3A_145 = arith.constant dense<0.000000e+00> : vector<256x128xf32>
    %dot_general3A_146 = tpu.matmul %convert_element_type3A_141, %get3A_144, %dot_general3A_145 {dimension_numbers = #tpu.dot_dimension_numbers<[1], [0], [0], [1], [0, 0, 1, 1], [], []>, transpose_lhs_hint = false} : vector<256x128xbf16>, vector<128x128xbf16>, vector<256x128xf32> -> vector<256x128xf32>
    %swap3A_147 = arith.constant 0 : index
    %swap3A_148 = arith.constant 1536 : index
    %swap3A_149 = vector.load %arg5[%swap3A_147, %swap3A_148] : memref<256x2048xf32, #tpu.memory_space<vmem>>, vector<256x128xf32>
    tpu.vector_store %arg5[%swap3A_147, %swap3A_148], %dot_general3A_146 {strides = array<i32>} : memref<256x2048xf32, #tpu.memory_space<vmem>>, vector<256x128xf32>,
    %slice3A_150 = vector.extract_strided_slice %dot_general3A_5 {offsets = [0, 1664], sizes = [256, 128], strides = [1, 1]} : vector<256x2048xf32> to vector<256x128xf32>
    %mul3A_151 = arith.mulf %slice3A_150, %concatenate3A : vector<256x128xf32>
    %convert_element_type3A_152 = arith.truncf %mul3A_151 : vector<256x128xf32> to vector<256x128xbf16>
    %get3A_153 = arith.constant 0 : index
    %get3A_154 = arith.constant 0 : index
    %get3A_155 = vector.load %arg4[%get3A_153, %get3A_154] : memref<128x128xbf16, #tpu.memory_space<vmem>>, vector<128x128xbf16>
    %dot_general3A_156 = arith.constant dense<0.000000e+00> : vector<256x128xf32>
    %dot_general3A_157 = tpu.matmul %convert_element_type3A_152, %get3A_155, %dot_general3A_156 {dimension_numbers = #tpu.dot_dimension_numbers<[1], [0], [0], [1], [0, 0, 1, 1], [], []>, transpose_lhs_hint = false} : vector<256x128xbf16>, vector<128x128xbf16>, vector<256x128xf32> -> vector<256x128xf32>
    %swap3A_158 = arith.constant 0 : index
    %swap3A_159 = arith.constant 1664 : index
    %swap3A_160 = vector.load %arg5[%swap3A_158, %swap3A_159] : memref<256x2048xf32, #tpu.memory_space<vmem>>, vector<256x128xf32>
    tpu.vector_store %arg5[%swap3A_158, %swap3A_159], %dot_general3A_157 {strides = array<i32>} : memref<256x2048xf32, #tpu.memory_space<vmem>>, vector<256x128xf32>,
    %slice3A_161 = vector.extract_strided_slice %dot_general3A_5 {offsets = [0, 1792], sizes = [256, 128], strides = [1, 1]} : vector<256x2048xf32> to vector<256x128xf32>
    %mul3A_162 = arith.mulf %slice3A_161, %concatenate3A : vector<256x128xf32>
    %convert_element_type3A_163 = arith.truncf %mul3A_162 : vector<256x128xf32> to vector<256x128xbf16>
    %get3A_164 = arith.constant 0 : index
    %get3A_165 = arith.constant 0 : index
    %get3A_166 = vector.load %arg4[%get3A_164, %get3A_165] : memref<128x128xbf16, #tpu.memory_space<vmem>>, vector<128x128xbf16>
    %dot_general3A_167 = arith.constant dense<0.000000e+00> : vector<256x128xf32>
    %dot_general3A_168 = tpu.matmul %convert_element_type3A_163, %get3A_166, %dot_general3A_167 {dimension_numbers = #tpu.dot_dimension_numbers<[1], [0], [0], [1], [0, 0, 1, 1], [], []>, transpose_lhs_hint = false} : vector<256x128xbf16>, vector<128x128xbf16>, vector<256x128xf32> -> vector<256x128xf32>
    %swap3A_169 = arith.constant 0 : index
    %swap3A_170 = arith.constant 1792 : index
    %swap3A_171 = vector.load %arg5[%swap3A_169, %swap3A_170] : memref<256x2048xf32, #tpu.memory_space<vmem>>, vector<256x128xf32>
    tpu.vector_store %arg5[%swap3A_169, %swap3A_170], %dot_general3A_168 {strides = array<i32>} : memref<256x2048xf32, #tpu.memory_space<vmem>>, vector<256x128xf32>,
    %slice3A_172 = vector.extract_strided_slice %dot_general3A_5 {offsets = [0, 1920], sizes = [256, 128], strides = [1, 1]} : vector<256x2048xf32> to vector<256x128xf32>
    %mul3A_173 = arith.mulf %slice3A_172, %concatenate3A : vector<256x128xf32>
    %convert_element_type3A_174 = arith.truncf %mul3A_173 : vector<256x128xf32> to vector<256x128xbf16>
    %get3A_175 = arith.constant 0 : index
    %get3A_176 = arith.constant 0 : index
    %get3A_177 = vector.load %arg4[%get3A_175, %get3A_176] : memref<128x128xbf16, #tpu.memory_space<vmem>>, vector<128x128xbf16>
    %dot_general3A_178 = arith.constant dense<0.000000e+00> : vector<256x128xf32>
    %dot_general3A_179 = tpu.matmul %convert_element_type3A_174, %get3A_177, %dot_general3A_178 {dimension_numbers = #tpu.dot_dimension_numbers<[1], [0], [0], [1], [0, 0, 1, 1], [], []>, transpose_lhs_hint = false} : vector<256x128xbf16>, vector<128x128xbf16>, vector<256x128xf32> -> vector<256x128xf32>
    %swap3A_180 = arith.constant 0 : index
    %swap3A_181 = arith.constant 1920 : index
    %swap3A_182 = vector.load %arg5[%swap3A_180, %swap3A_181] : memref<256x2048xf32, #tpu.memory_space<vmem>>, vector<256x128xf32>
    tpu.vector_store %arg5[%swap3A_180, %swap3A_181], %dot_general3A_179 {strides = array<i32>} : memref<256x2048xf32, #tpu.memory_space<vmem>>, vector<256x128xf32>,
    return
  }
  func.func @transform_0(%arg0: i32) -> (i32, i32) {
    %c0_i32 = arith.constant 0 : i32
    %c0_i32_0 = arith.constant 0 : i32
    return %arg0, %c0_i32 : i32, i32
  }
  func.func @transform_1(%arg0: i32) -> (i32, i32) {
    %c0_i32 = arith.constant 0 : i32
    %c0_i32_0 = arith.constant 0 : i32
    return %arg0, %c0_i32 : i32, i32
  }
  func.func @transform_2(%arg0: i32) -> (i32, i32) {
    %c0_i32 = arith.constant 0 : i32
    %c0_i32_0 = arith.constant 0 : i32
    %c0_i32_1 = arith.constant 0 : i32
    return %c0_i32, %c0_i32_0 : i32, i32
  }
  func.func @transform_3(%arg0: i32) -> (i32, i32) {
    %c0_i32 = arith.constant 0 : i32
    %c0_i32_0 = arith.constant 0 : i32
    %c0_i32_1 = arith.constant 0 : i32
    return %c0_i32, %c0_i32_0 : i32, i32
  }
  func.func @transform_4(%arg0: i32) -> (i32, i32) {
    %c0_i32 = arith.constant 0 : i32
    %c0_i32_0 = arith.constant 0 : i32
    return %arg0, %c0_i32 : i32, i32
  }
}

module attributes {stable_mosaic.version = 14 : i64} {
  func.func @_score_body(%arg0: i32, %arg1: memref<16x64x128xbf16, #tpu.memory_space<vmem>>, %arg2: memref<128x2048xbf16, #tpu.memory_space<vmem>>, %arg3: memref<64x16xf32, #tpu.memory_space<vmem>>, %arg4: memref<64x2048xf32, #tpu.memory_space<vmem>>) attributes {dimension_semantics = [#tpu.dimension_semantics<arbitrary>], iteration_bounds = array<i64: 32>, scalar_prefetch = 0 : i64, scratch_operands = 0 : i64, tpu.core_type = #tpu.core_type<tc>, window_params = [{transform_indices = @transform_0, window_bounds = array<i64: 16, 64, 128>}, {pipeline_mode = #tpu.pipeline_mode<synchronous>, transform_indices = @transform_1, window_bounds = array<i64: 128, 2048>}, {transform_indices = @transform_2, window_bounds = array<i64: 64, 16>}, {transform_indices = @transform_3, window_bounds = array<i64: 64, 2048>}]} {
    %get3A = arith.constant 0 : index
    %get3A_0 = arith.constant 0 : index
    %get3A_1 = vector.load %arg3[%get3A, %get3A_0] : memref<64x16xf32, #tpu.memory_space<vmem>>, vector<64x16xf32>
    %get3A_2 = arith.constant 0 : index
    %get3A_3 = arith.constant 0 : index
    %get3A_4 = arith.constant 0 : index
    %get3A_5 = vector.load %arg1[%get3A_2, %get3A_3, %get3A_4] : memref<16x64x128xbf16, #tpu.memory_space<vmem>>, vector<1x64x128xbf16>
    %get3A_6 = vector.shape_cast %get3A_5 : vector<1x64x128xbf16> to vector<64x128xbf16>
    %get3A_7 = arith.constant 0 : index
    %get3A_8 = arith.constant 0 : index
    %get3A_9 = vector.load %arg2[%get3A_7, %get3A_8] : memref<128x2048xbf16, #tpu.memory_space<vmem>>, vector<128x2048xbf16>
    %dot_general3A = arith.constant dense<0.000000e+00> : vector<64x2048xf32>
    %dot_general3A_10 = tpu.matmul %get3A_6, %get3A_9, %dot_general3A {dimension_numbers = #tpu.dot_dimension_numbers<[1], [0], [0], [1], [0, 0, 1, 1], [], []>, transpose_lhs_hint = false} : vector<64x128xbf16>, vector<128x2048xbf16>, vector<64x2048xf32> -> vector<64x2048xf32>
    %mul3A = arith.constant 0.0883883461 : f32
    %mul3A_11 = vector.broadcast %mul3A : f32 to vector<64x2048xf32>
    %mul3A_12 = arith.mulf %dot_general3A_10, %mul3A_11 : vector<64x2048xf32>
    %max3A = arith.constant 0.000000e+00 : f32
    %max3A_13 = vector.broadcast %max3A : f32 to vector<64x2048xf32>
    %max3A_14 = arith.maximumf %mul3A_12, %max3A_13 : vector<64x2048xf32>
    %slice3A = vector.extract_strided_slice %get3A_1 {offsets = [0, 0], sizes = [64, 1], strides = [1, 1]} : vector<64x16xf32> to vector<64x1xf32>
    %mul3A_15 = vector.broadcast %slice3A : vector<64x1xf32> to vector<64x2048xf32>
    %mul3A_16 = arith.mulf %max3A_14, %mul3A_15 : vector<64x2048xf32>
    %get3A_17 = arith.constant 1 : index
    %get3A_18 = arith.constant 0 : index
    %get3A_19 = arith.constant 0 : index
    %get3A_20 = vector.load %arg1[%get3A_17, %get3A_18, %get3A_19] : memref<16x64x128xbf16, #tpu.memory_space<vmem>>, vector<1x64x128xbf16>
    %get3A_21 = vector.shape_cast %get3A_20 : vector<1x64x128xbf16> to vector<64x128xbf16>
    %get3A_22 = arith.constant 0 : index
    %get3A_23 = arith.constant 0 : index
    %get3A_24 = vector.load %arg2[%get3A_22, %get3A_23] : memref<128x2048xbf16, #tpu.memory_space<vmem>>, vector<128x2048xbf16>
    %dot_general3A_25 = arith.constant dense<0.000000e+00> : vector<64x2048xf32>
    %dot_general3A_26 = tpu.matmul %get3A_21, %get3A_24, %dot_general3A_25 {dimension_numbers = #tpu.dot_dimension_numbers<[1], [0], [0], [1], [0, 0, 1, 1], [], []>, transpose_lhs_hint = false} : vector<64x128xbf16>, vector<128x2048xbf16>, vector<64x2048xf32> -> vector<64x2048xf32>
    %mul3A_27 = arith.constant 0.0883883461 : f32
    %mul3A_28 = vector.broadcast %mul3A_27 : f32 to vector<64x2048xf32>
    %mul3A_29 = arith.mulf %dot_general3A_26, %mul3A_28 : vector<64x2048xf32>
    %max3A_30 = arith.constant 0.000000e+00 : f32
    %max3A_31 = vector.broadcast %max3A_30 : f32 to vector<64x2048xf32>
    %max3A_32 = arith.maximumf %mul3A_29, %max3A_31 : vector<64x2048xf32>
    %slice3A_33 = vector.extract_strided_slice %get3A_1 {offsets = [0, 1], sizes = [64, 1], strides = [1, 1]} : vector<64x16xf32> to vector<64x1xf32>
    %mul3A_34 = vector.broadcast %slice3A_33 : vector<64x1xf32> to vector<64x2048xf32>
    %mul3A_35 = arith.mulf %max3A_32, %mul3A_34 : vector<64x2048xf32>
    %add3A = arith.addf %mul3A_16, %mul3A_35 : vector<64x2048xf32>
    %get3A_36 = arith.constant 2 : index
    %get3A_37 = arith.constant 0 : index
    %get3A_38 = arith.constant 0 : index
    %get3A_39 = vector.load %arg1[%get3A_36, %get3A_37, %get3A_38] : memref<16x64x128xbf16, #tpu.memory_space<vmem>>, vector<1x64x128xbf16>
    %get3A_40 = vector.shape_cast %get3A_39 : vector<1x64x128xbf16> to vector<64x128xbf16>
    %get3A_41 = arith.constant 0 : index
    %get3A_42 = arith.constant 0 : index
    %get3A_43 = vector.load %arg2[%get3A_41, %get3A_42] : memref<128x2048xbf16, #tpu.memory_space<vmem>>, vector<128x2048xbf16>
    %dot_general3A_44 = arith.constant dense<0.000000e+00> : vector<64x2048xf32>
    %dot_general3A_45 = tpu.matmul %get3A_40, %get3A_43, %dot_general3A_44 {dimension_numbers = #tpu.dot_dimension_numbers<[1], [0], [0], [1], [0, 0, 1, 1], [], []>, transpose_lhs_hint = false} : vector<64x128xbf16>, vector<128x2048xbf16>, vector<64x2048xf32> -> vector<64x2048xf32>
    %mul3A_46 = arith.constant 0.0883883461 : f32
    %mul3A_47 = vector.broadcast %mul3A_46 : f32 to vector<64x2048xf32>
    %mul3A_48 = arith.mulf %dot_general3A_45, %mul3A_47 : vector<64x2048xf32>
    %max3A_49 = arith.constant 0.000000e+00 : f32
    %max3A_50 = vector.broadcast %max3A_49 : f32 to vector<64x2048xf32>
    %max3A_51 = arith.maximumf %mul3A_48, %max3A_50 : vector<64x2048xf32>
    %slice3A_52 = vector.extract_strided_slice %get3A_1 {offsets = [0, 2], sizes = [64, 1], strides = [1, 1]} : vector<64x16xf32> to vector<64x1xf32>
    %mul3A_53 = vector.broadcast %slice3A_52 : vector<64x1xf32> to vector<64x2048xf32>
    %mul3A_54 = arith.mulf %max3A_51, %mul3A_53 : vector<64x2048xf32>
    %add3A_55 = arith.addf %add3A, %mul3A_54 : vector<64x2048xf32>
    %get3A_56 = arith.constant 3 : index
    %get3A_57 = arith.constant 0 : index
    %get3A_58 = arith.constant 0 : index
    %get3A_59 = vector.load %arg1[%get3A_56, %get3A_57, %get3A_58] : memref<16x64x128xbf16, #tpu.memory_space<vmem>>, vector<1x64x128xbf16>
    %get3A_60 = vector.shape_cast %get3A_59 : vector<1x64x128xbf16> to vector<64x128xbf16>
    %get3A_61 = arith.constant 0 : index
    %get3A_62 = arith.constant 0 : index
    %get3A_63 = vector.load %arg2[%get3A_61, %get3A_62] : memref<128x2048xbf16, #tpu.memory_space<vmem>>, vector<128x2048xbf16>
    %dot_general3A_64 = arith.constant dense<0.000000e+00> : vector<64x2048xf32>
    %dot_general3A_65 = tpu.matmul %get3A_60, %get3A_63, %dot_general3A_64 {dimension_numbers = #tpu.dot_dimension_numbers<[1], [0], [0], [1], [0, 0, 1, 1], [], []>, transpose_lhs_hint = false} : vector<64x128xbf16>, vector<128x2048xbf16>, vector<64x2048xf32> -> vector<64x2048xf32>
    %mul3A_66 = arith.constant 0.0883883461 : f32
    %mul3A_67 = vector.broadcast %mul3A_66 : f32 to vector<64x2048xf32>
    %mul3A_68 = arith.mulf %dot_general3A_65, %mul3A_67 : vector<64x2048xf32>
    %max3A_69 = arith.constant 0.000000e+00 : f32
    %max3A_70 = vector.broadcast %max3A_69 : f32 to vector<64x2048xf32>
    %max3A_71 = arith.maximumf %mul3A_68, %max3A_70 : vector<64x2048xf32>
    %slice3A_72 = vector.extract_strided_slice %get3A_1 {offsets = [0, 3], sizes = [64, 1], strides = [1, 1]} : vector<64x16xf32> to vector<64x1xf32>
    %mul3A_73 = vector.broadcast %slice3A_72 : vector<64x1xf32> to vector<64x2048xf32>
    %mul3A_74 = arith.mulf %max3A_71, %mul3A_73 : vector<64x2048xf32>
    %add3A_75 = arith.addf %add3A_55, %mul3A_74 : vector<64x2048xf32>
    %get3A_76 = arith.constant 4 : index
    %get3A_77 = arith.constant 0 : index
    %get3A_78 = arith.constant 0 : index
    %get3A_79 = vector.load %arg1[%get3A_76, %get3A_77, %get3A_78] : memref<16x64x128xbf16, #tpu.memory_space<vmem>>, vector<1x64x128xbf16>
    %get3A_80 = vector.shape_cast %get3A_79 : vector<1x64x128xbf16> to vector<64x128xbf16>
    %get3A_81 = arith.constant 0 : index
    %get3A_82 = arith.constant 0 : index
    %get3A_83 = vector.load %arg2[%get3A_81, %get3A_82] : memref<128x2048xbf16, #tpu.memory_space<vmem>>, vector<128x2048xbf16>
    %dot_general3A_84 = arith.constant dense<0.000000e+00> : vector<64x2048xf32>
    %dot_general3A_85 = tpu.matmul %get3A_80, %get3A_83, %dot_general3A_84 {dimension_numbers = #tpu.dot_dimension_numbers<[1], [0], [0], [1], [0, 0, 1, 1], [], []>, transpose_lhs_hint = false} : vector<64x128xbf16>, vector<128x2048xbf16>, vector<64x2048xf32> -> vector<64x2048xf32>
    %mul3A_86 = arith.constant 0.0883883461 : f32
    %mul3A_87 = vector.broadcast %mul3A_86 : f32 to vector<64x2048xf32>
    %mul3A_88 = arith.mulf %dot_general3A_85, %mul3A_87 : vector<64x2048xf32>
    %max3A_89 = arith.constant 0.000000e+00 : f32
    %max3A_90 = vector.broadcast %max3A_89 : f32 to vector<64x2048xf32>
    %max3A_91 = arith.maximumf %mul3A_88, %max3A_90 : vector<64x2048xf32>
    %slice3A_92 = vector.extract_strided_slice %get3A_1 {offsets = [0, 4], sizes = [64, 1], strides = [1, 1]} : vector<64x16xf32> to vector<64x1xf32>
    %mul3A_93 = vector.broadcast %slice3A_92 : vector<64x1xf32> to vector<64x2048xf32>
    %mul3A_94 = arith.mulf %max3A_91, %mul3A_93 : vector<64x2048xf32>
    %add3A_95 = arith.addf %add3A_75, %mul3A_94 : vector<64x2048xf32>
    %get3A_96 = arith.constant 5 : index
    %get3A_97 = arith.constant 0 : index
    %get3A_98 = arith.constant 0 : index
    %get3A_99 = vector.load %arg1[%get3A_96, %get3A_97, %get3A_98] : memref<16x64x128xbf16, #tpu.memory_space<vmem>>, vector<1x64x128xbf16>
    %get3A_100 = vector.shape_cast %get3A_99 : vector<1x64x128xbf16> to vector<64x128xbf16>
    %get3A_101 = arith.constant 0 : index
    %get3A_102 = arith.constant 0 : index
    %get3A_103 = vector.load %arg2[%get3A_101, %get3A_102] : memref<128x2048xbf16, #tpu.memory_space<vmem>>, vector<128x2048xbf16>
    %dot_general3A_104 = arith.constant dense<0.000000e+00> : vector<64x2048xf32>
    %dot_general3A_105 = tpu.matmul %get3A_100, %get3A_103, %dot_general3A_104 {dimension_numbers = #tpu.dot_dimension_numbers<[1], [0], [0], [1], [0, 0, 1, 1], [], []>, transpose_lhs_hint = false} : vector<64x128xbf16>, vector<128x2048xbf16>, vector<64x2048xf32> -> vector<64x2048xf32>
    %mul3A_106 = arith.constant 0.0883883461 : f32
    %mul3A_107 = vector.broadcast %mul3A_106 : f32 to vector<64x2048xf32>
    %mul3A_108 = arith.mulf %dot_general3A_105, %mul3A_107 : vector<64x2048xf32>
    %max3A_109 = arith.constant 0.000000e+00 : f32
    %max3A_110 = vector.broadcast %max3A_109 : f32 to vector<64x2048xf32>
    %max3A_111 = arith.maximumf %mul3A_108, %max3A_110 : vector<64x2048xf32>
    %slice3A_112 = vector.extract_strided_slice %get3A_1 {offsets = [0, 5], sizes = [64, 1], strides = [1, 1]} : vector<64x16xf32> to vector<64x1xf32>
    %mul3A_113 = vector.broadcast %slice3A_112 : vector<64x1xf32> to vector<64x2048xf32>
    %mul3A_114 = arith.mulf %max3A_111, %mul3A_113 : vector<64x2048xf32>
    %add3A_115 = arith.addf %add3A_95, %mul3A_114 : vector<64x2048xf32>
    %get3A_116 = arith.constant 6 : index
    %get3A_117 = arith.constant 0 : index
    %get3A_118 = arith.constant 0 : index
    %get3A_119 = vector.load %arg1[%get3A_116, %get3A_117, %get3A_118] : memref<16x64x128xbf16, #tpu.memory_space<vmem>>, vector<1x64x128xbf16>
    %get3A_120 = vector.shape_cast %get3A_119 : vector<1x64x128xbf16> to vector<64x128xbf16>
    %get3A_121 = arith.constant 0 : index
    %get3A_122 = arith.constant 0 : index
    %get3A_123 = vector.load %arg2[%get3A_121, %get3A_122] : memref<128x2048xbf16, #tpu.memory_space<vmem>>, vector<128x2048xbf16>
    %dot_general3A_124 = arith.constant dense<0.000000e+00> : vector<64x2048xf32>
    %dot_general3A_125 = tpu.matmul %get3A_120, %get3A_123, %dot_general3A_124 {dimension_numbers = #tpu.dot_dimension_numbers<[1], [0], [0], [1], [0, 0, 1, 1], [], []>, transpose_lhs_hint = false} : vector<64x128xbf16>, vector<128x2048xbf16>, vector<64x2048xf32> -> vector<64x2048xf32>
    %mul3A_126 = arith.constant 0.0883883461 : f32
    %mul3A_127 = vector.broadcast %mul3A_126 : f32 to vector<64x2048xf32>
    %mul3A_128 = arith.mulf %dot_general3A_125, %mul3A_127 : vector<64x2048xf32>
    %max3A_129 = arith.constant 0.000000e+00 : f32
    %max3A_130 = vector.broadcast %max3A_129 : f32 to vector<64x2048xf32>
    %max3A_131 = arith.maximumf %mul3A_128, %max3A_130 : vector<64x2048xf32>
    %slice3A_132 = vector.extract_strided_slice %get3A_1 {offsets = [0, 6], sizes = [64, 1], strides = [1, 1]} : vector<64x16xf32> to vector<64x1xf32>
    %mul3A_133 = vector.broadcast %slice3A_132 : vector<64x1xf32> to vector<64x2048xf32>
    %mul3A_134 = arith.mulf %max3A_131, %mul3A_133 : vector<64x2048xf32>
    %add3A_135 = arith.addf %add3A_115, %mul3A_134 : vector<64x2048xf32>
    %get3A_136 = arith.constant 7 : index
    %get3A_137 = arith.constant 0 : index
    %get3A_138 = arith.constant 0 : index
    %get3A_139 = vector.load %arg1[%get3A_136, %get3A_137, %get3A_138] : memref<16x64x128xbf16, #tpu.memory_space<vmem>>, vector<1x64x128xbf16>
    %get3A_140 = vector.shape_cast %get3A_139 : vector<1x64x128xbf16> to vector<64x128xbf16>
    %get3A_141 = arith.constant 0 : index
    %get3A_142 = arith.constant 0 : index
    %get3A_143 = vector.load %arg2[%get3A_141, %get3A_142] : memref<128x2048xbf16, #tpu.memory_space<vmem>>, vector<128x2048xbf16>
    %dot_general3A_144 = arith.constant dense<0.000000e+00> : vector<64x2048xf32>
    %dot_general3A_145 = tpu.matmul %get3A_140, %get3A_143, %dot_general3A_144 {dimension_numbers = #tpu.dot_dimension_numbers<[1], [0], [0], [1], [0, 0, 1, 1], [], []>, transpose_lhs_hint = false} : vector<64x128xbf16>, vector<128x2048xbf16>, vector<64x2048xf32> -> vector<64x2048xf32>
    %mul3A_146 = arith.constant 0.0883883461 : f32
    %mul3A_147 = vector.broadcast %mul3A_146 : f32 to vector<64x2048xf32>
    %mul3A_148 = arith.mulf %dot_general3A_145, %mul3A_147 : vector<64x2048xf32>
    %max3A_149 = arith.constant 0.000000e+00 : f32
    %max3A_150 = vector.broadcast %max3A_149 : f32 to vector<64x2048xf32>
    %max3A_151 = arith.maximumf %mul3A_148, %max3A_150 : vector<64x2048xf32>
    %slice3A_152 = vector.extract_strided_slice %get3A_1 {offsets = [0, 7], sizes = [64, 1], strides = [1, 1]} : vector<64x16xf32> to vector<64x1xf32>
    %mul3A_153 = vector.broadcast %slice3A_152 : vector<64x1xf32> to vector<64x2048xf32>
    %mul3A_154 = arith.mulf %max3A_151, %mul3A_153 : vector<64x2048xf32>
    %add3A_155 = arith.addf %add3A_135, %mul3A_154 : vector<64x2048xf32>
    %get3A_156 = arith.constant 8 : index
    %get3A_157 = arith.constant 0 : index
    %get3A_158 = arith.constant 0 : index
    %get3A_159 = vector.load %arg1[%get3A_156, %get3A_157, %get3A_158] : memref<16x64x128xbf16, #tpu.memory_space<vmem>>, vector<1x64x128xbf16>
    %get3A_160 = vector.shape_cast %get3A_159 : vector<1x64x128xbf16> to vector<64x128xbf16>
    %get3A_161 = arith.constant 0 : index
    %get3A_162 = arith.constant 0 : index
    %get3A_163 = vector.load %arg2[%get3A_161, %get3A_162] : memref<128x2048xbf16, #tpu.memory_space<vmem>>, vector<128x2048xbf16>
    %dot_general3A_164 = arith.constant dense<0.000000e+00> : vector<64x2048xf32>
    %dot_general3A_165 = tpu.matmul %get3A_160, %get3A_163, %dot_general3A_164 {dimension_numbers = #tpu.dot_dimension_numbers<[1], [0], [0], [1], [0, 0, 1, 1], [], []>, transpose_lhs_hint = false} : vector<64x128xbf16>, vector<128x2048xbf16>, vector<64x2048xf32> -> vector<64x2048xf32>
    %mul3A_166 = arith.constant 0.0883883461 : f32
    %mul3A_167 = vector.broadcast %mul3A_166 : f32 to vector<64x2048xf32>
    %mul3A_168 = arith.mulf %dot_general3A_165, %mul3A_167 : vector<64x2048xf32>
    %max3A_169 = arith.constant 0.000000e+00 : f32
    %max3A_170 = vector.broadcast %max3A_169 : f32 to vector<64x2048xf32>
    %max3A_171 = arith.maximumf %mul3A_168, %max3A_170 : vector<64x2048xf32>
    %slice3A_172 = vector.extract_strided_slice %get3A_1 {offsets = [0, 8], sizes = [64, 1], strides = [1, 1]} : vector<64x16xf32> to vector<64x1xf32>
    %mul3A_173 = vector.broadcast %slice3A_172 : vector<64x1xf32> to vector<64x2048xf32>
    %mul3A_174 = arith.mulf %max3A_171, %mul3A_173 : vector<64x2048xf32>
    %add3A_175 = arith.addf %add3A_155, %mul3A_174 : vector<64x2048xf32>
    %get3A_176 = arith.constant 9 : index
    %get3A_177 = arith.constant 0 : index
    %get3A_178 = arith.constant 0 : index
    %get3A_179 = vector.load %arg1[%get3A_176, %get3A_177, %get3A_178] : memref<16x64x128xbf16, #tpu.memory_space<vmem>>, vector<1x64x128xbf16>
    %get3A_180 = vector.shape_cast %get3A_179 : vector<1x64x128xbf16> to vector<64x128xbf16>
    %get3A_181 = arith.constant 0 : index
    %get3A_182 = arith.constant 0 : index
    %get3A_183 = vector.load %arg2[%get3A_181, %get3A_182] : memref<128x2048xbf16, #tpu.memory_space<vmem>>, vector<128x2048xbf16>
    %dot_general3A_184 = arith.constant dense<0.000000e+00> : vector<64x2048xf32>
    %dot_general3A_185 = tpu.matmul %get3A_180, %get3A_183, %dot_general3A_184 {dimension_numbers = #tpu.dot_dimension_numbers<[1], [0], [0], [1], [0, 0, 1, 1], [], []>, transpose_lhs_hint = false} : vector<64x128xbf16>, vector<128x2048xbf16>, vector<64x2048xf32> -> vector<64x2048xf32>
    %mul3A_186 = arith.constant 0.0883883461 : f32
    %mul3A_187 = vector.broadcast %mul3A_186 : f32 to vector<64x2048xf32>
    %mul3A_188 = arith.mulf %dot_general3A_185, %mul3A_187 : vector<64x2048xf32>
    %max3A_189 = arith.constant 0.000000e+00 : f32
    %max3A_190 = vector.broadcast %max3A_189 : f32 to vector<64x2048xf32>
    %max3A_191 = arith.maximumf %mul3A_188, %max3A_190 : vector<64x2048xf32>
    %slice3A_192 = vector.extract_strided_slice %get3A_1 {offsets = [0, 9], sizes = [64, 1], strides = [1, 1]} : vector<64x16xf32> to vector<64x1xf32>
    %mul3A_193 = vector.broadcast %slice3A_192 : vector<64x1xf32> to vector<64x2048xf32>
    %mul3A_194 = arith.mulf %max3A_191, %mul3A_193 : vector<64x2048xf32>
    %add3A_195 = arith.addf %add3A_175, %mul3A_194 : vector<64x2048xf32>
    %get3A_196 = arith.constant 10 : index
    %get3A_197 = arith.constant 0 : index
    %get3A_198 = arith.constant 0 : index
    %get3A_199 = vector.load %arg1[%get3A_196, %get3A_197, %get3A_198] : memref<16x64x128xbf16, #tpu.memory_space<vmem>>, vector<1x64x128xbf16>
    %get3A_200 = vector.shape_cast %get3A_199 : vector<1x64x128xbf16> to vector<64x128xbf16>
    %get3A_201 = arith.constant 0 : index
    %get3A_202 = arith.constant 0 : index
    %get3A_203 = vector.load %arg2[%get3A_201, %get3A_202] : memref<128x2048xbf16, #tpu.memory_space<vmem>>, vector<128x2048xbf16>
    %dot_general3A_204 = arith.constant dense<0.000000e+00> : vector<64x2048xf32>
    %dot_general3A_205 = tpu.matmul %get3A_200, %get3A_203, %dot_general3A_204 {dimension_numbers = #tpu.dot_dimension_numbers<[1], [0], [0], [1], [0, 0, 1, 1], [], []>, transpose_lhs_hint = false} : vector<64x128xbf16>, vector<128x2048xbf16>, vector<64x2048xf32> -> vector<64x2048xf32>
    %mul3A_206 = arith.constant 0.0883883461 : f32
    %mul3A_207 = vector.broadcast %mul3A_206 : f32 to vector<64x2048xf32>
    %mul3A_208 = arith.mulf %dot_general3A_205, %mul3A_207 : vector<64x2048xf32>
    %max3A_209 = arith.constant 0.000000e+00 : f32
    %max3A_210 = vector.broadcast %max3A_209 : f32 to vector<64x2048xf32>
    %max3A_211 = arith.maximumf %mul3A_208, %max3A_210 : vector<64x2048xf32>
    %slice3A_212 = vector.extract_strided_slice %get3A_1 {offsets = [0, 10], sizes = [64, 1], strides = [1, 1]} : vector<64x16xf32> to vector<64x1xf32>
    %mul3A_213 = vector.broadcast %slice3A_212 : vector<64x1xf32> to vector<64x2048xf32>
    %mul3A_214 = arith.mulf %max3A_211, %mul3A_213 : vector<64x2048xf32>
    %add3A_215 = arith.addf %add3A_195, %mul3A_214 : vector<64x2048xf32>
    %get3A_216 = arith.constant 11 : index
    %get3A_217 = arith.constant 0 : index
    %get3A_218 = arith.constant 0 : index
    %get3A_219 = vector.load %arg1[%get3A_216, %get3A_217, %get3A_218] : memref<16x64x128xbf16, #tpu.memory_space<vmem>>, vector<1x64x128xbf16>
    %get3A_220 = vector.shape_cast %get3A_219 : vector<1x64x128xbf16> to vector<64x128xbf16>
    %get3A_221 = arith.constant 0 : index
    %get3A_222 = arith.constant 0 : index
    %get3A_223 = vector.load %arg2[%get3A_221, %get3A_222] : memref<128x2048xbf16, #tpu.memory_space<vmem>>, vector<128x2048xbf16>
    %dot_general3A_224 = arith.constant dense<0.000000e+00> : vector<64x2048xf32>
    %dot_general3A_225 = tpu.matmul %get3A_220, %get3A_223, %dot_general3A_224 {dimension_numbers = #tpu.dot_dimension_numbers<[1], [0], [0], [1], [0, 0, 1, 1], [], []>, transpose_lhs_hint = false} : vector<64x128xbf16>, vector<128x2048xbf16>, vector<64x2048xf32> -> vector<64x2048xf32>
    %mul3A_226 = arith.constant 0.0883883461 : f32
    %mul3A_227 = vector.broadcast %mul3A_226 : f32 to vector<64x2048xf32>
    %mul3A_228 = arith.mulf %dot_general3A_225, %mul3A_227 : vector<64x2048xf32>
    %max3A_229 = arith.constant 0.000000e+00 : f32
    %max3A_230 = vector.broadcast %max3A_229 : f32 to vector<64x2048xf32>
    %max3A_231 = arith.maximumf %mul3A_228, %max3A_230 : vector<64x2048xf32>
    %slice3A_232 = vector.extract_strided_slice %get3A_1 {offsets = [0, 11], sizes = [64, 1], strides = [1, 1]} : vector<64x16xf32> to vector<64x1xf32>
    %mul3A_233 = vector.broadcast %slice3A_232 : vector<64x1xf32> to vector<64x2048xf32>
    %mul3A_234 = arith.mulf %max3A_231, %mul3A_233 : vector<64x2048xf32>
    %add3A_235 = arith.addf %add3A_215, %mul3A_234 : vector<64x2048xf32>
    %get3A_236 = arith.constant 12 : index
    %get3A_237 = arith.constant 0 : index
    %get3A_238 = arith.constant 0 : index
    %get3A_239 = vector.load %arg1[%get3A_236, %get3A_237, %get3A_238] : memref<16x64x128xbf16, #tpu.memory_space<vmem>>, vector<1x64x128xbf16>
    %get3A_240 = vector.shape_cast %get3A_239 : vector<1x64x128xbf16> to vector<64x128xbf16>
    %get3A_241 = arith.constant 0 : index
    %get3A_242 = arith.constant 0 : index
    %get3A_243 = vector.load %arg2[%get3A_241, %get3A_242] : memref<128x2048xbf16, #tpu.memory_space<vmem>>, vector<128x2048xbf16>
    %dot_general3A_244 = arith.constant dense<0.000000e+00> : vector<64x2048xf32>
    %dot_general3A_245 = tpu.matmul %get3A_240, %get3A_243, %dot_general3A_244 {dimension_numbers = #tpu.dot_dimension_numbers<[1], [0], [0], [1], [0, 0, 1, 1], [], []>, transpose_lhs_hint = false} : vector<64x128xbf16>, vector<128x2048xbf16>, vector<64x2048xf32> -> vector<64x2048xf32>
    %mul3A_246 = arith.constant 0.0883883461 : f32
    %mul3A_247 = vector.broadcast %mul3A_246 : f32 to vector<64x2048xf32>
    %mul3A_248 = arith.mulf %dot_general3A_245, %mul3A_247 : vector<64x2048xf32>
    %max3A_249 = arith.constant 0.000000e+00 : f32
    %max3A_250 = vector.broadcast %max3A_249 : f32 to vector<64x2048xf32>
    %max3A_251 = arith.maximumf %mul3A_248, %max3A_250 : vector<64x2048xf32>
    %slice3A_252 = vector.extract_strided_slice %get3A_1 {offsets = [0, 12], sizes = [64, 1], strides = [1, 1]} : vector<64x16xf32> to vector<64x1xf32>
    %mul3A_253 = vector.broadcast %slice3A_252 : vector<64x1xf32> to vector<64x2048xf32>
    %mul3A_254 = arith.mulf %max3A_251, %mul3A_253 : vector<64x2048xf32>
    %add3A_255 = arith.addf %add3A_235, %mul3A_254 : vector<64x2048xf32>
    %get3A_256 = arith.constant 13 : index
    %get3A_257 = arith.constant 0 : index
    %get3A_258 = arith.constant 0 : index
    %get3A_259 = vector.load %arg1[%get3A_256, %get3A_257, %get3A_258] : memref<16x64x128xbf16, #tpu.memory_space<vmem>>, vector<1x64x128xbf16>
    %get3A_260 = vector.shape_cast %get3A_259 : vector<1x64x128xbf16> to vector<64x128xbf16>
    %get3A_261 = arith.constant 0 : index
    %get3A_262 = arith.constant 0 : index
    %get3A_263 = vector.load %arg2[%get3A_261, %get3A_262] : memref<128x2048xbf16, #tpu.memory_space<vmem>>, vector<128x2048xbf16>
    %dot_general3A_264 = arith.constant dense<0.000000e+00> : vector<64x2048xf32>
    %dot_general3A_265 = tpu.matmul %get3A_260, %get3A_263, %dot_general3A_264 {dimension_numbers = #tpu.dot_dimension_numbers<[1], [0], [0], [1], [0, 0, 1, 1], [], []>, transpose_lhs_hint = false} : vector<64x128xbf16>, vector<128x2048xbf16>, vector<64x2048xf32> -> vector<64x2048xf32>
    %mul3A_266 = arith.constant 0.0883883461 : f32
    %mul3A_267 = vector.broadcast %mul3A_266 : f32 to vector<64x2048xf32>
    %mul3A_268 = arith.mulf %dot_general3A_265, %mul3A_267 : vector<64x2048xf32>
    %max3A_269 = arith.constant 0.000000e+00 : f32
    %max3A_270 = vector.broadcast %max3A_269 : f32 to vector<64x2048xf32>
    %max3A_271 = arith.maximumf %mul3A_268, %max3A_270 : vector<64x2048xf32>
    %slice3A_272 = vector.extract_strided_slice %get3A_1 {offsets = [0, 13], sizes = [64, 1], strides = [1, 1]} : vector<64x16xf32> to vector<64x1xf32>
    %mul3A_273 = vector.broadcast %slice3A_272 : vector<64x1xf32> to vector<64x2048xf32>
    %mul3A_274 = arith.mulf %max3A_271, %mul3A_273 : vector<64x2048xf32>
    %add3A_275 = arith.addf %add3A_255, %mul3A_274 : vector<64x2048xf32>
    %get3A_276 = arith.constant 14 : index
    %get3A_277 = arith.constant 0 : index
    %get3A_278 = arith.constant 0 : index
    %get3A_279 = vector.load %arg1[%get3A_276, %get3A_277, %get3A_278] : memref<16x64x128xbf16, #tpu.memory_space<vmem>>, vector<1x64x128xbf16>
    %get3A_280 = vector.shape_cast %get3A_279 : vector<1x64x128xbf16> to vector<64x128xbf16>
    %get3A_281 = arith.constant 0 : index
    %get3A_282 = arith.constant 0 : index
    %get3A_283 = vector.load %arg2[%get3A_281, %get3A_282] : memref<128x2048xbf16, #tpu.memory_space<vmem>>, vector<128x2048xbf16>
    %dot_general3A_284 = arith.constant dense<0.000000e+00> : vector<64x2048xf32>
    %dot_general3A_285 = tpu.matmul %get3A_280, %get3A_283, %dot_general3A_284 {dimension_numbers = #tpu.dot_dimension_numbers<[1], [0], [0], [1], [0, 0, 1, 1], [], []>, transpose_lhs_hint = false} : vector<64x128xbf16>, vector<128x2048xbf16>, vector<64x2048xf32> -> vector<64x2048xf32>
    %mul3A_286 = arith.constant 0.0883883461 : f32
    %mul3A_287 = vector.broadcast %mul3A_286 : f32 to vector<64x2048xf32>
    %mul3A_288 = arith.mulf %dot_general3A_285, %mul3A_287 : vector<64x2048xf32>
    %max3A_289 = arith.constant 0.000000e+00 : f32
    %max3A_290 = vector.broadcast %max3A_289 : f32 to vector<64x2048xf32>
    %max3A_291 = arith.maximumf %mul3A_288, %max3A_290 : vector<64x2048xf32>
    %slice3A_292 = vector.extract_strided_slice %get3A_1 {offsets = [0, 14], sizes = [64, 1], strides = [1, 1]} : vector<64x16xf32> to vector<64x1xf32>
    %mul3A_293 = vector.broadcast %slice3A_292 : vector<64x1xf32> to vector<64x2048xf32>
    %mul3A_294 = arith.mulf %max3A_291, %mul3A_293 : vector<64x2048xf32>
    %add3A_295 = arith.addf %add3A_275, %mul3A_294 : vector<64x2048xf32>
    %get3A_296 = arith.constant 15 : index
    %get3A_297 = arith.constant 0 : index
    %get3A_298 = arith.constant 0 : index
    %get3A_299 = vector.load %arg1[%get3A_296, %get3A_297, %get3A_298] : memref<16x64x128xbf16, #tpu.memory_space<vmem>>, vector<1x64x128xbf16>
    %get3A_300 = vector.shape_cast %get3A_299 : vector<1x64x128xbf16> to vector<64x128xbf16>
    %get3A_301 = arith.constant 0 : index
    %get3A_302 = arith.constant 0 : index
    %get3A_303 = vector.load %arg2[%get3A_301, %get3A_302] : memref<128x2048xbf16, #tpu.memory_space<vmem>>, vector<128x2048xbf16>
    %dot_general3A_304 = arith.constant dense<0.000000e+00> : vector<64x2048xf32>
    %dot_general3A_305 = tpu.matmul %get3A_300, %get3A_303, %dot_general3A_304 {dimension_numbers = #tpu.dot_dimension_numbers<[1], [0], [0], [1], [0, 0, 1, 1], [], []>, transpose_lhs_hint = false} : vector<64x128xbf16>, vector<128x2048xbf16>, vector<64x2048xf32> -> vector<64x2048xf32>
    %mul3A_306 = arith.constant 0.0883883461 : f32
    %mul3A_307 = vector.broadcast %mul3A_306 : f32 to vector<64x2048xf32>
    %mul3A_308 = arith.mulf %dot_general3A_305, %mul3A_307 : vector<64x2048xf32>
    %max3A_309 = arith.constant 0.000000e+00 : f32
    %max3A_310 = vector.broadcast %max3A_309 : f32 to vector<64x2048xf32>
    %max3A_311 = arith.maximumf %mul3A_308, %max3A_310 : vector<64x2048xf32>
    %slice3A_312 = vector.extract_strided_slice %get3A_1 {offsets = [0, 15], sizes = [64, 1], strides = [1, 1]} : vector<64x16xf32> to vector<64x1xf32>
    %mul3A_313 = vector.broadcast %slice3A_312 : vector<64x1xf32> to vector<64x2048xf32>
    %mul3A_314 = arith.mulf %max3A_311, %mul3A_313 : vector<64x2048xf32>
    %add3A_315 = arith.addf %add3A_295, %mul3A_314 : vector<64x2048xf32>
    %swap3A = arith.constant 0 : index
    %swap3A_316 = arith.constant 0 : index
    %swap3A_317 = vector.load %arg4[%swap3A, %swap3A_316] : memref<64x2048xf32, #tpu.memory_space<vmem>>, vector<64x2048xf32>
    tpu.vector_store %arg4[%swap3A, %swap3A_316], %add3A_315 {strides = array<i32>} : memref<64x2048xf32, #tpu.memory_space<vmem>>, vector<64x2048xf32>,
    return
  }
  func.func @transform_0(%arg0: i32) -> (i32, i32, i32) {
    %c0_i32 = arith.constant 0 : i32
    %c0_i32_0 = arith.constant 0 : i32
    %c0_i32_1 = arith.constant 0 : i32
    return %c0_i32, %arg0, %c0_i32_0 : i32, i32, i32
  }
  func.func @transform_1(%arg0: i32) -> (i32, i32) {
    %c0_i32 = arith.constant 0 : i32
    %c0_i32_0 = arith.constant 0 : i32
    %c0_i32_1 = arith.constant 0 : i32
    return %c0_i32, %c0_i32_0 : i32, i32
  }
  func.func @transform_2(%arg0: i32) -> (i32, i32) {
    %c0_i32 = arith.constant 0 : i32
    %c0_i32_0 = arith.constant 0 : i32
    return %arg0, %c0_i32 : i32, i32
  }
  func.func @transform_3(%arg0: i32) -> (i32, i32) {
    %c0_i32 = arith.constant 0 : i32
    %c0_i32_0 = arith.constant 0 : i32
    return %arg0, %c0_i32 : i32, i32
  }
}

module attributes {stable_mosaic.version = 14 : i64} {
  func.func @_rank_body(%arg0: i32, %arg1: memref<8x272xi32, #tpu.memory_space<vmem>>, %arg2: memref<272x272xi32, #tpu.memory_space<vmem>>, %arg3: memref<8x272xi32, #tpu.memory_space<vmem>>) attributes {dimension_semantics = [#tpu.dimension_semantics<arbitrary>], iteration_bounds = array<i64: 256>, scalar_prefetch = 0 : i64, scratch_operands = 0 : i64, tpu.core_type = #tpu.core_type<tc>, window_params = [{transform_indices = @transform_0, window_bounds = array<i64: 8, 272>}, {pipeline_mode = #tpu.pipeline_mode<synchronous>, transform_indices = @transform_1, window_bounds = array<i64: 272, 272>}, {transform_indices = @transform_2, window_bounds = array<i64: 8, 272>}]} {
    %get3A = arith.constant 0 : index
    %get3A_0 = arith.constant 0 : index
    %get3A_1 = vector.load %arg1[%get3A, %get3A_0] : memref<8x272xi32, #tpu.memory_space<vmem>>, vector<8x272xi32>
    %broadcast_in_dim3A = vector.shape_cast %get3A_1 : vector<8x272xi32> to vector<8x272x1xi32>
    %broadcast_in_dim3A_2 = vector.shape_cast %get3A_1 : vector<8x272xi32> to vector<8x1x272xi32>
    %gt3A = vector.broadcast %broadcast_in_dim3A : vector<8x272x1xi32> to vector<8x272x272xi32>
    %gt3A_3 = vector.broadcast %broadcast_in_dim3A_2 : vector<8x1x272xi32> to vector<8x272x272xi32>
    %gt3A_4 = arith.cmpi sgt, %gt3A, %gt3A_3 : vector<8x272x272xi32>
    %eq3A = vector.broadcast %broadcast_in_dim3A : vector<8x272x1xi32> to vector<8x272x272xi32>
    %eq3A_5 = vector.broadcast %broadcast_in_dim3A_2 : vector<8x1x272xi32> to vector<8x272x272xi32>
    %eq3A_6 = arith.cmpi eq, %eq3A, %eq3A_5 : vector<8x272x272xi32>
    %get3A_7 = arith.constant 0 : index
    %get3A_8 = arith.constant 0 : index
    %get3A_9 = vector.load %arg2[%get3A_7, %get3A_8] : memref<272x272xi32, #tpu.memory_space<vmem>>, vector<272x272xi32>
    %broadcast_in_dim3A_10 = vector.shape_cast %get3A_9 : vector<272x272xi32> to vector<1x272x272xi32>
    %gt3A_11 = arith.constant 0 : i32
    %gt3A_12 = vector.broadcast %gt3A_11 : i32 to vector<1x272x272xi32>
    %gt3A_13 = arith.cmpi sgt, %broadcast_in_dim3A_10, %gt3A_12 : vector<1x272x272xi32>
    %and3A = vector.broadcast %gt3A_13 : vector<1x272x272xi1> to vector<8x272x272xi1>
    %and3A_14 = arith.andi %eq3A_6, %and3A : vector<8x272x272xi1>
    %or3A = arith.ori %gt3A_4, %and3A_14 : vector<8x272x272xi1>
    %convert_element_type3A = arith.extui %or3A : vector<8x272x272xi1> to vector<8x272x272xi32>
    %reduce_sum3A = arith.constant dense<0> : vector<8x272xi32>
    %reduce_sum3A_15 = vector.multi_reduction <add>, %convert_element_type3A, %reduce_sum3A [1] : vector<8x272x272xi32> to vector<8x272xi32>
    %swap3A = arith.constant 0 : index
    %swap3A_16 = arith.constant 0 : index
    %swap3A_17 = vector.load %arg3[%swap3A, %swap3A_16] : memref<8x272xi32, #tpu.memory_space<vmem>>, vector<8x272xi32>
    tpu.vector_store %arg3[%swap3A, %swap3A_16], %reduce_sum3A_15 {strides = array<i32>} : memref<8x272xi32, #tpu.memory_space<vmem>>, vector<8x272xi32>,
    return
  }
  func.func @transform_0(%arg0: i32) -> (i32, i32) {
    %c0_i32 = arith.constant 0 : i32
    %c0_i32_0 = arith.constant 0 : i32
    return %arg0, %c0_i32 : i32, i32
  }
  func.func @transform_1(%arg0: i32) -> (i32, i32) {
    %c0_i32 = arith.constant 0 : i32
    %c0_i32_0 = arith.constant 0 : i32
    %c0_i32_1 = arith.constant 0 : i32
    return %c0_i32, %c0_i32_0 : i32, i32
  }
  func.func @transform_2(%arg0: i32) -> (i32, i32) {
    %c0_i32 = arith.constant 0 : i32
    %c0_i32_0 = arith.constant 0 : i32
    return %arg0, %c0_i32 : i32, i32
  }
}

</mosaic_0001>

<sc_bundles>
// kernel: kernel.10.cloned.1.call-start
scs
__scs_entry_jumppad:
0x0: {  	(pc) =	sbr.rel $0x88, $3  }
0x1: {  	(tag) =	ssettag $0x0;
	lr =	simm.s32 $0x1  }
0x2: {  	[smem:$0x3F99] =	sst lr;
	_ =	strace $0xD0000000  }
0x3: {  	_ = 	snop  }
0x4: {  	_ = 	snop  }
0x5: {  	_ = 	snop  }
0x6: {  	_ = 	snop  }
0x7: {  	_ = 	snop  }
__scs_overlays_trampoline_lowered:
0x8: {  	[smem:$0x3FA8] =	sst s0  }
0x9: {  	[smem:$0x3FA9] =	sst s1  }
0xa: {  	[smem:$0x3FAA] =	sst s2  }
0xb: {  	[smem:$0x3FAB] =	sst s3  }
0xc: {  	[smem:$0x3FAC] =	sst s4  }
0xd: {  	[smem:$0x3FAD] =	sst s5  }
0xe: {  	[smem:$0x3FAE] =	sst s6  }
0xf: {  	[smem:$0x3FAF] =	sst s7  }
0x10: {  	[smem:$0x3FB0] =	sst s8  }
0x11: {  	[smem:$0x3FB1] =	sst s9;
	s0 =	simm.s32 @!p0 $0x0  }
0x12: {  	s1 =	sld [smem:$0x3F97];
	s0 =	simm.s32 @p0 $0x1  }
0x13: {  	[smem:$0x3FB2] =	sst s0;
	s0 =	simm.s32 @!p1 $0x0  }
0x14: {  	s2 =	sld [smem:$0x3F96];
	s0 =	simm.s32 @p1 $0x1  }
0x15: {  	[smem:$0x3FB3] =	sst s0;
	s0 =	simm.s32 @!p2 $0x0  }
0x16: {  	s3 =	sld [smem:$0x3FDB];
	s0 =	simm.s32 @p2 $0x1  }
0x17: {  	s4 =	simm.s32 $0x1BF5;
	[smem:$0x3FB5] =	sst s0  }
0x18: {  	s0 =	sld [smem:$0x3F98];
	_ =	swait.ge [sflag:s4], $0x0  }
0x19: {  	s7 =	sld [smem:$0x3F99]  }
0x1a: {  	s8 =	sadd.s32 $0xFFFFE003, lr  }
0x1b: {  	s9 =	sadd.s32 $0xFFFFFEF7, lr;
	s5 =	simm.s32 $0xFFFFFFFF;
	p2 =	slt.u32 s8, $0xFFFFF086  }
0x1c: {  	p1 =	slt.u32 s9, $0xF7A;
	s5 =	simm.s32 @!p2 $0x0  }
0x1d: {  	s5 =	simm.s32 @p1 $0x1;
	p0 =	seq.s32 s7, s2  }
0x1e: {  	s7 =	smul.u32 @!p0 $0xF7A, s2;
	p2 =	seq.s32 @!p0 s5, $0x0  }
0x1f: {  	s9 =	smul.u32 $0xF7A, s1;
	s8 =	simm.s32 @!p0 $0x1BF5;
	p2 =	por !p2, p0  }
0x20: {  	[sflag:s8] =	ssyncset.s32 @!p0 $0xFFFFF086;
	s6 =	sadd.s32 @!p0 s3, s7;
	s7 =	simm.s32 @!p0 $0x108  }
0x21: {  	s3 =	sadd.s32 s3, s9;
	s6 =	sadd.s32 @!p0 $0x88, s6;
	s7 =	simm.s32 @p2 $0x1082  }
0x22: {  	[simem:s7], [sflag:s8] =	dma.local @!p0 [hbm:s6], $0xF7A  }
0x23: {  	s9 =	sor.u32 $0xD0000000, s2;
	s6 =	simm.s32 $0x108;
	_ =	swait.ge @!p0 [sflag:s8], $0x0  }
0x24: {  	s3 =	sadd.s32 $0x88, s3;
	s6 =	simm.s32 @!p1 $0x1082;
	[sflag:s4] =	ssyncset.s32 $0xFFFFF086  }
0x25: {  	[simem:s6], [sflag:s4] =	dma.local [hbm:s3], $0xF7A  }
0x26: {  	[smem:$0x3F99] =	sst s1;
	(tag) =	ssettag s2;
	_ =	strace s9  }
0x27: {  	s1 =	sld [smem:$0x3FA9]  }
0x28: {  	s2 =	sld [smem:$0x3FAA]  }
0x29: {  	s4 =	sld [smem:$0x3FAC]  }
0x2a: {  	p0 =	seq.s32 s5, $0x0;
	s5 =	sld [smem:$0x3FAD]  }
0x2b: {  	s6 =	sld [smem:$0x3FAE]  }
0x2c: {  	s7 =	sld [smem:$0x3FAF]  }
0x2d: {  	s3 =	simm.s32 $0x108;
	s8 =	sld [smem:$0x3FB0]  }
0x2e: {  	s3 =	simm.s32 @!p0 $0x1082;
	s9 =	sld [smem:$0x3FB1]  }
0x2f: {  	lr =	sadd.s32 s0, s3;
	s0 =	sld [smem:$0x3FA8]  }
0x30: {  	s3 =	sld [smem:$0x3FAB]  }
0x31: {  	[smem:$0x3FB4] =	sst s10  }
0x32: {  	s10 =	sld [smem:$0x3FB2];
	_ =	sdelay $0x3  }
0x33: {  	p0 =	seq.s32 s10, $0x1;
	s10 =	sld [smem:$0x3FB4];
	_ =	sdelay $0x3  }
0x34: {  	[smem:$0x3FB4] =	sst s10  }
0x35: {  	s10 =	sld [smem:$0x3FB3];
	_ =	sdelay $0x3  }
0x36: {  	p1 =	seq.s32 s10, $0x1;
	s10 =	sld [smem:$0x3FB4];
	_ =	sdelay $0x3  }
0x37: {  	[smem:$0x3FB4] =	sst s10  }
0x38: {  	s10 =	sld [smem:$0x3FB5]  }
0x39: {  	_ = 	snop;
	(pc) =	sbr.ind lr, $3  }
0x3a: {  	_ = 	snop  }
0x3b: {  	_ = 	snop  }
0x3c: {  	p2 =	seq.s32 s10, $0x1;
	s10 =	sld [smem:$0x3FB4]  }
0x3d: {  	_ =	shalt  }
0x3e: {  	_ =	shalt  }
0x3f: {  	_ =	shalt  }
0x40: {  	_ =	shalt  }
0x41: {  	_ =	shalt  }
0x42: {  	_ =	shalt  }
0x43: {  	_ =	shalt  }
0x44: {  	_ =	shalt  }
0x45: {  	_ =	shalt  }
0x46: {  	_ =	shalt  }
0x47: {  	_ =	shalt  }
0x48: {  	_ =	shalt  }
0x49: {  	_ =	shalt  }
0x4a: {  	_ =	shalt  }
0x4b: {  	_ =	shalt  }
0x4c: {  	_ =	shalt  }
0x4d: {  	_ =	shalt  }
0x4e: {  	_ =	shalt  }
0x4f: {  	_ =	shalt  }
0x50: {  	_ =	shalt  }
0x51: {  	_ =	shalt  }
0x52: {  	_ =	shalt  }
0x53: {  	_ =	shalt  }
0x54: {  	_ =	shalt  }
0x55: {  	_ =	shalt  }
0x56: {  	_ =	shalt  }
0x57: {  	_ =	shalt  }
0x58: {  	_ =	shalt  }
0x59: {  	_ =	shalt  }
0x5a: {  	_ =	shalt  }
0x5b: {  	_ =	shalt  }
0x5c: {  	_ =	shalt  }
0x5d: {  	_ =	shalt  }
0x5e: {  	_ =	shalt  }
0x5f: {  	_ =	shalt  }
0x60: {  	_ =	shalt  }
0x61: {  	_ =	shalt  }
0x62: {  	_ =	shalt  }
0x63: {  	_ =	shalt  }
0x64: {  	_ =	shalt  }
0x65: {  	_ =	shalt  }
0x66: {  	_ =	shalt  }
0x67: {  	_ =	shalt  }
0x68: {  	_ =	shalt  }
0x69: {  	_ =	shalt  }
0x6a: {  	_ =	shalt  }
0x6b: {  	_ =	shalt  }
0x6c: {  	_ =	shalt  }
0x6d: {  	_ =	shalt  }
0x6e: {  	_ =	shalt  }
0x6f: {  	_ =	shalt  }
0x70: {  	_ =	shalt  }
0x71: {  	_ =	shalt  }
0x72: {  	_ =	shalt  }
0x73: {  	_ =	shalt  }
0x74: {  	_ =	shalt  }
0x75: {  	_ =	shalt  }
0x76: {  	_ =	shalt  }
0x77: {  	_ =	shalt  }
0x78: {  	_ =	shalt  }
0x79: {  	_ =	shalt  }
0x7a: {  	_ =	shalt  }
0x7b: {  	_ =	shalt  }
0x7c: {  	_ =	shalt  }
0x7d: {  	_ =	shalt  }
0x7e: {  	_ =	shalt  }
0x7f: {  	_ =	shalt  }
0x80: {  	_ =	shalt  }
0x81: {  	_ =	shalt  }
0x82: {  	_ =	shalt  }
0x83: {  	_ =	shalt  }
0x84: {  	_ =	shalt  }
0x85: {  	_ =	shalt  }
0x86: {  	_ =	shalt  }
0x87: {  	_ =	shalt  }
.Lfunc_end0:
.L_simem_size_0:
called_computation.1_lowered:
.L_overlay_start_0:
0x88: {  	s2 =	sld [smem:$0x3FD9]  }
0x89: {  	s3 =	sld [smem:$0x3FFE];
	_ =	sdelay $0x1  }
0x8a: {  	s1 =	srdreg.scid  }
0x8b: {  	s0 =	sand.u32 $0x1, s1  }
0x8c: {  	s16 =	sshll.u32 s0, $0xA;
	s2 =	sadd.s32 s3, s2  }
0x8d: {  	s2 =	sadd.s32 s2, s16  }
0x8e: {  	[smem:$0x3FC0] =	sst s2  }
0x8f: {  	_ = 	snop  }
0x90: {  	(tm) =	ssettm $0x1  }
0x91: {  	s17 =	sld [smem:$0x3FFB];
	_ =	sdelay $0x3  }
0x92: {  	_ =	strace s17  }
0x93: {  	s2 =	sld [smem:$0x3FFC];
	_ =	sdelay $0x3  }
0x94: {  	_ =	strace s2  }
0x95: {  	s2 =	sld [smem:$0x3FFD];
	_ =	sdelay $0x3  }
0x96: {  	_ =	strace s2  }
0x97: {  	_ =	strace $0x8FFFFFFF  }
0x98: {  	s18 =	sld [smem:$0x3FDB];
	_ =	sdelay $0x1  }
0x99: {  	s19 =	simm.s32 $_scs_section_size  }
0x9a: {  	s4 =	simm.s32 $_size__tile_overlayer_lowered;
	s5 =	simm.s32 $_tile_overlayer_lowered  }
0x9b: {  	s22 =	simm.s32 $0x1BFF;
	s21 =	sshll.u32 s5, $0x1;
	s2 =	sadd.s32 s19, s18  }
0x9c: {  	s6 =	simm.s32 $0x0;
	s20 =	sshll.u32 s4, $0x1;
	s4 =	sadd.s32 s21, s2  }
0x9d: {  	[timem:s6], [sflag:s22] =	dma.local [hbm:s4], s20  }
0x9e: {  	_ =	swait.ge [sflag:s22], s20  }
0x9f: {  	s3 =	ssub.s32 $0x0, s20;
	[sflag:s22] =	ssyncset.done $0x0  }
0xa0: {  	[sflag:s22] =	ssyncadd.s32 s3;
	_ =	sdelay $0x1  }
0xa1: {  	s23 =	simm.s32 $0x1B8B  }
0xa2: {  	_ =	swait.ge [sflag:s23], $0x1  }
0xa3: {  	[sflag:s23] =	ssyncset.done $0x0  }
0xa4: {  	s25 =	simm.s32 $0x1B8E;
	s24 =	sld [smem:$0x3FFE];
	[sflag:s23] =	ssyncadd.s32 $0xFFFFFFFF  }
0xa5: {  	s26 =	simm.s32 $execute0_lowered;
	[smem:$0x3FD2] =	sst s25  }
0xa6: {  	s4 =	sshll.u32 s26, $0x1;
	_ =	strace $0x80000049;
	[dreg:$0x1] =	wrdreg $0xFFFFFFFF  }
0xa7: {  	s28 =	simm.s32 $_size_execute0_lowered;
	s2 =	sadd.s32 s2, s4;
	[dreg:$0x0] =	wrdreg $0x0  }
0xa8: {  	s4 =	sshll.u32 s28, $0x1;
	[dreg:$0x2] =	wrdreg s2  }
0xa9: {  	[dreg:$0x3] =	wrdreg s4  }
0xaa: {  	[dreg:$0x4] =	wrdreg $0xC0  }
0xab: {  	_ =	task [dreg:s6], $0x5FFFF  }
0xac: {  	[dreg:$0x1] =	wrdreg $0xFFFFFFFF  }
0xad: {  	[dreg:$0x0] =	wrdreg $0x60  }
0xae: {  	[dreg:$0x2] =	wrdreg s24  }
0xaf: {  	[dreg:$0x3] =	wrdreg $0x9  }
0xb0: {  	_ =	task.clear_ibuf [dreg:s6], $0x4FFFF;
	_ =	strace $0x90000049  }
0xb1: {  	s29 =	simm.s32 $0x9;
	_ =	strace $0x8000004B  }
0xb2: {  	_ =	swait.ge [sflag:s29], $0x1  }
0xb3: {  	[sflag:s29] =	ssyncadd.s32 $0xFFFFFFFF  }
0xb4: {  	_ =	strace $0x9000004B  }
0xb5: {  	_ =	sfence  }
0xb6: {  	s30 =	sld [smem:$0x0];
	_ =	sdelay $0x2  }
0xb7: {  	s31 =	sshll.u32 s1, $0xD;
	s1 =	sshrl.u32 s1, $0x2  }
0xb8: {  	s3 =	sand.u32 $0x4000, s31;
	s1 =	sadd.s32 s1, s30  }
0xb9: {  	s0 =	sor.u32 s3, s0;
	s1 =	sshll.u32 s1, $0x11  }
0xba: {  	s0 =	sor.u32 s1, s0  }
0xbb: {  	s0 =	sadd.s32 $0x8F2B, s0  }
0xbc: {  	[sflag:s0] =	ssyncadd.remote.s32 $0x1  }
0xbd: {  	_ =	sfence.sel $0xFFFF  }
0xbe: {  	[dreg:$0x0] =	wrdreg $0xFFFFFFFF;
	(pc) =	sbr.abs _section_cstart, $3  }
0xbf: {  	[dreg:$0x1] =	wrdreg $0xFFFFFFFF  }
0xc0: {  	_ =	task.clear_ibuf [dreg:s6], $0x2FFFF;
	_ =	strace $0x9FFFFFFF  }
0xc1: {  	(tm) =	ssettm $0x7FFFFFFF  }
tec
execute0_lowered:
.L_overlay_start_1:
0x0: {  	(tag) =	ssettag $0x1  }
0x1: {  	s5 =	rddreg [dreg:$0x0]  }
0x2: {  	s0 =	rddreg [dreg:$0x1];
	s1 =	simm.s32 $0x0  }
0x3: {  	s2 =	srdreg.scid;
	s9 =	simm.s32 $0x1100;
	s10 =	simm.s32 $0x0  }
0x4: {  	[smem:$0x7FF] =	sst s1;
	s6 =	sand.u32 $0x1, s2;
	s3 =	sadd.s32 $0x1600, s5  }
0x5: {  	s4 =	sadd.s32 $0x12600, s5;
	s2 =	stileid.u32;
	s7 =	ssub.s32 $0x2, s6  }
0x6: {  	s5 =	sadd.s32 $0x23600, s5;
	_ =	strace $0x8000004A;
	s8 =	sshrl.u32 s7, $0x1  }
0x7: {  	s31 =	sshll.u32 s2, $0x7;
	s6 =	sshll.u32 s6, $0x6;
	s7 =	ssub.s32 s7, s8  }
0x8: {  	s6 =	sor.u32 s6, s31;
	s8 =	simm.s32 $0x1;
	s7 =	smax.u32 s7, $0x1  }
.LBB2_1:
0x9: {  	s11 =	simm.s32 $0x0  }
.LBB2_2:
0xa: {  	s12 =	sshll.u32 s11, $0x3  }
0xb: {  	s12 =	sadd.s32 s6, s12  }
0xc: {  	s13 =	smul.u32 $0x22, s12;
	_ =	sdelay $0x1  }
0xd: {  	s15 =	simm.s32 $0x0;
	s14 =	sadd.s32 s3, s13  }
0xe: {  	[tilespmem:s15], [sflag:$0x1] =	stream.linear.gather [hbm4b:s14+s15], $0x880, $0x38;
	[tilespmem:$0x1900] =	vst v63  }
0xf: {  	_ =	swait.ge [sflag:s8], $0x880  }
0x10: {  	[sflag:s8] =	ssyncset.done $0x0  }
0x11: {  	s30 =	sadd.s32 s4, s13;
	s13 =	simm.s32 $0x880;
	[sflag:s8] =	ssyncadd.s32 $0xFFFFF780  }
0x12: {  	[tilespmem:s13], [sflag:$0x1] =	stream.linear.gather [hbm4b:s30+s15], $0x880, $0x38;
	[tilespmem:$0x1900] =	vst v63  }
0x13: {  	_ =	swait.ge [sflag:s8], $0x880  }
0x14: {  	[sflag:s8] =	ssyncset.done $0x0  }
0x15: {  	[sflag:s8] =	ssyncadd.s32 $0xFFFFF780  }
0x16: {  	v0 =	vld [tilespmem:s15+$0x0];
	_ =	sdelay $0x2  }
0x17: {  	s31 =	smul.u32 $0xF1, s15;
	_ =	sdelay $0x1  }
0x18: {  	s14 =	sshrl.u32 s31, $0x4;
	vm0 =	vlt.s32 v0, $0x100  }
0x19: {  	s14 =	sand.u32 $0xF00, s14;
	v0 =	vnsel vm0, $0x0, v0  }
0x1a: {  	v1 =	vld [tilespmem:s13+$0x0];
	v0 =	vadd.s32 s14, v0;
	_ =	sdelay $0x4  }
0x1b: {  	s14 =	simm.s32 $0x10;
	[tilespmem:v0+s9+$0x0] =	vst.idx.msk vm0, v1  }
0x1c: {  	s16 =	simm.s32 $0x2;
	s15 =	simm.s32 $0x1;
	v0 =	vld [tilespmem:s14+$0x0]  }
.LBB2_3:
0x1d: {  	p0 =	sne.s32 s16, $0x87;
	_ =	sdelay $0x1  }
0x1e: {  	s17 =	smul.u32 $0xF1, s15;
	s15 =	smov.u32 s16;
	_ =	sdelay $0x1  }
0x1f: {  	s17 =	sshrl.u32 s17, $0x4;
	vm0 =	vlt.s32 v0, $0x100  }
0x20: {  	s13 =	sadd.s32 $0x10, s13;
	s17 =	sand.u32 $0xF00, s17;
	v0 =	vnsel vm0, $0x0, v0  }
0x21: {  	v1 =	vld [tilespmem:s13+$0x0];
	v0 =	vadd.s32 s17, v0;
	_ =	sdelay $0x1  }
.Ltmp0:
0x22: {  	(pc) =	sbr.rel @p0 .LBB2_3-.Ltmp0, $3  }
0x23: {  	_ =	sdelay $0x1  }
0x24: {  	s14 =	sadd.s32 $0x10, s14;
	[tilespmem:v0+s9+$0x0] =	vst.idx.msk vm0, v1  }
0x25: {  	s16 =	sadd.s32 $0x1, s16;
	v0 =	vld [tilespmem:s14+$0x0]  }
0x26: {  	_ =	sdelay $0x1  }
0x27: {  	s14 =	smul.u32 $0xF1, s15;
	_ =	sdelay $0x1  }
0x28: {  	s14 =	sshrl.u32 s14, $0x4;
	vm0 =	vlt.s32 v0, $0x100  }
0x29: {  	s13 =	sadd.s32 $0x10, s13;
	s14 =	sand.u32 $0xF00, s14;
	v0 =	vnsel vm0, $0x0, v0  }
0x2a: {  	v1 =	vld [tilespmem:s13+$0x0];
	v0 =	vadd.s32 s14, v0;
	_ =	sdelay $0x2  }
0x2b: {  	s11 =	sadd.s32 $0x1, s11  }
0x2c: {  	s12 =	sshll.u32 s12, $0x5;
	p0 =	sne.s32 s11, $0x8  }
.Ltmp1:
0x2d: {  	s12 =	sadd.s32 s5, s12;
	[tilespmem:v0+s9+$0x0] =	vst.idx.msk vm0, v1;
	(pc) =	sbr.rel @p0 .LBB2_2-.Ltmp1, $4  }
0x2e: {  	[hbm4b:s12+s1] =	stream.linear.scatter [tilespmem:s9], [sflag:$0x1], $0x800, $0x38;
	[tilespmem:$0x1900] =	vst v63  }
0x2f: {  	_ =	swait.ge [sflag:s8], $0x800  }
0x30: {  	[sflag:s8] =	ssyncset.done $0x0  }
0x31: {  	[sflag:s8] =	ssyncadd.s32 $0xFFFFF800  }
0x32: {  	s10 =	sadd.s32 $0x1, s10  }
0x33: {  	p0 =	sne.s32 s10, s7  }
.Ltmp2:
0x34: {  	_ = 	snop;
	(pc) =	sbr.rel @p0 .LBB2_1-.Ltmp2, $1  }
0x35: {  	_ =	sdelay $0x3  }
0x36: {  	_ =	sfence.sel $0x180000  }
0x37: {  	[bflag:$0x0] =	sbarrier.arrive $0xFFFF  }
0x38: {  	p0 =	sne.s32 s2, $0x0;
	_ =	strace $0x9000004A  }
0x39: {  	s0 =	sadd.s32 @!p0 $0x100000, s0;
	[bflag:$0x2] =	sbarrier.arrive $0xFFFF  }
0x3a: {  	[sflag:s0] =	ssyncadd.tile.s32 @!p0 $0x1;
	_ =	shalt  }
.Lfunc_end2:
_tile_overlayer_lowered:
.L_overlay_start_2:
0x3b: {  	(tag) =	ssettag $0x2  }
0x3c: {  	s0 =	rddreg [dreg:$0x0];
	s2 =	stileid.u32  }
0x3d: {  	s1 =	rddreg [dreg:$0x1];
	p0 =	sne.s32 s2, $0x0  }
0x3e: {  	s3 =	rddreg [dreg:$0x2];
	[bflag:$0x3] =	sbarrier.arrive $0xFFFF;
	s2 =	simm.s32 @!p0 $0x1C01  }
0x3f: {  	[timem:s3], [sflag:s2] =	dma.local @!p0 [hbm:s0], s1  }
0x40: {  	s0 =	simm.s32 @!p0 $0x1  }
0x41: {  	_ =	swait.ge @!p0 [sflag:s0], s1  }
0x42: {  	s1 =	ssub.s32 @!p0 $0x0, s1;
	[sflag:s0] =	ssyncset.done @!p0 $0x0  }
0x43: {  	[sflag:s0] =	ssyncadd.s32 @!p0 s1  }
0x44: {  	[bflag:$0x3] =	sbarrier.arrive $0xFFFF  }
0x45: {  	_ =	shalt  }

// kernel: kernel.7.cloned.1.call-start
scs
__scs_entry_jumppad:
0x0: {  	(pc) =	sbr.rel $0x88, $3  }
0x1: {  	(tag) =	ssettag $0x0;
	lr =	simm.s32 $0x1  }
0x2: {  	[smem:$0x3F99] =	sst lr;
	_ =	strace $0xD0000000  }
0x3: {  	_ = 	snop  }
0x4: {  	_ = 	snop  }
0x5: {  	_ = 	snop  }
0x6: {  	_ = 	snop  }
0x7: {  	_ = 	snop  }
__scs_overlays_trampoline_lowered:
0x8: {  	[smem:$0x3FA8] =	sst s0  }
0x9: {  	[smem:$0x3FA9] =	sst s1  }
0xa: {  	[smem:$0x3FAA] =	sst s2  }
0xb: {  	[smem:$0x3FAB] =	sst s3  }
0xc: {  	[smem:$0x3FAC] =	sst s4  }
0xd: {  	[smem:$0x3FAD] =	sst s5  }
0xe: {  	[smem:$0x3FAE] =	sst s6  }
0xf: {  	[smem:$0x3FAF] =	sst s7  }
0x10: {  	[smem:$0x3FB0] =	sst s8  }
0x11: {  	[smem:$0x3FB1] =	sst s9;
	s0 =	simm.s32 @!p0 $0x0  }
0x12: {  	s1 =	sld [smem:$0x3F97];
	s0 =	simm.s32 @p0 $0x1  }
0x13: {  	[smem:$0x3FB2] =	sst s0;
	s0 =	simm.s32 @!p1 $0x0  }
0x14: {  	s2 =	sld [smem:$0x3F96];
	s0 =	simm.s32 @p1 $0x1  }
0x15: {  	[smem:$0x3FB3] =	sst s0;
	s0 =	simm.s32 @!p2 $0x0  }
0x16: {  	s3 =	sld [smem:$0x3FDB];
	s0 =	simm.s32 @p2 $0x1  }
0x17: {  	s4 =	simm.s32 $0x1BF5;
	[smem:$0x3FB5] =	sst s0  }
0x18: {  	s0 =	sld [smem:$0x3F98];
	_ =	swait.ge [sflag:s4], $0x0  }
0x19: {  	s7 =	sld [smem:$0x3F99]  }
0x1a: {  	s8 =	sadd.s32 $0xFFFFE003, lr  }
0x1b: {  	s9 =	sadd.s32 $0xFFFFFEF7, lr;
	s5 =	simm.s32 $0xFFFFFFFF;
	p2 =	slt.u32 s8, $0xFFFFF086  }
0x1c: {  	p1 =	slt.u32 s9, $0xF7A;
	s5 =	simm.s32 @!p2 $0x0  }
0x1d: {  	s5 =	simm.s32 @p1 $0x1;
	p0 =	seq.s32 s7, s2  }
0x1e: {  	s7 =	smul.u32 @!p0 $0xF7A, s2;
	p2 =	seq.s32 @!p0 s5, $0x0  }
0x1f: {  	s9 =	smul.u32 $0xF7A, s1;
	s8 =	simm.s32 @!p0 $0x1BF5;
	p2 =	por !p2, p0  }
0x20: {  	[sflag:s8] =	ssyncset.s32 @!p0 $0xFFFFF086;
	s6 =	sadd.s32 @!p0 s3, s7;
	s7 =	simm.s32 @!p0 $0x108  }
0x21: {  	s3 =	sadd.s32 s3, s9;
	s6 =	sadd.s32 @!p0 $0x88, s6;
	s7 =	simm.s32 @p2 $0x1082  }
0x22: {  	[simem:s7], [sflag:s8] =	dma.local @!p0 [hbm:s6], $0xF7A  }
0x23: {  	s9 =	sor.u32 $0xD0000000, s2;
	s6 =	simm.s32 $0x108;
	_ =	swait.ge @!p0 [sflag:s8], $0x0  }
0x24: {  	s3 =	sadd.s32 $0x88, s3;
	s6 =	simm.s32 @!p1 $0x1082;
	[sflag:s4] =	ssyncset.s32 $0xFFFFF086  }
0x25: {  	[simem:s6], [sflag:s4] =	dma.local [hbm:s3], $0xF7A  }
0x26: {  	[smem:$0x3F99] =	sst s1;
	(tag) =	ssettag s2;
	_ =	strace s9  }
0x27: {  	s1 =	sld [smem:$0x3FA9]  }
0x28: {  	s2 =	sld [smem:$0x3FAA]  }
0x29: {  	s4 =	sld [smem:$0x3FAC]  }
0x2a: {  	p0 =	seq.s32 s5, $0x0;
	s5 =	sld [smem:$0x3FAD]  }
0x2b: {  	s6 =	sld [smem:$0x3FAE]  }
0x2c: {  	s7 =	sld [smem:$0x3FAF]  }
0x2d: {  	s3 =	simm.s32 $0x108;
	s8 =	sld [smem:$0x3FB0]  }
0x2e: {  	s3 =	simm.s32 @!p0 $0x1082;
	s9 =	sld [smem:$0x3FB1]  }
0x2f: {  	lr =	sadd.s32 s0, s3;
	s0 =	sld [smem:$0x3FA8]  }
0x30: {  	s3 =	sld [smem:$0x3FAB]  }
0x31: {  	[smem:$0x3FB4] =	sst s10  }
0x32: {  	s10 =	sld [smem:$0x3FB2];
	_ =	sdelay $0x3  }
0x33: {  	p0 =	seq.s32 s10, $0x1;
	s10 =	sld [smem:$0x3FB4];
	_ =	sdelay $0x3  }
0x34: {  	[smem:$0x3FB4] =	sst s10  }
0x35: {  	s10 =	sld [smem:$0x3FB3];
	_ =	sdelay $0x3  }
0x36: {  	p1 =	seq.s32 s10, $0x1;
	s10 =	sld [smem:$0x3FB4];
	_ =	sdelay $0x3  }
0x37: {  	[smem:$0x3FB4] =	sst s10  }
0x38: {  	s10 =	sld [smem:$0x3FB5]  }
0x39: {  	_ = 	snop;
	(pc) =	sbr.ind lr, $3  }
0x3a: {  	_ = 	snop  }
0x3b: {  	_ = 	snop  }
0x3c: {  	p2 =	seq.s32 s10, $0x1;
	s10 =	sld [smem:$0x3FB4]  }
0x3d: {  	_ =	shalt  }
0x3e: {  	_ =	shalt  }
0x3f: {  	_ =	shalt  }
0x40: {  	_ =	shalt  }
0x41: {  	_ =	shalt  }
0x42: {  	_ =	shalt  }
0x43: {  	_ =	shalt  }
0x44: {  	_ =	shalt  }
0x45: {  	_ =	shalt  }
0x46: {  	_ =	shalt  }
0x47: {  	_ =	shalt  }
0x48: {  	_ =	shalt  }
0x49: {  	_ =	shalt  }
0x4a: {  	_ =	shalt  }
0x4b: {  	_ =	shalt  }
0x4c: {  	_ =	shalt  }
0x4d: {  	_ =	shalt  }
0x4e: {  	_ =	shalt  }
0x4f: {  	_ =	shalt  }
0x50: {  	_ =	shalt  }
0x51: {  	_ =	shalt  }
0x52: {  	_ =	shalt  }
0x53: {  	_ =	shalt  }
0x54: {  	_ =	shalt  }
0x55: {  	_ =	shalt  }
0x56: {  	_ =	shalt  }
0x57: {  	_ =	shalt  }
0x58: {  	_ =	shalt  }
0x59: {  	_ =	shalt  }
0x5a: {  	_ =	shalt  }
0x5b: {  	_ =	shalt  }
0x5c: {  	_ =	shalt  }
0x5d: {  	_ =	shalt  }
0x5e: {  	_ =	shalt  }
0x5f: {  	_ =	shalt  }
0x60: {  	_ =	shalt  }
0x61: {  	_ =	shalt  }
0x62: {  	_ =	shalt  }
0x63: {  	_ =	shalt  }
0x64: {  	_ =	shalt  }
0x65: {  	_ =	shalt  }
0x66: {  	_ =	shalt  }
0x67: {  	_ =	shalt  }
0x68: {  	_ =	shalt  }
0x69: {  	_ =	shalt  }
0x6a: {  	_ =	shalt  }
0x6b: {  	_ =	shalt  }
0x6c: {  	_ =	shalt  }
0x6d: {  	_ =	shalt  }
0x6e: {  	_ =	shalt  }
0x6f: {  	_ =	shalt  }
0x70: {  	_ =	shalt  }
0x71: {  	_ =	shalt  }
0x72: {  	_ =	shalt  }
0x73: {  	_ =	shalt  }
0x74: {  	_ =	shalt  }
0x75: {  	_ =	shalt  }
0x76: {  	_ =	shalt  }
0x77: {  	_ =	shalt  }
0x78: {  	_ =	shalt  }
0x79: {  	_ =	shalt  }
0x7a: {  	_ =	shalt  }
0x7b: {  	_ =	shalt  }
0x7c: {  	_ =	shalt  }
0x7d: {  	_ =	shalt  }
0x7e: {  	_ =	shalt  }
0x7f: {  	_ =	shalt  }
0x80: {  	_ =	shalt  }
0x81: {  	_ =	shalt  }
0x82: {  	_ =	shalt  }
0x83: {  	_ =	shalt  }
0x84: {  	_ =	shalt  }
0x85: {  	_ =	shalt  }
0x86: {  	_ =	shalt  }
0x87: {  	_ =	shalt  }
.Lfunc_end0:
.L_simem_size_0:
called_computation_lowered:
.L_overlay_start_0:
0x88: {  	s2 =	sld [smem:$0x3FD9]  }
0x89: {  	s3 =	sld [smem:$0x3FFE];
	_ =	sdelay $0x1  }
0x8a: {  	s1 =	srdreg.scid  }
0x8b: {  	s0 =	sand.u32 $0x1, s1  }
0x8c: {  	s16 =	sshll.u32 s0, $0xA;
	s2 =	sadd.s32 s3, s2  }
0x8d: {  	s2 =	sadd.s32 s2, s16  }
0x8e: {  	[smem:$0x3FC0] =	sst s2  }
0x8f: {  	_ = 	snop  }
0x90: {  	(tm) =	ssettm $0x1  }
0x91: {  	s17 =	sld [smem:$0x3FFB];
	_ =	sdelay $0x3  }
0x92: {  	_ =	strace s17  }
0x93: {  	s2 =	sld [smem:$0x3FFC];
	_ =	sdelay $0x3  }
0x94: {  	_ =	strace s2  }
0x95: {  	s2 =	sld [smem:$0x3FFD];
	_ =	sdelay $0x3  }
0x96: {  	_ =	strace s2  }
0x97: {  	_ =	strace $0x8FFFFFFF  }
0x98: {  	s18 =	sld [smem:$0x3FDB];
	_ =	sdelay $0x1  }
0x99: {  	s19 =	simm.s32 $_scs_section_size  }
0x9a: {  	s4 =	simm.s32 $_size__tile_overlayer_lowered;
	s5 =	simm.s32 $_tile_overlayer_lowered  }
0x9b: {  	s22 =	simm.s32 $0x1BFF;
	s21 =	sshll.u32 s5, $0x1;
	s2 =	sadd.s32 s19, s18  }
0x9c: {  	s6 =	simm.s32 $0x0;
	s20 =	sshll.u32 s4, $0x1;
	s4 =	sadd.s32 s21, s2  }
0x9d: {  	[timem:s6], [sflag:s22] =	dma.local [hbm:s4], s20  }
0x9e: {  	_ =	swait.ge [sflag:s22], s20  }
0x9f: {  	s3 =	ssub.s32 $0x0, s20;
	[sflag:s22] =	ssyncset.done $0x0  }
0xa0: {  	[sflag:s22] =	ssyncadd.s32 s3;
	_ =	sdelay $0x1  }
0xa1: {  	s23 =	simm.s32 $0x1B8B  }
0xa2: {  	_ =	swait.ge [sflag:s23], $0x1  }
0xa3: {  	[sflag:s23] =	ssyncset.done $0x0  }
0xa4: {  	s25 =	simm.s32 $0x1B8E;
	s24 =	sld [smem:$0x3FFE];
	[sflag:s23] =	ssyncadd.s32 $0xFFFFFFFF  }
0xa5: {  	s26 =	simm.s32 $execute0_lowered;
	[smem:$0x3FD2] =	sst s25  }
0xa6: {  	s4 =	sshll.u32 s26, $0x1;
	_ =	strace $0x80000046;
	[dreg:$0x1] =	wrdreg $0xFFFFFFFF  }
0xa7: {  	s28 =	simm.s32 $_size_execute0_lowered;
	s2 =	sadd.s32 s2, s4;
	[dreg:$0x0] =	wrdreg $0x0  }
0xa8: {  	s4 =	sshll.u32 s28, $0x1;
	[dreg:$0x2] =	wrdreg s2  }
0xa9: {  	[dreg:$0x3] =	wrdreg s4  }
0xaa: {  	[dreg:$0x4] =	wrdreg $0xC0  }
0xab: {  	_ =	task [dreg:s6], $0x5FFFF  }
0xac: {  	[dreg:$0x1] =	wrdreg $0xFFFFFFFF  }
0xad: {  	[dreg:$0x0] =	wrdreg $0x60  }
0xae: {  	[dreg:$0x2] =	wrdreg s24  }
0xaf: {  	[dreg:$0x3] =	wrdreg $0x9  }
0xb0: {  	_ =	task.clear_ibuf [dreg:s6], $0x4FFFF;
	_ =	strace $0x90000046  }
0xb1: {  	s29 =	simm.s32 $0x9;
	_ =	strace $0x80000048  }
0xb2: {  	_ =	swait.ge [sflag:s29], $0x1  }
0xb3: {  	[sflag:s29] =	ssyncadd.s32 $0xFFFFFFFF  }
0xb4: {  	_ =	strace $0x90000048  }
0xb5: {  	_ =	sfence  }
0xb6: {  	s30 =	sld [smem:$0x0];
	_ =	sdelay $0x2  }
0xb7: {  	s31 =	sshll.u32 s1, $0xD;
	s1 =	sshrl.u32 s1, $0x2  }
0xb8: {  	s3 =	sand.u32 $0x4000, s31;
	s1 =	sadd.s32 s1, s30  }
0xb9: {  	s0 =	sor.u32 s3, s0;
	s1 =	sshll.u32 s1, $0x11  }
0xba: {  	s0 =	sor.u32 s1, s0  }
0xbb: {  	s0 =	sadd.s32 $0x8F2B, s0  }
0xbc: {  	[sflag:s0] =	ssyncadd.remote.s32 $0x1  }
0xbd: {  	_ =	sfence.sel $0xFFFF  }
0xbe: {  	[dreg:$0x0] =	wrdreg $0xFFFFFFFF;
	(pc) =	sbr.abs _section_cstart, $3  }
0xbf: {  	[dreg:$0x1] =	wrdreg $0xFFFFFFFF  }
0xc0: {  	_ =	task.clear_ibuf [dreg:s6], $0x2FFFF;
	_ =	strace $0x9FFFFFFF  }
0xc1: {  	(tm) =	ssettm $0x7FFFFFFF  }
tec
execute0_lowered:
.L_overlay_start_1:
0x0: {  	(tag) =	ssettag $0x1  }
0x1: {  	s0 =	rddreg [dreg:$0x0];
	s2 =	simm.s32 $0x0;
	s1 =	srdreg.scid  }
0x2: {  	s4 =	stileid.u32;
	s11 =	simm.s32 $0x1;
	s12 =	simm.s32 $0x1800  }
0x3: {  	s13 =	simm.s32 $0x2800;
	s14 =	simm.s32 $0x2900;
	s15 =	simm.s32 $0x3900  }
0x4: {  	s16 =	simm.s32 $0x3A00;
	s17 =	simm.s32 $0x3B80;
	s18 =	simm.s32 $0x2  }
0x5: {  	[smem:$0x7FF] =	sst s2;
	s1 =	sand.u32 $0x1, s1;
	s8 =	sadd.s32 $0x81600, s0  }
0x6: {  	s5 =	sshll.u32 s4, $0x1;
	s4 =	sadd.s32 $0x1600, s0;
	_ =	strace $0x80000047  }
0x7: {  	s3 =	ssub.s32 $0x2, s1;
	s1 =	sor.u32 s1, s5;
	s5 =	sadd.s32 $0x12600, s0  }
0x8: {  	[dreg:$0x2] =	wrdreg s8;
	s0 =	sadd.s32 $0x81800, s0;
	s6 =	sshrl.u32 s3, $0x1  }
0x9: {  	s7 =	sshll.u32 s1, $0xE;
	s1 =	sshll.u32 s1, $0x6;
	[dreg:$0x5] =	wrdreg s0  }
0xa: {  	s3 =	ssub.s32 s3, s6;
	[dreg:$0x3] =	wrdreg s1;
	s30 =	sadd.s32 s8, s7  }
0xb: {  	v0 =	vimm.s32 $0x0;
	s19 =	simm.s32 $0x3D00;
	[dreg:$0x4] =	wrdreg s30;
	s31 =	smax.u32 s3, $0x1  }
0xc: {  	s20 =	simm.s32 $0x3E80;
	v1 =	vimm.s32 $0x80000001;
	v2 =	vlaneseq.u32;
	v3 =	vimm.s32 $0x1;
	s3 =	simm.s32 $0x0;
	[dreg:$0x6] =	wrdreg s31  }
.LBB2_1:
0xd: {  	[dreg:$0x7] =	wrdreg s3  }
0xe: {  	s0 =	rddreg [dreg:$0x4];
	s24 =	simm.s32 $0x0  }
0xf: {  	[tilespmem:s2], [sflag:$0x1] =	stream.linear.gather [hbm4b:s0+s2], $0x800, $0x38;
	[tilespmem:$0x4000] =	vst v63  }
.LBB2_2:
0x10: {  	s0 =	sshll.u32 s24, $0x1;
	s1 =	rddreg [dreg:$0x3]  }
0x11: {  	s26 =	sadd.s32 s1, s0  }
0x12: {  	s25 =	sor.u32 $0x1, s26  }
0x13: {  	s29 =	sshll.u32 s25, $0x8  }
0x14: {  	s30 =	rddreg [dreg:$0x2];
	s0 =	sand.u32 $0x1FFFFF00, s29  }
0x15: {  	s31 =	simm.s32 $0x0;
	s3 =	simm.s32 $0x800;
	s0 =	sadd.s32 s30, s0  }
0x16: {  	[tilespmem:s3], [sflag:$0x2] =	stream.linear.gather [hbm4b:s0+s31], $0x800, $0x38;
	[tilespmem:$0x4000] =	vst v63  }
0x17: {  	_ =	swait.ge [sflag:s11], $0x800  }
0x18: {  	[sflag:s11] =	ssyncset.done $0x0  }
0x19: {  	s1 =	simm.s32 $0x200;
	s0 =	simm.s32 $0x0;
	[sflag:s11] =	ssyncadd.s32 $0xFFFFF800  }
.LBB2_3:
0x1a: {  	p0 =	sne.s32 s1, $0x3E00;
	[tilespmem:s0+$0x2970] =	vst v0  }
0x1b: {  	[tilespmem:s0+$0x1800] =	vst v0  }
0x1c: {  	[tilespmem:s0+$0x2900] =	vst v0  }
0x1d: {  	[tilespmem:s0+$0x1810] =	vst v0  }
0x1e: {  	[tilespmem:s0+$0x2910] =	vst v0  }
0x1f: {  	[tilespmem:s0+$0x1820] =	vst v0  }
0x20: {  	[tilespmem:s0+$0x2920] =	vst v0  }
0x21: {  	[tilespmem:s0+$0x1830] =	vst v0  }
0x22: {  	[tilespmem:s0+$0x2930] =	vst v0  }
0x23: {  	[tilespmem:s0+$0x1840] =	vst v0  }
0x24: {  	[tilespmem:s0+$0x2940] =	vst v0  }
.Ltmp0:
0x25: {  	[tilespmem:s0+$0x1850] =	vst v0;
	(pc) =	sbr.rel @p0 .LBB2_3-.Ltmp0, $4  }
0x26: {  	[tilespmem:s0+$0x2950] =	vst v0  }
0x27: {  	[tilespmem:s0+$0x1860] =	vst v0  }
0x28: {  	[tilespmem:s0+$0x2960] =	vst v0  }
0x29: {  	[tilespmem:s0+$0x1870] =	vst v0;
	s0 =	sshra.s32 s1, $0x2;
	s1 =	sadd.s32 $0x200, s1  }
0x2a: {  	[tilespmem:s0+$0x2970] =	vst v0  }
0x2b: {  	[tilespmem:s0+$0x1800] =	vst v0  }
0x2c: {  	[tilespmem:s0+$0x2900] =	vst v0  }
0x2d: {  	[tilespmem:s0+$0x1810] =	vst v0  }
0x2e: {  	[tilespmem:s0+$0x2910] =	vst v0  }
0x2f: {  	[tilespmem:s0+$0x1820] =	vst v0  }
0x30: {  	[tilespmem:s0+$0x2920] =	vst v0  }
0x31: {  	[tilespmem:s0+$0x1830] =	vst v0  }
0x32: {  	[tilespmem:s0+$0x2930] =	vst v0  }
0x33: {  	[tilespmem:s0+$0x1840] =	vst v0  }
0x34: {  	[tilespmem:s0+$0x2940] =	vst v0  }
0x35: {  	[tilespmem:s0+$0x1850] =	vst v0  }
0x36: {  	[tilespmem:s0+$0x2950] =	vst v0  }
0x37: {  	[tilespmem:s0+$0x1860] =	vst v0  }
0x38: {  	[tilespmem:s0+$0x2960] =	vst v0  }
0x39: {  	[tilespmem:s0+$0x1870] =	vst v0  }
0x3a: {  	[tilespmem:$0x2800] =	vst v0  }
0x3b: {  	[tilespmem:$0x3900] =	vst v0  }
0x3c: {  	[tilespmem:$0x2810] =	vst v0  }
0x3d: {  	[tilespmem:$0x3910] =	vst v0  }
0x3e: {  	[tilespmem:$0x2820] =	vst v0  }
0x3f: {  	[tilespmem:$0x3920] =	vst v0  }
0x40: {  	[tilespmem:$0x2830] =	vst v0  }
0x41: {  	[tilespmem:$0x3930] =	vst v0  }
0x42: {  	[tilespmem:$0x2840] =	vst v0  }
0x43: {  	[tilespmem:$0x3940] =	vst v0  }
0x44: {  	[tilespmem:$0x2850] =	vst v0  }
0x45: {  	[tilespmem:$0x3950] =	vst v0  }
0x46: {  	[tilespmem:$0x2860] =	vst v0  }
0x47: {  	[tilespmem:$0x3960] =	vst v0  }
0x48: {  	[tilespmem:$0x2870] =	vst v0  }
0x49: {  	[tilespmem:$0x3970] =	vst v0  }
0x4a: {  	[tilespmem:$0x2880] =	vst v0  }
0x4b: {  	[tilespmem:$0x3980] =	vst v0  }
0x4c: {  	[tilespmem:$0x2890] =	vst v0  }
0x4d: {  	[tilespmem:$0x3990] =	vst v0  }
0x4e: {  	[tilespmem:$0x28A0] =	vst v0  }
0x4f: {  	[tilespmem:$0x39A0] =	vst v0  }
0x50: {  	[tilespmem:$0x28B0] =	vst v0  }
0x51: {  	[tilespmem:$0x39B0] =	vst v0  }
0x52: {  	[tilespmem:$0x28C0] =	vst v0  }
0x53: {  	[tilespmem:$0x39C0] =	vst v0  }
0x54: {  	[tilespmem:$0x28D0] =	vst v0  }
0x55: {  	[tilespmem:$0x39D0] =	vst v0  }
0x56: {  	[tilespmem:$0x28E0] =	vst v0  }
0x57: {  	[tilespmem:$0x39E0] =	vst v0  }
0x58: {  	p0 =	seq.s32 s24, $0x0;
	[tilespmem:$0x28F0] =	vst v0  }
0x59: {  	[tilespmem:$0x39F0] =	vst v0;
	s0 =	simm.s32 @!p0 $0x3  }
0x5a: {  	_ =	swait.ge @!p0 [sflag:s0], $0x110  }
0x5b: {  	[sflag:s0] =	ssyncset.done @!p0 $0x0  }
0x5c: {  	[sflag:s0] =	ssyncadd.s32 @!p0 $0xFFFFFEF0  }
0x5d: {  	_ =	swait.ge @!p0 [sflag:s0], $0x110  }
0x5e: {  	[sflag:s0] =	ssyncset.done @!p0 $0x0  }
0x5f: {  	[sflag:s0] =	ssyncadd.s32 @!p0 $0xFFFFFEF0  }
0x60: {  	[tilespmem:$0x3A00] =	vst v1  }
0x61: {  	[tilespmem:$0x3B80] =	vst v0  }
0x62: {  	[tilespmem:$0x3A10] =	vst v1  }
0x63: {  	[tilespmem:$0x3B90] =	vst v0  }
0x64: {  	[tilespmem:$0x3A20] =	vst v1  }
0x65: {  	[tilespmem:$0x3BA0] =	vst v0  }
0x66: {  	[tilespmem:$0x3A30] =	vst v1  }
0x67: {  	[tilespmem:$0x3BB0] =	vst v0  }
0x68: {  	[tilespmem:$0x3A40] =	vst v1  }
0x69: {  	[tilespmem:$0x3BC0] =	vst v0  }
0x6a: {  	[tilespmem:$0x3A50] =	vst v1  }
0x6b: {  	[tilespmem:$0x3BD0] =	vst v0  }
0x6c: {  	[tilespmem:$0x3A60] =	vst v1  }
0x6d: {  	[tilespmem:$0x3BE0] =	vst v0  }
0x6e: {  	[tilespmem:$0x3A70] =	vst v1  }
0x6f: {  	[tilespmem:$0x3BF0] =	vst v0  }
0x70: {  	[tilespmem:$0x3A80] =	vst v1  }
0x71: {  	[tilespmem:$0x3C00] =	vst v0  }
0x72: {  	[tilespmem:$0x3A90] =	vst v1  }
0x73: {  	[tilespmem:$0x3C10] =	vst v0  }
0x74: {  	[tilespmem:$0x3AA0] =	vst v1  }
0x75: {  	[tilespmem:$0x3C20] =	vst v0  }
0x76: {  	[tilespmem:$0x3AB0] =	vst v1  }
0x77: {  	[tilespmem:$0x3C30] =	vst v0  }
0x78: {  	[tilespmem:$0x3AC0] =	vst v1  }
0x79: {  	[tilespmem:$0x3C40] =	vst v0  }
0x7a: {  	[tilespmem:$0x3AD0] =	vst v1  }
0x7b: {  	[tilespmem:$0x3C50] =	vst v0  }
0x7c: {  	[tilespmem:$0x3AE0] =	vst v1  }
0x7d: {  	[tilespmem:$0x3C60] =	vst v0  }
0x7e: {  	[tilespmem:$0x3AF0] =	vst v1  }
0x7f: {  	[tilespmem:$0x3C70] =	vst v0  }
0x80: {  	[tilespmem:$0x3B00] =	vst v1  }
0x81: {  	[tilespmem:$0x3C80] =	vst v0  }
0x82: {  	[tilespmem:$0x3B10] =	vst v1  }
0x83: {  	s28 =	simm.s32 $0x0;
	s0 =	simm.s32 $0x0;
	[tilespmem:$0x3C90] =	vst v0  }
.LBB2_5:
0x84: {  	s1 =	sshra.s32 s0, $0x2  }
0x85: {  	v4 =	vld [tilespmem:s1+$0x0];
	_ =	sdelay $0x4  }
0x86: {  	v5 =	vshra.s32 v4, $0x1F  }
0x87: {  	v5 =	vand.u32 $0x7FFFFFFF, v5  }
0x88: {  	v4 =	vxor.u32 v4, v5  }
0x89: {  	v5 =	vshra.s32 v4, $0x18  }
0x8a: {  	v6 =	vadd.s32 $0x80, v5  }
0x8b: {  	v5 =	vand.u32 $0x70, v5;
	v7 =	vshll.u32 v6, $0x4;
	v6 =	vand.u32 $0xFFFFFF80, v6  }
0x8c: {  	v7 =	vor.u32 v2, v7;
	v5 =	vor.u32 v6, v5  }
0x8d: {  	v5 =	vor.u32 v2, v5;
	_ =	sdelay $0x2  }
0x8e: {  	[tilespmem:s1+$0x1000] =	vst v4  }
0x8f: {  	[tilespmem:v7+s12+$0x0] =	vst.idx.add.s32.msk $0xffff, v3  }
0x90: {  	[tilespmem:v5+s13+$0x0] =	vst.idx.add.s32.msk $0xffff, v3  }
0x91: {  	v4 =	vld [tilespmem:s1+$0x10];
	_ =	sdelay $0x4  }
0x92: {  	v5 =	vshra.s32 v4, $0x1F  }
0x93: {  	v5 =	vand.u32 $0x7FFFFFFF, v5  }
0x94: {  	v4 =	vxor.u32 v4, v5  }
0x95: {  	v5 =	vshra.s32 v4, $0x18  }
0x96: {  	v61 =	vadd.s32 $0x80, v5  }
0x97: {  	v5 =	vand.u32 $0x70, v5;
	v62 =	vshll.u32 v61, $0x4;
	v6 =	vand.u32 $0xFFFFFF80, v61  }
0x98: {  	v5 =	vor.u32 v6, v5;
	v63 =	vor.u32 v2, v62  }
0x99: {  	p1 =	seq.s32 s0, $0x1F80;
	v5 =	vor.u32 v2, v5  }
.Ltmp1:
0x9a: {  	_ = 	snop;
	(pc) =	sbr.rel @!p1 .LBB2_5-.Ltmp1, $4  }
0x9b: {  	_ = 	snop  }
0x9c: {  	[tilespmem:s1+$0x1010] =	vst v4  }
0x9d: {  	[tilespmem:v63+s12+$0x0] =	vst.idx.add.s32.msk $0xffff, v3  }
0x9e: {  	s0 =	sadd.s32 $0x80, s0;
	[tilespmem:v5+s13+$0x0] =	vst.idx.add.s32.msk $0xffff, v3  }
0x9f: {  	s0 =	simm.s32 $0x28F0  }
0xa0: {  	v4 =	vld [tilespmem:s0+$0x0];
	_ =	sdelay $0x4  }
0xa1: {  	(xrf0) =	vadd.scan.msk.s32 $0xffff, v4;
	_ =	sdelay $0x5  }
0xa2: {  	v4, _, _ =	vpop (xrf0)  }
0xa3: {  	(v2sf) =	vpush v4, $0xF;
	_ =	sdelay $0x1  }
0xa4: {  	s21 =	simm.s32 $0x28E0  }
0xa5: {  	v4 =	vld [tilespmem:s21+$0x0]  }
0xa6: {  	s22 =	simm.s32 $0x28D0  }
0xa7: {  	v5 =	vld [tilespmem:s22+$0x0];
	_ =	sdelay $0x2  }
0xa8: {  	(xrf0) =	vadd.scan.msk.s32 $0xffff, v4;
	_ =	sdelay $0x1  }
0xa9: {  	(xrf0) =	vadd.scan.msk.s32 $0xffff, v5;
	_ =	sdelay $0x2  }
0xaa: {  	s23 =	simm.s32 $0x28C0  }
0xab: {  	v6 =	vld [tilespmem:s23+$0x0];
	v5, _, _ =	vpop (xrf0)  }
0xac: {  	s3 =	spop (v2sf);
	(v2sf) =	vpush v5, $0xF  }
0xad: {  	v5, _, _ =	vpop (xrf0)  }
0xae: {  	(v2sf) =	vpush v5, $0xF;
	_ =	sdelay $0x1  }
0xaf: {  	s31 =	simm.s32 $0x28B0;
	(xrf0) =	vadd.scan.msk.s32 $0xffff, v6  }
0xb0: {  	v4 =	vld [tilespmem:s31+$0x0];
	_ =	sdelay $0x1  }
0xb1: {  	s1 =	simm.s32 $0xF;
	s9 =	simm.s32 $0xE;
	s7 =	simm.s32 $0xD  }
0xb2: {  	s29 =	simm.s32 $0xB;
	s10 =	simm.s32 $0x28A0;
	p2 =	por $0x1, $0x1  }
0xb3: {  	s30 =	simm.s32 $0x0;
	s0 =	simm.s32 $0xC;
	s21 =	sadd.s32 $0x0, s3  }
0xb4: {  	s23 =	simm.s32 $0xA;
	s22 =	simm.s32 $0x0;
	(xrf0) =	vadd.scan.msk.s32 $0xffff, v4;
	v4, _, _ =	vpop (xrf0);
	p3 =	sgt.s32 s21, $0xFF  }
.LBB2_7:
0xb5: {  	p1 =	seq.s32 s23, $0x0;
	p2 =	por !p2, !p3;
	s3 =	smov.u32 s23  }
0xb6: {  	v5 =	vld [tilespmem:s10+$0x0];
	(v2sf) =	vpush v4, $0xF;
	s23 =	sadd.s32 $0xFFFFFFFF, s23;
	s31 =	smov.u32 s22;
	s22 =	smov.u32 s21  }
.Ltmp2:
0xb7: {  	p2 =	por !p2, !p2;
	(pc) =	sbr.rel @!p1 .LBB2_7-.Ltmp2, $4  }
0xb8: {  	s28 =	smov.u32 @p2 s1;
	s30 =	smov.u32 @p2 s31;
	s1 =	smov.u32 s9  }
0xb9: {  	s9 =	smov.u32 s7;
	s7 =	smov.u32 s0;
	s31 =	spop (v2sf)  }
0xba: {  	s0 =	smov.u32 s29;
	s29 =	smov.u32 s3;
	s21 =	sadd.s32 s21, s31  }
0xbb: {  	s10 =	sadd.s32 $0xFFFFFFF0, s10;
	p2 =	slt.s32 s22, $0x100;
	(xrf0) =	vadd.scan.msk.s32 $0xffff, v5;
	v4, _, _ =	vpop (xrf0);
	p3 =	sgt.s32 s21, $0xFF  }
0xbc: {  	_ =	sdelay $0x4  }
0xbd: {  	(v2sf) =	vpush v4, $0xF;
	v4, _, _ =	vpop (xrf0)  }
0xbe: {  	(v2sf) =	vpush v4, $0xF;
	_ =	sdelay $0x7  }
0xbf: {  	s3 =	spop (v2sf)  }
0xc0: {  	p1 =	por !p2, !p3;
	p3 =	slt.s32 s21, $0x100;
	s3 =	sadd.s32 s21, s3  }
0xc1: {  	p1 =	por !p1, !p1;
	p4 =	sgt.s32 s3, $0xFF;
	s10 =	spop (v2sf)  }
0xc2: {  	s28 =	smov.u32 @p1 s1;
	p2 =	por !p3, !p4;
	s1 =	sadd.s32 s3, s10  }
0xc3: {  	p5 =	slt.s32 s3, $0x100;
	p2 =	por !p2, !p2;
	p4 =	sgt.s32 s1, $0xFF  }
0xc4: {  	s30 =	smov.u32 @p1 s22;
	s28 =	smov.u32 @p2 s9;
	p6 =	por !p5, !p4  }
0xc5: {  	s30 =	smov.u32 @p2 s21;
	p1 =	por !p6, !p6;
	s22 =	spop (v2sf)  }
0xc6: {  	s28 =	smov.u32 @p1 s7;
	s7 =	sadd.s32 s1, s22;
	s23 =	spop (v2sf)  }
0xc7: {  	p3 =	slt.s32 s1, $0x100;
	p4 =	sgt.s32 s7, $0xFF;
	s9 =	sadd.s32 s7, s23  }
0xc8: {  	p5 =	slt.s32 s7, $0x100;
	p2 =	por !p3, !p4;
	p6 =	sgt.s32 s9, $0xFF  }
0xc9: {  	p2 =	por !p2, !p2;
	p5 =	por !p5, !p6  }
0xca: {  	s30 =	smov.u32 @p1 s3;
	s28 =	smov.u32 @p2 s0;
	p1 =	por !p5, !p5  }
0xcb: {  	s28 =	smov.u32 @p1 s29  }
0xcc: {  	s6 =	sshll.u32 s28, $0xA  }
0xcd: {  	s0 =	sshra.s32 s6, $0x2  }
0xce: {  	s0 =	sadd.s32 $0x1800, s0  }
0xcf: {  	v4 =	vmov s0;
	_ =	sdelay $0x2  }
0xd0: {  	s30 =	smov.u32 @p2 s1  }
0xd1: {  	s30 =	smov.u32 @p1 s7;
	s7 =	simm.s32 $0xF0  }
0xd2: {  	v5 =	vld.idx.msk [tilespmem:v4+s7+$0x0 ss:$0x1], $0xffff;
	_ =	sdelay $0x4  }
0xd3: {  	(xrf0) =	vadd.scan.msk.s32 $0xffff, v5;
	_ =	sdelay $0x5  }
0xd4: {  	s8 =	simm.s32 $0xE0;
	v5, _, _ =	vpop (xrf0)  }
0xd5: {  	(v2sf) =	vpush v5, $0xF;
	v5 =	vld.idx.msk [tilespmem:v4+s8+$0x0 ss:$0x1], $0xffff;
	_ =	sdelay $0x2  }
0xd6: {  	s9 =	simm.s32 $0xD0  }
0xd7: {  	s10 =	simm.s32 $0xC0;
	v6 =	vld.idx.msk [tilespmem:v4+s9+$0x0 ss:$0x1], $0xffff  }
0xd8: {  	v7 =	vld.idx.msk [tilespmem:v4+s10+$0x0 ss:$0x1], $0xffff;
	(xrf0) =	vadd.scan.msk.s32 $0xffff, v5;
	_ =	sdelay $0x3  }
0xd9: {  	(xrf0) =	vadd.scan.msk.s32 $0xffff, v6  }
0xda: {  	(xrf0) =	vadd.scan.msk.s32 $0xffff, v7  }
0xdb: {  	v6, _, _ =	vpop (xrf0)  }
0xdc: {  	(v2sf) =	vpush v6, $0xF;
	_ =	sdelay $0x2  }
0xdd: {  	v6, _, _ =	vpop (xrf0)  }
0xde: {  	(v2sf) =	vpush v6, $0xF;
	v6, _, _ =	vpop (xrf0)  }
0xdf: {  	s21 =	simm.s32 $0xB0;
	s22 =	spop (v2sf);
	(v2sf) =	vpush v6, $0xF  }
0xe0: {  	v5 =	vld.idx.msk [tilespmem:v4+s21+$0x0 ss:$0x1], $0xffff;
	_ =	sdelay $0x3  }
0xe1: {  	s0 =	sadd.s32 s30, s22  }
0xe2: {  	s23 =	simm.s32 $0xA0;
	p1 =	slt.s32 s30, $0x100;
	(xrf0) =	vadd.scan.msk.s32 $0xffff, v5;
	p6 =	sgt.s32 s0, $0xFF  }
0xe3: {  	s3 =	simm.s32 $0x240;
	s29 =	simm.s32 $0x0;
	v5 =	vld.idx.msk [tilespmem:v4+s23+$0x0 ss:$0x1], $0xffff;
	p1 =	por !p1, !p6  }
0xe4: {  	s31 =	sshllo.u32 s28, $0x4;
	s28 =	simm.s32 $0x0;
	p1 =	por !p1, !p1  }
0xe5: {  	s1 =	smov.u32 s0;
	s28 =	smov.u32 @p1 s31;
	s29 =	smov.u32 @p1 s30  }
.LBB2_9:
0xe6: {  	s7 =	sshra.s32 s3, $0x2;
	s9 =	spop (v2sf);
	p1 =	seq.s32 s3, $0x0  }
.Ltmp3:
0xe7: {  	s3 =	sadd.s32 $0xFFFFFFC0, s3;
	s0 =	sadd.s32 s0, s9;
	(pc) =	sbr.rel @!p1 .LBB2_9-.Ltmp3, $4  }
0xe8: {  	p2 =	slt.s32 s1, $0x100;
	(xrf0) =	vadd.scan.msk.s32 $0xffff, v5;
	v5 =	vld.idx.msk [tilespmem:v4+s7+$0x0 ss:$0x1], $0xffff;
	v6, _, _ =	vpop (xrf0);
	p3 =	sgt.s32 s0, $0xFF  }
0xe9: {  	(v2sf) =	vpush v6, $0xF;
	p2 =	por !p2, !p3  }
0xea: {  	s31 =	sadd.s32 $0xFFFFFFFF, s31;
	p2 =	por !p2, !p2  }
0xeb: {  	s28 =	smov.u32 @p2 s31;
	s29 =	smov.u32 @p2 s1;
	s1 =	smov.u32 s0  }
0xec: {  	_ = 	snop  }
0xed: {  	(xrf0) =	vadd.scan.msk.s32 $0xffff, v5;
	_ =	sdelay $0x4  }
0xee: {  	v4, _, _ =	vpop (xrf0)  }
0xef: {  	(v2sf) =	vpush v4, $0xF;
	v4, _, _ =	vpop (xrf0)  }
0xf0: {  	(v2sf) =	vpush v4, $0xF;
	_ =	sdelay $0x4  }
0xf1: {  	s3 =	spop (v2sf)  }
0xf2: {  	p1 =	slt.s32 s1, $0x100;
	s0 =	sadd.s32 s0, s3  }
0xf3: {  	s7 =	sadd.s32 $0xFFFFFFFF, s31;
	s23 =	spop (v2sf);
	p2 =	sgt.s32 s0, $0xFF  }
0xf4: {  	s3 =	sadd.s32 s0, s23;
	p5 =	slt.s32 s0, $0x100;
	p1 =	por !p1, !p2  }
0xf5: {  	p3 =	sgt.s32 s3, $0xFF;
	p6 =	slt.s32 s3, $0x100;
	p1 =	por !p1, !p1  }
0xf6: {  	p2 =	por !p5, !p3;
	s28 =	smov.u32 @p1 s7;
	s9 =	spop (v2sf)  }
0xf7: {  	p2 =	por !p2, !p2;
	s7 =	sadd.s32 $0xFFFFFFFF, s7;
	s9 =	sadd.s32 s3, s9  }
0xf8: {  	s29 =	smov.u32 @p1 s1;
	s28 =	smov.u32 @p2 s7;
	p4 =	sgt.s32 s9, $0xFF  }
0xf9: {  	s29 =	smov.u32 @p2 s0;
	s1 =	sadd.s32 $0xFFFFFFFF, s7;
	p3 =	por !p6, !p4  }
0xfa: {  	p4 =	slt.s32 s9, $0x100;
	p1 =	por !p3, !p3;
	s30 =	spop (v2sf)  }
0xfb: {  	s28 =	smov.u32 @p1 s1;
	s0 =	sadd.s32 s9, s30;
	s31 =	spop (v2sf)  }
0xfc: {  	s1 =	sadd.s32 $0xFFFFFFFF, s1;
	p5 =	sgt.s32 s0, $0xFF;
	s7 =	sadd.s32 s0, s31  }
0xfd: {  	p2 =	por !p4, !p5;
	p5 =	slt.s32 s0, $0x100;
	p6 =	sgt.s32 s7, $0xFF  }
0xfe: {  	s29 =	smov.u32 @p1 s3;
	p2 =	por !p2, !p2;
	p6 =	por !p5, !p6  }
0xff: {  	s28 =	smov.u32 @p2 s1;
	s1 =	sadd.s32 $0xFFFFFFFF, s1;
	p1 =	por !p6, !p6  }
0x100: {  	s29 =	smov.u32 @p2 s9;
	s28 =	smov.u32 @p1 s1  }
0x101: {  	s29 =	smov.u32 @p1 s0;
	s0 =	simm.s32 $0x0;
	v4 =	vmov s28  }
.LBB2_11:
0x102: {  	s1 =	sshra.s32 s0, $0x2  }
0x103: {  	v5 =	vld [tilespmem:s1+$0x1000];
	_ =	sdelay $0x4  }
0x104: {  	v6 =	vshra.s32 v5, $0x18;
	v5 =	vshrl.u32 v5, $0x10  }
0x105: {  	v6 =	vadd.s32 $0x80, v6;
	v7 =	vshll.u32 v5, $0x4  }
0x106: {  	vm0 =	veq.s32 v6, v4;
	v6 =	vor.u32 v2, v7  }
0x107: {  	v5 =	vand.u32 $0xF0, v5;
	v6 =	vand.u32 $0xFFF, v6  }
0x108: {  	v5 =	vor.u32 v2, v5;
	_ =	sdelay $0x3  }
0x109: {  	[tilespmem:v6+s14+$0x0] =	vst.idx.add.s32.msk vm0, v3  }
0x10a: {  	[tilespmem:v5+s15+$0x0] =	vst.idx.add.s32.msk vm0, v3  }
0x10b: {  	v5 =	vld [tilespmem:s1+$0x1010];
	_ =	sdelay $0x4  }
0x10c: {  	v6 =	vshra.s32 v5, $0x18;
	v5 =	vshrl.u32 v5, $0x10  }
0x10d: {  	v6 =	vadd.s32 $0x80, v6;
	v7 =	vshll.u32 v5, $0x4  }
0x10e: {  	vm15 =	veq.s32 v6, v4;
	v6 =	vor.u32 v2, v7  }
0x10f: {  	v5 =	vand.u32 $0xF0, v5;
	v6 =	vand.u32 $0xFFF, v6  }
0x110: {  	p1 =	sne.s32 s0, $0x1F80;
	v5 =	vor.u32 v2, v5  }
.Ltmp4:
0x111: {  	_ = 	snop;
	(pc) =	sbr.rel @p1 .LBB2_11-.Ltmp4, $3  }
0x112: {  	_ =	sdelay $0x1  }
0x113: {  	[tilespmem:v6+s14+$0x0] =	vst.idx.add.s32.msk vm15, v3  }
0x114: {  	s0 =	sadd.s32 $0x80, s0;
	[tilespmem:v5+s15+$0x0] =	vst.idx.add.s32.msk vm15, v3  }
0x115: {  	s0 =	simm.s32 $0x39F0  }
0x116: {  	v4 =	vld [tilespmem:s0+$0x0];
	_ =	sdelay $0x4  }
0x117: {  	(xrf0) =	vadd.scan.msk.s32 $0xffff, v4;
	_ =	sdelay $0x5  }
0x118: {  	v4, _, _ =	vpop (xrf0)  }
0x119: {  	(v2sf) =	vpush v4, $0xF;
	_ =	sdelay $0x1  }
0x11a: {  	s10 =	simm.s32 $0x39E0  }
0x11b: {  	v4 =	vld [tilespmem:s10+$0x0]  }
0x11c: {  	s21 =	simm.s32 $0x39D0  }
0x11d: {  	v5 =	vld [tilespmem:s21+$0x0];
	_ =	sdelay $0x2  }
0x11e: {  	(xrf0) =	vadd.scan.msk.s32 $0xffff, v4;
	_ =	sdelay $0x1  }
0x11f: {  	(xrf0) =	vadd.scan.msk.s32 $0xffff, v5;
	_ =	sdelay $0x2  }
0x120: {  	s22 =	simm.s32 $0x39C0  }
0x121: {  	v6 =	vld [tilespmem:s22+$0x0];
	v5, _, _ =	vpop (xrf0)  }
0x122: {  	s3 =	spop (v2sf);
	(v2sf) =	vpush v5, $0xF  }
0x123: {  	v5, _, _ =	vpop (xrf0)  }
0x124: {  	(v2sf) =	vpush v5, $0xF;
	_ =	sdelay $0x1  }
0x125: {  	s23 =	simm.s32 $0x39B0;
	(xrf0) =	vadd.scan.msk.s32 $0xffff, v6  }
0x126: {  	v4 =	vld [tilespmem:s23+$0x0]  }
0x127: {  	s29 =	ssub.s32 $0x100, s29;
	s30 =	simm.s32 $0x0  }
0x128: {  	s7 =	simm.s32 $0xF;
	s9 =	simm.s32 $0xD;
	s1 =	simm.s32 $0xC  }
0x129: {  	s31 =	simm.s32 $0x0;
	s21 =	simm.s32 $0xE;
	s0 =	simm.s32 $0xB  }
0x12a: {  	p2 =	sgt.s32 s29, $0x0;
	s10 =	simm.s32 $0xA;
	s22 =	sadd.s32 $0x0, s3  }
0x12b: {  	s23 =	simm.s32 $0x0;
	(xrf0) =	vadd.scan.msk.s32 $0xffff, v4;
	s3 =	simm.s32 $0x39A0;
	v4, _, _ =	vpop (xrf0);
	p3 =	sge.s32 s22, s29  }
.LBB2_13:
0x12c: {  	p1 =	seq.s32 s10, $0x0;
	p2 =	por !p2, !p3;
	s6 =	smov.u32 s10  }
0x12d: {  	v5 =	vld [tilespmem:s3+$0x0];
	(v2sf) =	vpush v4, $0xF;
	s10 =	sadd.s32 $0xFFFFFFFF, s10;
	s8 =	smov.u32 s23;
	s23 =	smov.u32 s22  }
.Ltmp5:
0x12e: {  	p2 =	por !p2, !p2;
	(pc) =	sbr.rel @!p1 .LBB2_13-.Ltmp5, $4  }
0x12f: {  	s30 =	smov.u32 @p2 s7;
	s31 =	smov.u32 @p2 s8;
	s7 =	smov.u32 s21  }
0x130: {  	s21 =	smov.u32 s9;
	s9 =	smov.u32 s1;
	s8 =	spop (v2sf)  }
0x131: {  	s1 =	smov.u32 s0;
	s0 =	smov.u32 s6;
	s22 =	sadd.s32 s22, s8  }
0x132: {  	s3 =	sadd.s32 $0xFFFFFFF0, s3;
	p2 =	slt.s32 s23, s29;
	(xrf0) =	vadd.scan.msk.s32 $0xffff, v5;
	v4, _, _ =	vpop (xrf0);
	p3 =	sge.s32 s22, s29  }
0x133: {  	_ =	sdelay $0x4  }
0x134: {  	(v2sf) =	vpush v4, $0xF;
	v4, _, _ =	vpop (xrf0)  }
0x135: {  	(v2sf) =	vpush v4, $0xF;
	_ =	sdelay $0x7  }
0x136: {  	s3 =	spop (v2sf)  }
0x137: {  	p1 =	por !p2, !p3;
	s3 =	sadd.s32 s22, s3  }
0x138: {  	p4 =	slt.s32 s22, s29;
	p1 =	por !p1, !p1;
	p5 =	sge.s32 s3, s29  }
0x139: {  	s30 =	smov.u32 @p1 s7;
	p6 =	slt.s32 s3, s29;
	p2 =	por !p4, !p5  }
0x13a: {  	s31 =	smov.u32 @p1 s23;
	p2 =	por !p2, !p2;
	s6 =	spop (v2sf)  }
0x13b: {  	s30 =	smov.u32 @p2 s21;
	s31 =	smov.u32 @p2 s22;
	s6 =	sadd.s32 s3, s6  }
0x13c: {  	p4 =	sge.s32 s6, s29;
	p5 =	slt.s32 s6, s29;
	s23 =	spop (v2sf)  }
0x13d: {  	p4 =	por !p6, !p4;
	s7 =	sadd.s32 s6, s23;
	s8 =	spop (v2sf)  }
0x13e: {  	p1 =	por !p4, !p4;
	p6 =	sge.s32 s7, s29;
	s8 =	sadd.s32 s7, s8  }
0x13f: {  	p4 =	slt.s32 s7, s29;
	p2 =	por !p5, !p6;
	p5 =	sge.s32 s8, s29  }
0x140: {  	s30 =	smov.u32 @p1 s9;
	p2 =	por !p2, !p2;
	p6 =	por !p4, !p5  }
0x141: {  	s31 =	smov.u32 @p1 s3;
	s30 =	smov.u32 @p2 s1;
	p1 =	por !p6, !p6  }
0x142: {  	s30 =	smov.u32 @p1 s0  }
0x143: {  	s0 =	sshll.u32 s30, $0xA  }
0x144: {  	s0 =	sshra.s32 s0, $0x2  }
0x145: {  	s31 =	smov.u32 @p2 s6;
	s6 =	sadd.s32 $0x2900, s0  }
0x146: {  	v4 =	vmov s6;
	_ =	sdelay $0x3  }
0x147: {  	s31 =	smov.u32 @p1 s7;
	s7 =	simm.s32 $0xF0  }
0x148: {  	v5 =	vld.idx.msk [tilespmem:v4+s7+$0x0 ss:$0x1], $0xffff;
	_ =	sdelay $0x4  }
0x149: {  	(xrf0) =	vadd.scan.msk.s32 $0xffff, v5;
	_ =	sdelay $0x5  }
0x14a: {  	s8 =	simm.s32 $0xE0;
	v5, _, _ =	vpop (xrf0)  }
0x14b: {  	(v2sf) =	vpush v5, $0xF;
	v5 =	vld.idx.msk [tilespmem:v4+s8+$0x0 ss:$0x1], $0xffff;
	_ =	sdelay $0x1  }
0x14c: {  	s9 =	simm.s32 $0xD0  }
0x14d: {  	s10 =	simm.s32 $0xC0;
	v6 =	vld.idx.msk [tilespmem:v4+s9+$0x0 ss:$0x1], $0xffff  }
0x14e: {  	v7 =	vld.idx.msk [tilespmem:v4+s10+$0x0 ss:$0x1], $0xffff  }
0x14f: {  	(xrf0) =	vadd.scan.msk.s32 $0xffff, v5;
	_ =	sdelay $0x2  }
0x150: {  	(xrf0) =	vadd.scan.msk.s32 $0xffff, v6  }
0x151: {  	(xrf0) =	vadd.scan.msk.s32 $0xffff, v7;
	_ =	sdelay $0x1  }
0x152: {  	v6, _, _ =	vpop (xrf0)  }
0x153: {  	(v2sf) =	vpush v6, $0xF;
	_ =	sdelay $0x1  }
0x154: {  	v6, _, _ =	vpop (xrf0)  }
0x155: {  	(v2sf) =	vpush v6, $0xF;
	v6, _, _ =	vpop (xrf0)  }
0x156: {  	s22 =	spop (v2sf);
	(v2sf) =	vpush v6, $0xF;
	_ =	sdelay $0x1  }
0x157: {  	s21 =	simm.s32 $0xB0  }
0x158: {  	v5 =	vld.idx.msk [tilespmem:v4+s21+$0x0 ss:$0x1], $0xffff;
	_ =	sdelay $0x2  }
0x159: {  	s3 =	simm.s32 $0x0;
	s1 =	sadd.s32 s31, s22  }
0x15a: {  	s23 =	simm.s32 $0xA0;
	s0 =	sshllo.u32 s30, $0x4;
	p1 =	sge.s32 s1, s29  }
0x15b: {  	p2 =	slt.s32 s31, s29;
	s30 =	simm.s32 $0x0;
	(xrf0) =	vadd.scan.msk.s32 $0xffff, v5;
	v5 =	vld.idx.msk [tilespmem:v4+s23+$0x0 ss:$0x1], $0xffff;
	s3 =	smov.u32 @p1 s0  }
0x15c: {  	s7 =	simm.s32 $0x240;
	s30 =	smov.u32 @p2 s3;
	s3 =	smov.u32 s1  }
.LBB2_15:
0x15d: {  	p1 =	sne.s32 s7, $0x0  }
.Ltmp6:
0x15e: {  	s6 =	sshra.s32 s7, $0x2;
	s8 =	spop (v2sf);
	(pc) =	sbr.rel @p1 .LBB2_15-.Ltmp6, $4  }
0x15f: {  	s7 =	sadd.s32 $0xFFFFFFC0, s7;
	s1 =	sadd.s32 s1, s8  }
0x160: {  	s0 =	sadd.s32 $0xFFFFFFFF, s0;
	(xrf0) =	vadd.scan.msk.s32 $0xffff, v5;
	v5 =	vld.idx.msk [tilespmem:v4+s6+$0x0 ss:$0x1], $0xffff;
	p2 =	sge.s32 s1, s29;
	s6 =	smov.u32 s30;
	v6, _, _ =	vpop (xrf0)  }
0x161: {  	p3 =	slt.s32 s3, s29;
	s3 =	smov.u32 s1;
	s6 =	smov.u32 @p2 s0;
	(v2sf) =	vpush v6, $0xF  }
0x162: {  	s30 =	smov.u32 @p3 s6  }
0x163: {  	_ =	sdelay $0x1  }
0x164: {  	(xrf0) =	vadd.scan.msk.s32 $0xffff, v5;
	_ =	sdelay $0x2  }
0x165: {  	v4, _, _ =	vpop (xrf0)  }
0x166: {  	(v2sf) =	vpush v4, $0xF;
	_ =	sdelay $0x1  }
0x167: {  	v4, _, _ =	vpop (xrf0)  }
0x168: {  	(v2sf) =	vpush v4, $0xF;
	_ =	sdelay $0x2  }
0x169: {  	s6 =	spop (v2sf)  }
0x16a: {  	s1 =	sadd.s32 s1, s6  }
0x16b: {  	s0 =	sadd.s32 $0xFFFFFFFF, s0;
	s6 =	smov.u32 s30;
	p1 =	sge.s32 s1, s29  }
0x16c: {  	p2 =	slt.s32 s3, s29;
	s10 =	spop (v2sf);
	s6 =	smov.u32 @p1 s0  }
0x16d: {  	s3 =	sadd.s32 s1, s10;
	s30 =	smov.u32 @p2 s6  }
0x16e: {  	p1 =	sge.s32 s3, s29;
	s0 =	sadd.s32 $0xFFFFFFFF, s0;
	s6 =	smov.u32 s30  }
0x16f: {  	p2 =	slt.s32 s1, s29;
	s6 =	smov.u32 @p1 s0;
	s21 =	spop (v2sf)  }
0x170: {  	s30 =	smov.u32 @p2 s6;
	s1 =	sadd.s32 s3, s21  }
0x171: {  	s0 =	sadd.s32 $0xFFFFFFFF, s0;
	s6 =	smov.u32 s30;
	p1 =	sge.s32 s1, s29  }
0x172: {  	p2 =	slt.s32 s3, s29;
	s6 =	smov.u32 @p1 s0;
	s22 =	spop (v2sf)  }
0x173: {  	s30 =	smov.u32 @p2 s6;
	s3 =	sadd.s32 s1, s22  }
0x174: {  	s0 =	sadd.s32 $0xFFFFFFFF, s0;
	s6 =	smov.u32 s30;
	p1 =	sge.s32 s3, s29  }
0x175: {  	p2 =	slt.s32 s1, s29;
	s6 =	smov.u32 @p1 s0;
	s23 =	spop (v2sf)  }
0x176: {  	s30 =	smov.u32 @p2 s6;
	s1 =	sadd.s32 s3, s23  }
0x177: {  	s0 =	sadd.s32 $0xFFFFFFFF, s0;
	p1 =	sge.s32 s1, s29;
	s1 =	smov.u32 s30  }
0x178: {  	s7 =	simm.s32 $0x1010;
	p2 =	slt.s32 s3, s29;
	s1 =	smov.u32 @p1 s0  }
0x179: {  	v5 =	vld [tilespmem:s7+$0xFFFFFFF0];
	s30 =	smov.u32 @p2 s1  }
0x17a: {  	s8 =	sshll.u32 s28, $0x18;
	s9 =	sshll.u32 s30, $0x10  }
0x17b: {  	s1 =	sadd.s32 s8, s9  }
0x17c: {  	s1 =	sadd.s32 $0x80000000, s1  }
0x17d: {  	v4 =	vmov s1  }
0x17e: {  	vm0 =	vge.s32 v5, v4  }
0x17f: {  	v6 =	vsel vm0, $0x1, v0  }
0x180: {  	(xrf0) =	vadd.scan.msk.s32 $0xffff, v6;
	_ =	sdelay $0x1  }
0x181: {  	s10 =	simm.s32 $0x0  }
0x182: {  	v6 =	vmov s10  }
0x183: {  	v6 =	vadd.s32 $0xFFFFFFFF, v6  }
0x184: {  	v6 =	vbroadcast v6, $0x0  }
0x185: {  	v7, _, _ =	vpop (xrf0)  }
0x186: {  	v6 =	vadd.s32 v7, v6  }
0x187: {  	v7 =	vxor.u32 $0x80000000, v7;
	vm1 =	vlt.s32 v6, $0x110  }
0x188: {  	vm2 =	vgt.s32 v6, $0x0;
	(xrf0) =	vmax.scan.msk.u32 $0xffff, v7;
	vm0 =	vmand vm0, vm1  }
0x189: {  	v6 =	vnsel vm2, $0x0, v6;
	_ =	sdelay $0x4  }
0x18a: {  	v7, _, _ =	vpop (xrf0);
	[tilespmem:v6+s16+$0x0] =	vst.idx.msk vm0, v5;
	v5 =	vor.u32 s10, v2  }
0x18b: {  	(v2sf) =	vpush v7, $0xF;
	[tilespmem:v6+s17+$0x0] =	vst.idx.msk vm0, v5  }
0x18c: {  	v5 =	vld [tilespmem:s7+$0x0];
	_ =	sdelay $0x4  }
0x18d: {  	vm0 =	vge.s32 v5, v4  }
0x18e: {  	v6 =	vsel vm0, $0x1, v0  }
0x18f: {  	(xrf0) =	vadd.scan.msk.s32 $0xffff, v6;
	_ =	sdelay $0x5  }
0x190: {  	v6, _, _ =	vpop (xrf0)  }
0x191: {  	s21 =	spop (v2sf);
	v7 =	vxor.u32 $0x80000000, v6  }
0x192: {  	s0 =	sadd.s32 $0x0, s21;
	(xrf0) =	vmax.scan.msk.u32 $0xffff, v7  }
0x193: {  	s0 =	sadd.s32 $0x80000000, s0  }
0x194: {  	p1 =	slt.s32 s0, $0x110  }
0x195: {  	s0 =	simm.s32 @!p1 $0x110  }
0x196: {  	v7 =	vmov s0  }
0x197: {  	v7 =	vadd.s32 $0xFFFFFFFF, v7  }
0x198: {  	v7 =	vbroadcast v7, $0x0;
	v8, _, _ =	vpop (xrf0)  }
0x199: {  	(v2sf) =	vpush v8, $0xF  }
0x19a: {  	v6 =	vadd.s32 v6, v7  }
0x19b: {  	vm1 =	vlt.s32 v6, $0x110  }
0x19c: {  	vm2 =	vgt.s32 v6, $0x0;
	vm0 =	vmand vm0, vm1  }
0x19d: {  	v6 =	vnsel vm2, $0x0, v6;
	_ =	sdelay $0x3  }
0x19e: {  	s22 =	simm.s32 $0x10  }
0x19f: {  	[tilespmem:v6+s16+$0x0] =	vst.idx.msk vm0, v5;
	v5 =	vor.u32 s22, v2  }
0x1a0: {  	s29 =	simm.s32 $0x1030;
	[tilespmem:v6+s17+$0x0] =	vst.idx.msk vm0, v5  }
0x1a1: {  	v5 =	vld [tilespmem:s29+$0xFFFFFFF0];
	_ =	sdelay $0x3  }
0x1a2: {  	s23 =	spop (v2sf)  }
0x1a3: {  	vm0 =	vge.s32 v5, v4;
	s0 =	sadd.s32 s23, s0  }
0x1a4: {  	v6 =	vsel vm0, $0x1, v0;
	s31 =	sadd.s32 $0x80000000, s0  }
0x1a5: {  	s28 =	simm.s32 $0x20;
	s30 =	simm.s32 $0x40;
	(xrf0) =	vadd.scan.msk.s32 $0xffff, v6;
	p2 =	slt.s32 s31, $0x110  }
.LBB2_17:
0x1a6: {  	p1 =	sne.s32 s30, $0x7E0  }
0x1a7: {  	s31 =	simm.s32 @!p2 $0x110;
	s0 =	smov.u32 s30;
	s30 =	sadd.s32 $0x20, s30  }
0x1a8: {  	v6 =	vmov s31  }
0x1a9: {  	v6 =	vadd.s32 $0xFFFFFFFF, v6  }
0x1aa: {  	v6 =	vbroadcast v6, $0x0  }
0x1ab: {  	v7, _, _ =	vpop (xrf0)  }
0x1ac: {  	v6 =	vadd.s32 v7, v6;
	v7 =	vxor.u32 $0x80000000, v7  }
0x1ad: {  	vm1 =	vgt.s32 v6, $0x0;
	vm2 =	vlt.s32 v6, $0x110;
	(xrf0) =	vmax.scan.msk.u32 $0xffff, v7  }
0x1ae: {  	vm0 =	vmand vm0, vm2  }
0x1af: {  	v6 =	vnsel vm1, $0x0, v6;
	_ =	sdelay $0x3  }
0x1b0: {  	v7, _, _ =	vpop (xrf0)  }
0x1b1: {  	[tilespmem:v6+s16+$0x0] =	vst.idx.msk vm0, v5;
	v5 =	vor.u32 s28, v2;
	(v2sf) =	vpush v7, $0xF  }
0x1b2: {  	[tilespmem:v6+s17+$0x0] =	vst.idx.msk vm0, v5  }
0x1b3: {  	v5 =	vld [tilespmem:s29+$0x0];
	_ =	sdelay $0x4  }
0x1b4: {  	vm0 =	vge.s32 v5, v4  }
0x1b5: {  	v6 =	vsel vm0, $0x1, v0  }
0x1b6: {  	(xrf0) =	vadd.scan.msk.s32 $0xffff, v6;
	_ =	sdelay $0x5  }
0x1b7: {  	s1 =	spop (v2sf);
	v6, _, _ =	vpop (xrf0)  }
0x1b8: {  	s1 =	sadd.s32 s1, s31;
	v7 =	vxor.u32 $0x80000000, v6  }
0x1b9: {  	s1 =	sadd.s32 $0x80000000, s1;
	(xrf0) =	vmax.scan.msk.u32 $0xffff, v7  }
0x1ba: {  	p2 =	slt.s32 s1, $0x110  }
0x1bb: {  	s1 =	simm.s32 @!p2 $0x110  }
0x1bc: {  	v7 =	vmov s1  }
0x1bd: {  	v7 =	vadd.s32 $0xFFFFFFFF, v7  }
0x1be: {  	v7 =	vbroadcast v7, $0x0  }
0x1bf: {  	v8, _, _ =	vpop (xrf0)  }
0x1c0: {  	v6 =	vadd.s32 v6, v7;
	(v2sf) =	vpush v8, $0xF  }
0x1c1: {  	vm1 =	vgt.s32 v6, $0x0;
	vm2 =	vlt.s32 v6, $0x110  }
0x1c2: {  	vm0 =	vmand vm0, vm2  }
0x1c3: {  	v6 =	vnsel vm1, $0x0, v6;
	_ =	sdelay $0x3  }
0x1c4: {  	s3 =	sadd.s32 $0x10, s28;
	s28 =	smov.u32 s0  }
0x1c5: {  	[tilespmem:v6+s16+$0x0] =	vst.idx.msk vm0, v5;
	v5 =	vor.u32 s3, v2  }
0x1c6: {  	s29 =	sadd.s32 $0x20, s29;
	[tilespmem:v6+s17+$0x0] =	vst.idx.msk vm0, v5  }
0x1c7: {  	v5 =	vld [tilespmem:s29+$0xFFFFFFF0];
	_ =	sdelay $0x3  }
.Ltmp7:
0x1c8: {  	(pc) =	sbr.rel @p1 .LBB2_17-.Ltmp7, $4  }
0x1c9: {  	vm0 =	vge.s32 v5, v4;
	s0 =	spop (v2sf)  }
0x1ca: {  	v6 =	vsel vm0, $0x1, v0;
	s0 =	sadd.s32 s0, s1  }
0x1cb: {  	(xrf0) =	vadd.scan.msk.s32 $0xffff, v6;
	s31 =	sadd.s32 $0x80000000, s0  }
0x1cc: {  	p2 =	slt.s32 s31, $0x110  }
0x1cd: {  	s31 =	simm.s32 @!p2 $0x110  }
0x1ce: {  	v6 =	vmov s31  }
0x1cf: {  	v6 =	vadd.s32 $0xFFFFFFFF, v6  }
0x1d0: {  	v6 =	vbroadcast v6, $0x0  }
0x1d1: {  	v7, _, _ =	vpop (xrf0)  }
0x1d2: {  	v6 =	vadd.s32 v7, v6;
	v7 =	vxor.u32 $0x80000000, v7  }
0x1d3: {  	vm1 =	vlt.s32 v6, $0x110;
	(xrf0) =	vmax.scan.msk.u32 $0xffff, v7  }
0x1d4: {  	vm2 =	vgt.s32 v6, $0x0;
	vm0 =	vmand vm0, vm1  }
0x1d5: {  	v6 =	vnsel vm2, $0x0, v6;
	_ =	sdelay $0x3  }
0x1d6: {  	v7, _, _ =	vpop (xrf0)  }
0x1d7: {  	[tilespmem:v6+s16+$0x0] =	vst.idx.msk vm0, v5;
	v5 =	vor.u32 s28, v2;
	(v2sf) =	vpush v7, $0xF  }
0x1d8: {  	[tilespmem:v6+s17+$0x0] =	vst.idx.msk vm0, v5  }
0x1d9: {  	v5 =	vld [tilespmem:s29+$0x0];
	_ =	sdelay $0x4  }
0x1da: {  	vm13 =	vge.s32 v5, v4  }
0x1db: {  	v4 =	vsel vm13, $0x1, v0  }
0x1dc: {  	(xrf0) =	vadd.scan.msk.s32 $0xffff, v4;
	_ =	sdelay $0x5  }
0x1dd: {  	s0 =	spop (v2sf);
	v4, _, _ =	vpop (xrf0)  }
0x1de: {  	s0 =	sadd.s32 s0, s31;
	v61 =	vxor.u32 $0x80000000, v4  }
0x1df: {  	s0 =	sadd.s32 $0x80000000, s0;
	(xrf0) =	vmax.scan.msk.u32 $0xffff, v61  }
0x1e0: {  	p1 =	slt.s32 s0, $0x110  }
0x1e1: {  	s0 =	simm.s32 @!p1 $0x110  }
0x1e2: {  	v62 =	vmov s0  }
0x1e3: {  	v6 =	vadd.s32 $0xFFFFFFFF, v62  }
0x1e4: {  	v6 =	vbroadcast v6, $0x0  }
0x1e5: {  	v63, _, _ =	vpop (xrf0)  }
0x1e6: {  	v4 =	vadd.s32 v4, v6;
	(v2sf) =	vpush v63, $0xF  }
0x1e7: {  	vm14 =	vlt.s32 v4, $0x110  }
0x1e8: {  	vm15 =	vgt.s32 v4, $0x0;
	vm0 =	vmand vm13, vm14  }
0x1e9: {  	v4 =	vnsel vm15, $0x0, v4;
	_ =	sdelay $0x3  }
0x1ea: {  	s1 =	smul.u32 $0x22, s26;
	s28 =	sadd.s32 $0x10, s28  }
0x1eb: {  	[tilespmem:v4+s16+$0x0] =	vst.idx.msk vm0, v5;
	v5 =	vor.u32 s28, v2  }
0x1ec: {  	s29 =	sadd.s32 s4, s1;
	p1 =	seq.s32 s24, $0x1F;
	[tilespmem:v4+s17+$0x0] =	vst.idx.msk vm0, v5  }
0x1ed: {  	[hbm4b:s29+s2] =	stream.linear.scatter [tilespmem:s16], [sflag:$0x3], $0x110, $0x38;
	[tilespmem:$0x4000] =	vst v63  }
0x1ee: {  	s30 =	sadd.s32 s5, s1;
	s1 =	rddreg [dreg:$0x5];
	s0 =	sshll.u32 @!p1 s26, $0x8  }
0x1ef: {  	[hbm4b:s30+s2] =	stream.linear.scatter [tilespmem:s17], [sflag:$0x3], $0x110, $0x38;
	[tilespmem:$0x4000] =	vst v63  }
0x1f0: {  	s0 =	sadd.s32 @!p1 s0, s1;
	s1 =	simm.s32 @!p1 $0x0  }
0x1f1: {  	[tilespmem:s1], [sflag:$0x1] =	stream.linear.gather @!p1 [hbm4b:s0+s1], $0x800, $0x38;
	[tilespmem:$0x4000] =	vst v63  }
0x1f2: {  	s31 =	spop (v2sf)  }
0x1f3: {  	_ =	swait.ge [sflag:s18], $0x800  }
0x1f4: {  	[sflag:s18] =	ssyncset.done $0x0  }
0x1f5: {  	s0 =	simm.s32 $0x0;
	s1 =	simm.s32 $0x200;
	[sflag:s18] =	ssyncadd.s32 $0xFFFFF800  }
.LBB2_19:
0x1f6: {  	p1 =	sne.s32 s1, $0x3E00;
	[tilespmem:s0+$0x2970] =	vst v0  }
0x1f7: {  	[tilespmem:s0+$0x1800] =	vst v0  }
0x1f8: {  	[tilespmem:s0+$0x2900] =	vst v0  }
0x1f9: {  	[tilespmem:s0+$0x1810] =	vst v0  }
0x1fa: {  	[tilespmem:s0+$0x2910] =	vst v0  }
0x1fb: {  	[tilespmem:s0+$0x1820] =	vst v0  }
0x1fc: {  	[tilespmem:s0+$0x2920] =	vst v0  }
0x1fd: {  	[tilespmem:s0+$0x1830] =	vst v0  }
0x1fe: {  	[tilespmem:s0+$0x2930] =	vst v0  }
0x1ff: {  	[tilespmem:s0+$0x1840] =	vst v0  }
0x200: {  	[tilespmem:s0+$0x2940] =	vst v0  }
.Ltmp8:
0x201: {  	[tilespmem:s0+$0x1850] =	vst v0;
	(pc) =	sbr.rel @p1 .LBB2_19-.Ltmp8, $4  }
0x202: {  	[tilespmem:s0+$0x2950] =	vst v0  }
0x203: {  	[tilespmem:s0+$0x1860] =	vst v0  }
0x204: {  	[tilespmem:s0+$0x2960] =	vst v0  }
0x205: {  	[tilespmem:s0+$0x1870] =	vst v0;
	s0 =	sshra.s32 s1, $0x2;
	s1 =	sadd.s32 $0x200, s1  }
0x206: {  	[tilespmem:s0+$0x2970] =	vst v0  }
0x207: {  	[tilespmem:s0+$0x1800] =	vst v0  }
0x208: {  	[tilespmem:s0+$0x2900] =	vst v0  }
0x209: {  	[tilespmem:s0+$0x1810] =	vst v0  }
0x20a: {  	[tilespmem:s0+$0x2910] =	vst v0  }
0x20b: {  	[tilespmem:s0+$0x1820] =	vst v0  }
0x20c: {  	[tilespmem:s0+$0x2920] =	vst v0  }
0x20d: {  	[tilespmem:s0+$0x1830] =	vst v0  }
0x20e: {  	[tilespmem:s0+$0x2930] =	vst v0  }
0x20f: {  	[tilespmem:s0+$0x1840] =	vst v0  }
0x210: {  	[tilespmem:s0+$0x2940] =	vst v0  }
0x211: {  	[tilespmem:s0+$0x1850] =	vst v0  }
0x212: {  	[tilespmem:s0+$0x2950] =	vst v0  }
0x213: {  	[tilespmem:s0+$0x1860] =	vst v0  }
0x214: {  	[tilespmem:s0+$0x2960] =	vst v0  }
0x215: {  	[tilespmem:s0+$0x1870] =	vst v0  }
0x216: {  	[tilespmem:$0x2800] =	vst v0  }
0x217: {  	[tilespmem:$0x3900] =	vst v0  }
0x218: {  	[tilespmem:$0x2810] =	vst v0  }
0x219: {  	[tilespmem:$0x3910] =	vst v0  }
0x21a: {  	[tilespmem:$0x2820] =	vst v0  }
0x21b: {  	[tilespmem:$0x3920] =	vst v0  }
0x21c: {  	[tilespmem:$0x2830] =	vst v0  }
0x21d: {  	[tilespmem:$0x3930] =	vst v0  }
0x21e: {  	[tilespmem:$0x2840] =	vst v0  }
0x21f: {  	[tilespmem:$0x3940] =	vst v0  }
0x220: {  	[tilespmem:$0x2850] =	vst v0  }
0x221: {  	[tilespmem:$0x3950] =	vst v0  }
0x222: {  	[tilespmem:$0x2860] =	vst v0  }
0x223: {  	[tilespmem:$0x3960] =	vst v0  }
0x224: {  	[tilespmem:$0x2870] =	vst v0  }
0x225: {  	[tilespmem:$0x3970] =	vst v0  }
0x226: {  	[tilespmem:$0x2880] =	vst v0  }
0x227: {  	[tilespmem:$0x3980] =	vst v0  }
0x228: {  	[tilespmem:$0x2890] =	vst v0  }
0x229: {  	[tilespmem:$0x3990] =	vst v0  }
0x22a: {  	[tilespmem:$0x28A0] =	vst v0  }
0x22b: {  	[tilespmem:$0x39A0] =	vst v0  }
0x22c: {  	[tilespmem:$0x28B0] =	vst v0  }
0x22d: {  	[tilespmem:$0x39B0] =	vst v0  }
0x22e: {  	[tilespmem:$0x28C0] =	vst v0  }
0x22f: {  	[tilespmem:$0x39C0] =	vst v0  }
0x230: {  	[tilespmem:$0x28D0] =	vst v0  }
0x231: {  	[tilespmem:$0x39D0] =	vst v0  }
0x232: {  	[tilespmem:$0x28E0] =	vst v0  }
0x233: {  	[tilespmem:$0x39E0] =	vst v0  }
0x234: {  	[tilespmem:$0x28F0] =	vst v0  }
0x235: {  	s0 =	simm.s32 @!p0 $0x4;
	[tilespmem:$0x39F0] =	vst v0  }
0x236: {  	_ =	swait.ge @!p0 [sflag:s0], $0x110  }
0x237: {  	[sflag:s0] =	ssyncset.done @!p0 $0x0  }
0x238: {  	[sflag:s0] =	ssyncadd.s32 @!p0 $0xFFFFFEF0  }
0x239: {  	_ =	swait.ge @!p0 [sflag:s0], $0x110  }
0x23a: {  	[sflag:s0] =	ssyncset.done @!p0 $0x0  }
0x23b: {  	[sflag:s0] =	ssyncadd.s32 @!p0 $0xFFFFFEF0  }
0x23c: {  	[tilespmem:$0x3D00] =	vst v1  }
0x23d: {  	[tilespmem:$0x3E80] =	vst v0  }
0x23e: {  	[tilespmem:$0x3D10] =	vst v1  }
0x23f: {  	[tilespmem:$0x3E90] =	vst v0  }
0x240: {  	[tilespmem:$0x3D20] =	vst v1  }
0x241: {  	[tilespmem:$0x3EA0] =	vst v0  }
0x242: {  	[tilespmem:$0x3D30] =	vst v1  }
0x243: {  	[tilespmem:$0x3EB0] =	vst v0  }
0x244: {  	[tilespmem:$0x3D40] =	vst v1  }
0x245: {  	[tilespmem:$0x3EC0] =	vst v0  }
0x246: {  	[tilespmem:$0x3D50] =	vst v1  }
0x247: {  	[tilespmem:$0x3ED0] =	vst v0  }
0x248: {  	[tilespmem:$0x3D60] =	vst v1  }
0x249: {  	[tilespmem:$0x3EE0] =	vst v0  }
0x24a: {  	[tilespmem:$0x3D70] =	vst v1  }
0x24b: {  	[tilespmem:$0x3EF0] =	vst v0  }
0x24c: {  	[tilespmem:$0x3D80] =	vst v1  }
0x24d: {  	[tilespmem:$0x3F00] =	vst v0  }
0x24e: {  	[tilespmem:$0x3D90] =	vst v1  }
0x24f: {  	[tilespmem:$0x3F10] =	vst v0  }
0x250: {  	[tilespmem:$0x3DA0] =	vst v1  }
0x251: {  	[tilespmem:$0x3F20] =	vst v0  }
0x252: {  	[tilespmem:$0x3DB0] =	vst v1  }
0x253: {  	[tilespmem:$0x3F30] =	vst v0  }
0x254: {  	[tilespmem:$0x3DC0] =	vst v1  }
0x255: {  	[tilespmem:$0x3F40] =	vst v0  }
0x256: {  	[tilespmem:$0x3DD0] =	vst v1  }
0x257: {  	[tilespmem:$0x3F50] =	vst v0  }
0x258: {  	[tilespmem:$0x3DE0] =	vst v1  }
0x259: {  	[tilespmem:$0x3F60] =	vst v0  }
0x25a: {  	[tilespmem:$0x3DF0] =	vst v1  }
0x25b: {  	[tilespmem:$0x3F70] =	vst v0  }
0x25c: {  	[tilespmem:$0x3E00] =	vst v1  }
0x25d: {  	[tilespmem:$0x3F80] =	vst v0  }
0x25e: {  	[tilespmem:$0x3E10] =	vst v1  }
0x25f: {  	s26 =	simm.s32 $0x0;
	s0 =	simm.s32 $0x0;
	[tilespmem:$0x3F90] =	vst v0  }
.LBB2_21:
0x260: {  	s1 =	sshra.s32 s0, $0x2  }
0x261: {  	v4 =	vld [tilespmem:s1+$0x800];
	_ =	sdelay $0x4  }
0x262: {  	v5 =	vshra.s32 v4, $0x1F  }
0x263: {  	v5 =	vand.u32 $0x7FFFFFFF, v5  }
0x264: {  	v4 =	vxor.u32 v4, v5  }
0x265: {  	v5 =	vshra.s32 v4, $0x18  }
0x266: {  	v6 =	vadd.s32 $0x80, v5  }
0x267: {  	v5 =	vand.u32 $0x70, v5;
	v7 =	vshll.u32 v6, $0x4;
	v6 =	vand.u32 $0xFFFFFF80, v6  }
0x268: {  	v7 =	vor.u32 v2, v7;
	v5 =	vor.u32 v6, v5  }
0x269: {  	v5 =	vor.u32 v2, v5;
	_ =	sdelay $0x2  }
0x26a: {  	[tilespmem:s1+$0x1000] =	vst v4  }
0x26b: {  	[tilespmem:v7+s12+$0x0] =	vst.idx.add.s32.msk $0xffff, v3  }
0x26c: {  	[tilespmem:v5+s13+$0x0] =	vst.idx.add.s32.msk $0xffff, v3  }
0x26d: {  	v4 =	vld [tilespmem:s1+$0x810];
	_ =	sdelay $0x4  }
0x26e: {  	v5 =	vshra.s32 v4, $0x1F  }
0x26f: {  	v5 =	vand.u32 $0x7FFFFFFF, v5  }
0x270: {  	v4 =	vxor.u32 v4, v5  }
0x271: {  	v5 =	vshra.s32 v4, $0x18  }
0x272: {  	v61 =	vadd.s32 $0x80, v5  }
0x273: {  	v5 =	vand.u32 $0x70, v5;
	v62 =	vshll.u32 v61, $0x4;
	v6 =	vand.u32 $0xFFFFFF80, v61  }
0x274: {  	v5 =	vor.u32 v6, v5;
	v63 =	vor.u32 v2, v62  }
0x275: {  	p0 =	seq.s32 s0, $0x1F80;
	v5 =	vor.u32 v2, v5  }
.Ltmp9:
0x276: {  	_ = 	snop;
	(pc) =	sbr.rel @!p0 .LBB2_21-.Ltmp9, $4  }
0x277: {  	_ = 	snop  }
0x278: {  	[tilespmem:s1+$0x1010] =	vst v4  }
0x279: {  	[tilespmem:v63+s12+$0x0] =	vst.idx.add.s32.msk $0xffff, v3  }
0x27a: {  	s0 =	sadd.s32 $0x80, s0;
	[tilespmem:v5+s13+$0x0] =	vst.idx.add.s32.msk $0xffff, v3  }
0x27b: {  	s0 =	simm.s32 $0x28F0  }
0x27c: {  	v4 =	vld [tilespmem:s0+$0x0];
	_ =	sdelay $0x4  }
0x27d: {  	(xrf0) =	vadd.scan.msk.s32 $0xffff, v4;
	_ =	sdelay $0x5  }
0x27e: {  	v4, _, _ =	vpop (xrf0)  }
0x27f: {  	(v2sf) =	vpush v4, $0xF;
	_ =	sdelay $0x1  }
0x280: {  	s23 =	simm.s32 $0x28E0  }
0x281: {  	v4 =	vld [tilespmem:s23+$0x0]  }
0x282: {  	s28 =	simm.s32 $0x28D0  }
0x283: {  	v5 =	vld [tilespmem:s28+$0x0];
	_ =	sdelay $0x2  }
0x284: {  	(xrf0) =	vadd.scan.msk.s32 $0xffff, v4;
	_ =	sdelay $0x1  }
0x285: {  	(xrf0) =	vadd.scan.msk.s32 $0xffff, v5;
	_ =	sdelay $0x2  }
0x286: {  	s30 =	simm.s32 $0x28C0  }
0x287: {  	v6 =	vld [tilespmem:s30+$0x0];
	v5, _, _ =	vpop (xrf0)  }
0x288: {  	s3 =	spop (v2sf);
	(v2sf) =	vpush v5, $0xF  }
0x289: {  	v5, _, _ =	vpop (xrf0)  }
0x28a: {  	(v2sf) =	vpush v5, $0xF;
	_ =	sdelay $0x1  }
0x28b: {  	s31 =	simm.s32 $0x28B0;
	(xrf0) =	vadd.scan.msk.s32 $0xffff, v6  }
0x28c: {  	v4 =	vld [tilespmem:s31+$0x0];
	_ =	sdelay $0x1  }
0x28d: {  	s7 =	simm.s32 $0xF;
	s21 =	simm.s32 $0xE;
	s9 =	simm.s32 $0xD  }
0x28e: {  	s1 =	simm.s32 $0xC;
	s10 =	simm.s32 $0xA;
	p1 =	por $0x1, $0x1  }
0x28f: {  	s29 =	simm.s32 $0x0;
	s0 =	simm.s32 $0xB;
	s22 =	sadd.s32 $0x0, s3  }
0x290: {  	s23 =	simm.s32 $0x0;
	(xrf0) =	vadd.scan.msk.s32 $0xffff, v4;
	s3 =	simm.s32 $0x28A0;
	v4, _, _ =	vpop (xrf0);
	p2 =	sgt.s32 s22, $0xFF  }
.LBB2_23:
0x291: {  	p0 =	seq.s32 s10, $0x0;
	p1 =	por !p1, !p2;
	s6 =	smov.u32 s10  }
0x292: {  	v5 =	vld [tilespmem:s3+$0x0];
	(v2sf) =	vpush v4, $0xF;
	s10 =	sadd.s32 $0xFFFFFFFF, s10;
	s8 =	smov.u32 s23;
	s23 =	smov.u32 s22  }
.Ltmp10:
0x293: {  	p1 =	por !p1, !p1;
	(pc) =	sbr.rel @!p0 .LBB2_23-.Ltmp10, $4  }
0x294: {  	s26 =	smov.u32 @p1 s7;
	s29 =	smov.u32 @p1 s8;
	s7 =	smov.u32 s21  }
0x295: {  	s21 =	smov.u32 s9;
	s9 =	smov.u32 s1;
	s8 =	spop (v2sf)  }
0x296: {  	s1 =	smov.u32 s0;
	s0 =	smov.u32 s6;
	s22 =	sadd.s32 s22, s8  }
0x297: {  	s3 =	sadd.s32 $0xFFFFFFF0, s3;
	p1 =	slt.s32 s23, $0x100;
	(xrf0) =	vadd.scan.msk.s32 $0xffff, v5;
	v4, _, _ =	vpop (xrf0);
	p2 =	sgt.s32 s22, $0xFF  }
0x298: {  	_ =	sdelay $0x4  }
0x299: {  	(v2sf) =	vpush v4, $0xF;
	v4, _, _ =	vpop (xrf0)  }
0x29a: {  	(v2sf) =	vpush v4, $0xF;
	_ =	sdelay $0x7  }
0x29b: {  	s3 =	spop (v2sf)  }
0x29c: {  	p0 =	por !p1, !p2;
	s3 =	sadd.s32 s22, s3  }
0x29d: {  	p4 =	slt.s32 s22, $0x100;
	p0 =	por !p0, !p0;
	p5 =	sgt.s32 s3, $0xFF  }
0x29e: {  	s26 =	smov.u32 @p0 s7;
	p6 =	slt.s32 s3, $0x100;
	p1 =	por !p4, !p5  }
0x29f: {  	s29 =	smov.u32 @p0 s23;
	p1 =	por !p1, !p1;
	s6 =	spop (v2sf)  }
0x2a0: {  	s26 =	smov.u32 @p1 s21;
	s29 =	smov.u32 @p1 s22;
	s6 =	sadd.s32 s3, s6  }
0x2a1: {  	p3 =	sgt.s32 s6, $0xFF;
	p5 =	slt.s32 s6, $0x100;
	s8 =	spop (v2sf)  }
0x2a2: {  	p4 =	por !p6, !p3;
	s7 =	sadd.s32 s6, s8;
	s8 =	spop (v2sf)  }
0x2a3: {  	p0 =	por !p4, !p4;
	p6 =	sgt.s32 s7, $0xFF;
	s8 =	sadd.s32 s7, s8  }
0x2a4: {  	p3 =	slt.s32 s7, $0x100;
	p1 =	por !p5, !p6;
	p4 =	sgt.s32 s8, $0xFF  }
0x2a5: {  	s26 =	smov.u32 @p0 s9;
	p1 =	por !p1, !p1;
	p5 =	por !p3, !p4  }
0x2a6: {  	s29 =	smov.u32 @p0 s3;
	s26 =	smov.u32 @p1 s1;
	p0 =	por !p5, !p5  }
0x2a7: {  	s26 =	smov.u32 @p0 s0  }
0x2a8: {  	s0 =	sshll.u32 s26, $0xA  }
0x2a9: {  	s0 =	sshra.s32 s0, $0x2  }
0x2aa: {  	s0 =	sadd.s32 $0x1800, s0  }
0x2ab: {  	v4 =	vmov s0;
	_ =	sdelay $0x3  }
0x2ac: {  	s9 =	simm.s32 $0xF0  }
0x2ad: {  	v5 =	vld.idx.msk [tilespmem:v4+s9+$0x0 ss:$0x1], $0xffff;
	_ =	sdelay $0x4  }
0x2ae: {  	(xrf0) =	vadd.scan.msk.s32 $0xffff, v5;
	_ =	sdelay $0x5  }
0x2af: {  	s10 =	simm.s32 $0xE0;
	v5, _, _ =	vpop (xrf0)  }
0x2b0: {  	(v2sf) =	vpush v5, $0xF;
	v5 =	vld.idx.msk [tilespmem:v4+s10+$0x0 ss:$0x1], $0xffff;
	_ =	sdelay $0x2  }
0x2b1: {  	s21 =	simm.s32 $0xD0  }
0x2b2: {  	s22 =	simm.s32 $0xC0;
	v6 =	vld.idx.msk [tilespmem:v4+s21+$0x0 ss:$0x1], $0xffff  }
0x2b3: {  	v7 =	vld.idx.msk [tilespmem:v4+s22+$0x0 ss:$0x1], $0xffff;
	(xrf0) =	vadd.scan.msk.s32 $0xffff, v5;
	_ =	sdelay $0x3  }
0x2b4: {  	(xrf0) =	vadd.scan.msk.s32 $0xffff, v6  }
0x2b5: {  	(xrf0) =	vadd.scan.msk.s32 $0xffff, v7  }
0x2b6: {  	v6, _, _ =	vpop (xrf0)  }
0x2b7: {  	(v2sf) =	vpush v6, $0xF;
	_ =	sdelay $0x2  }
0x2b8: {  	v6, _, _ =	vpop (xrf0)  }
0x2b9: {  	(v2sf) =	vpush v6, $0xF;
	v6, _, _ =	vpop (xrf0)  }
0x2ba: {  	s23 =	simm.s32 $0xB0;
	s30 =	sshllo.u32 s26, $0x4;
	s26 =	spop (v2sf);
	(v2sf) =	vpush v6, $0xF  }
0x2bb: {  	v5 =	vld.idx.msk [tilespmem:v4+s23+$0x0 ss:$0x1], $0xffff;
	_ =	sdelay $0x1  }
0x2bc: {  	s29 =	smov.u32 @p1 s6  }
0x2bd: {  	s29 =	smov.u32 @p0 s7  }
0x2be: {  	s0 =	sadd.s32 s29, s26  }
0x2bf: {  	s31 =	simm.s32 $0xA0;
	p0 =	slt.s32 s29, $0x100;
	(xrf0) =	vadd.scan.msk.s32 $0xffff, v5;
	p6 =	sgt.s32 s0, $0xFF  }
0x2c0: {  	s28 =	simm.s32 $0x0;
	v5 =	vld.idx.msk [tilespmem:v4+s31+$0x0 ss:$0x1], $0xffff;
	p0 =	por !p0, !p6  }
0x2c1: {  	s3 =	simm.s32 $0x240;
	s26 =	simm.s32 $0x0;
	p0 =	por !p0, !p0  }
0x2c2: {  	s1 =	smov.u32 s0;
	s26 =	smov.u32 @p0 s30;
	s28 =	smov.u32 @p0 s29  }
.LBB2_25:
0x2c3: {  	s6 =	sshra.s32 s3, $0x2;
	s7 =	spop (v2sf);
	p0 =	seq.s32 s3, $0x0  }
.Ltmp11:
0x2c4: {  	s3 =	sadd.s32 $0xFFFFFFC0, s3;
	s0 =	sadd.s32 s0, s7;
	(pc) =	sbr.rel @!p0 .LBB2_25-.Ltmp11, $4  }
0x2c5: {  	p1 =	slt.s32 s1, $0x100;
	(xrf0) =	vadd.scan.msk.s32 $0xffff, v5;
	v5 =	vld.idx.msk [tilespmem:v4+s6+$0x0 ss:$0x1], $0xffff;
	v6, _, _ =	vpop (xrf0);
	p2 =	sgt.s32 s0, $0xFF  }
0x2c6: {  	(v2sf) =	vpush v6, $0xF;
	p1 =	por !p1, !p2  }
0x2c7: {  	s30 =	sadd.s32 $0xFFFFFFFF, s30;
	p1 =	por !p1, !p1  }
0x2c8: {  	s26 =	smov.u32 @p1 s30;
	s28 =	smov.u32 @p1 s1;
	s1 =	smov.u32 s0  }
0x2c9: {  	_ = 	snop  }
0x2ca: {  	(xrf0) =	vadd.scan.msk.s32 $0xffff, v5;
	_ =	sdelay $0x4  }
0x2cb: {  	v4, _, _ =	vpop (xrf0)  }
0x2cc: {  	(v2sf) =	vpush v4, $0xF;
	v4, _, _ =	vpop (xrf0)  }
0x2cd: {  	(v2sf) =	vpush v4, $0xF;
	_ =	sdelay $0x4  }
0x2ce: {  	s3 =	spop (v2sf)  }
0x2cf: {  	p0 =	slt.s32 s1, $0x100;
	s0 =	sadd.s32 s0, s3  }
0x2d0: {  	s6 =	sadd.s32 $0xFFFFFFFF, s30;
	s29 =	spop (v2sf);
	p1 =	sgt.s32 s0, $0xFF  }
0x2d1: {  	s3 =	sadd.s32 s0, s29;
	p4 =	slt.s32 s0, $0x100;
	p0 =	por !p0, !p1  }
0x2d2: {  	p2 =	sgt.s32 s3, $0xFF;
	p5 =	slt.s32 s3, $0x100;
	p0 =	por !p0, !p0  }
0x2d3: {  	p1 =	por !p4, !p2;
	s26 =	smov.u32 @p0 s6;
	s7 =	spop (v2sf)  }
0x2d4: {  	p1 =	por !p1, !p1;
	s6 =	sadd.s32 $0xFFFFFFFF, s6;
	s7 =	sadd.s32 s3, s7  }
0x2d5: {  	s28 =	smov.u32 @p0 s1;
	s26 =	smov.u32 @p1 s6;
	p3 =	sgt.s32 s7, $0xFF  }
0x2d6: {  	s28 =	smov.u32 @p1 s0;
	s1 =	sadd.s32 $0xFFFFFFFF, s6;
	p6 =	por !p5, !p3  }
0x2d7: {  	p2 =	slt.s32 s7, $0x100;
	p0 =	por !p6, !p6;
	s30 =	spop (v2sf)  }
0x2d8: {  	s26 =	smov.u32 @p0 s1;
	s0 =	sadd.s32 s7, s30;
	s31 =	spop (v2sf)  }
0x2d9: {  	s1 =	sadd.s32 $0xFFFFFFFF, s1;
	p3 =	sgt.s32 s0, $0xFF;
	s6 =	sadd.s32 s0, s31  }
0x2da: {  	p5 =	slt.s32 s0, $0x100;
	p1 =	por !p2, !p3;
	p4 =	sgt.s32 s6, $0xFF  }
0x2db: {  	s28 =	smov.u32 @p0 s3;
	p1 =	por !p1, !p1;
	p6 =	por !p5, !p4  }
0x2dc: {  	s26 =	smov.u32 @p1 s1;
	s1 =	sadd.s32 $0xFFFFFFFF, s1;
	p0 =	por !p6, !p6  }
0x2dd: {  	s28 =	smov.u32 @p1 s7;
	s26 =	smov.u32 @p0 s1  }
0x2de: {  	s28 =	smov.u32 @p0 s0;
	s0 =	simm.s32 $0x0;
	v4 =	vmov s26  }
.LBB2_27:
0x2df: {  	s1 =	sshra.s32 s0, $0x2  }
0x2e0: {  	v5 =	vld [tilespmem:s1+$0x1000];
	_ =	sdelay $0x4  }
0x2e1: {  	v6 =	vshra.s32 v5, $0x18;
	v5 =	vshrl.u32 v5, $0x10  }
0x2e2: {  	v6 =	vadd.s32 $0x80, v6;
	v7 =	vshll.u32 v5, $0x4  }
0x2e3: {  	vm0 =	veq.s32 v6, v4;
	v6 =	vor.u32 v2, v7  }
0x2e4: {  	v5 =	vand.u32 $0xF0, v5;
	v6 =	vand.u32 $0xFFF, v6  }
0x2e5: {  	v5 =	vor.u32 v2, v5;
	_ =	sdelay $0x3  }
0x2e6: {  	[tilespmem:v6+s14+$0x0] =	vst.idx.add.s32.msk vm0, v3  }
0x2e7: {  	[tilespmem:v5+s15+$0x0] =	vst.idx.add.s32.msk vm0, v3  }
0x2e8: {  	v5 =	vld [tilespmem:s1+$0x1010];
	_ =	sdelay $0x4  }
0x2e9: {  	v6 =	vshra.s32 v5, $0x18;
	v5 =	vshrl.u32 v5, $0x10  }
0x2ea: {  	v6 =	vadd.s32 $0x80, v6;
	v7 =	vshll.u32 v5, $0x4  }
0x2eb: {  	vm15 =	veq.s32 v6, v4;
	v6 =	vor.u32 v2, v7  }
0x2ec: {  	v5 =	vand.u32 $0xF0, v5;
	v6 =	vand.u32 $0xFFF, v6  }
0x2ed: {  	p0 =	sne.s32 s0, $0x1F80;
	v5 =	vor.u32 v2, v5  }
.Ltmp12:
0x2ee: {  	_ = 	snop;
	(pc) =	sbr.rel @p0 .LBB2_27-.Ltmp12, $3  }
0x2ef: {  	_ =	sdelay $0x1  }
0x2f0: {  	[tilespmem:v6+s14+$0x0] =	vst.idx.add.s32.msk vm15, v3  }
0x2f1: {  	s0 =	sadd.s32 $0x80, s0;
	[tilespmem:v5+s15+$0x0] =	vst.idx.add.s32.msk vm15, v3  }
0x2f2: {  	s0 =	simm.s32 $0x39F0  }
0x2f3: {  	v4 =	vld [tilespmem:s0+$0x0];
	_ =	sdelay $0x4  }
0x2f4: {  	(xrf0) =	vadd.scan.msk.s32 $0xffff, v4;
	_ =	sdelay $0x5  }
0x2f5: {  	v4, _, _ =	vpop (xrf0)  }
0x2f6: {  	(v2sf) =	vpush v4, $0xF;
	_ =	sdelay $0x1  }
0x2f7: {  	s21 =	simm.s32 $0x39E0  }
0x2f8: {  	v4 =	vld [tilespmem:s21+$0x0]  }
0x2f9: {  	s22 =	simm.s32 $0x39D0  }
0x2fa: {  	v5 =	vld [tilespmem:s22+$0x0];
	_ =	sdelay $0x2  }
0x2fb: {  	(xrf0) =	vadd.scan.msk.s32 $0xffff, v4;
	_ =	sdelay $0x1  }
0x2fc: {  	(xrf0) =	vadd.scan.msk.s32 $0xffff, v5;
	_ =	sdelay $0x2  }
0x2fd: {  	s23 =	simm.s32 $0x39C0  }
0x2fe: {  	v6 =	vld [tilespmem:s23+$0x0];
	v5, _, _ =	vpop (xrf0)  }
0x2ff: {  	s3 =	spop (v2sf);
	(v2sf) =	vpush v5, $0xF  }
0x300: {  	v5, _, _ =	vpop (xrf0)  }
0x301: {  	(v2sf) =	vpush v5, $0xF;
	_ =	sdelay $0x1  }
0x302: {  	s31 =	simm.s32 $0x39B0;
	(xrf0) =	vadd.scan.msk.s32 $0xffff, v6  }
0x303: {  	v4 =	vld [tilespmem:s31+$0x0]  }
0x304: {  	s28 =	ssub.s32 $0x100, s28;
	s29 =	simm.s32 $0x0  }
0x305: {  	s7 =	simm.s32 $0xF;
	s9 =	simm.s32 $0xD;
	s1 =	simm.s32 $0xC  }
0x306: {  	s10 =	simm.s32 $0xA;
	s30 =	simm.s32 $0x0;
	s0 =	simm.s32 $0xB  }
0x307: {  	p1 =	sgt.s32 s28, $0x0;
	s23 =	simm.s32 $0x0;
	s22 =	sadd.s32 $0x0, s3  }
0x308: {  	s21 =	simm.s32 $0xE;
	(xrf0) =	vadd.scan.msk.s32 $0xffff, v4;
	s3 =	simm.s32 $0x39A0;
	v4, _, _ =	vpop (xrf0);
	p2 =	sge.s32 s22, s28  }
.LBB2_29:
0x309: {  	p0 =	seq.s32 s10, $0x0;
	p1 =	por !p1, !p2;
	s6 =	smov.u32 s10  }
0x30a: {  	v5 =	vld [tilespmem:s3+$0x0];
	(v2sf) =	vpush v4, $0xF;
	s10 =	sadd.s32 $0xFFFFFFFF, s10;
	s8 =	smov.u32 s23;
	s23 =	smov.u32 s22  }
.Ltmp13:
0x30b: {  	p1 =	por !p1, !p1;
	(pc) =	sbr.rel @!p0 .LBB2_29-.Ltmp13, $4  }
0x30c: {  	s29 =	smov.u32 @p1 s7;
	s30 =	smov.u32 @p1 s8;
	s7 =	smov.u32 s21  }
0x30d: {  	s21 =	smov.u32 s9;
	s9 =	smov.u32 s1;
	s8 =	spop (v2sf)  }
0x30e: {  	s1 =	smov.u32 s0;
	s0 =	smov.u32 s6;
	s22 =	sadd.s32 s22, s8  }
0x30f: {  	s3 =	sadd.s32 $0xFFFFFFF0, s3;
	p1 =	slt.s32 s23, s28;
	(xrf0) =	vadd.scan.msk.s32 $0xffff, v5;
	v4, _, _ =	vpop (xrf0);
	p2 =	sge.s32 s22, s28  }
0x310: {  	_ =	sdelay $0x4  }
0x311: {  	(v2sf) =	vpush v4, $0xF;
	v4, _, _ =	vpop (xrf0)  }
0x312: {  	(v2sf) =	vpush v4, $0xF;
	_ =	sdelay $0x7  }
0x313: {  	s3 =	spop (v2sf)  }
0x314: {  	p0 =	por !p1, !p2;
	s3 =	sadd.s32 s22, s3  }
0x315: {  	p3 =	slt.s32 s22, s28;
	p0 =	por !p0, !p0;
	p4 =	sge.s32 s3, s28  }
0x316: {  	s29 =	smov.u32 @p0 s7;
	p5 =	slt.s32 s3, s28;
	p1 =	por !p3, !p4  }
0x317: {  	s30 =	smov.u32 @p0 s23;
	p1 =	por !p1, !p1;
	s6 =	spop (v2sf)  }
0x318: {  	s29 =	smov.u32 @p1 s21;
	s30 =	smov.u32 @p1 s22;
	s6 =	sadd.s32 s3, s6  }
0x319: {  	p3 =	sge.s32 s6, s28;
	p2 =	slt.s32 s6, s28;
	s31 =	spop (v2sf)  }
0x31a: {  	p6 =	por !p5, !p3;
	s7 =	sadd.s32 s6, s31;
	s8 =	spop (v2sf)  }
0x31b: {  	p0 =	por !p6, !p6;
	p3 =	sge.s32 s7, s28;
	s8 =	sadd.s32 s7, s8  }
0x31c: {  	p4 =	slt.s32 s7, s28;
	p1 =	por !p2, !p3;
	p5 =	sge.s32 s8, s28  }
0x31d: {  	s29 =	smov.u32 @p0 s9;
	p1 =	por !p1, !p1;
	p6 =	por !p4, !p5  }
0x31e: {  	s30 =	smov.u32 @p0 s3;
	s29 =	smov.u32 @p1 s1;
	p0 =	por !p6, !p6  }
0x31f: {  	s29 =	smov.u32 @p0 s0  }
0x320: {  	s0 =	sshll.u32 s29, $0xA  }
0x321: {  	s30 =	smov.u32 @p1 s6;
	s0 =	sshra.s32 s0, $0x2  }
0x322: {  	s30 =	smov.u32 @p0 s7;
	s7 =	sadd.s32 $0x2900, s0  }
0x323: {  	v4 =	vmov s7;
	_ =	sdelay $0x3  }
0x324: {  	s8 =	simm.s32 $0xF0  }
0x325: {  	v5 =	vld.idx.msk [tilespmem:v4+s8+$0x0 ss:$0x1], $0xffff;
	_ =	sdelay $0x4  }
0x326: {  	(xrf0) =	vadd.scan.msk.s32 $0xffff, v5;
	_ =	sdelay $0x5  }
0x327: {  	s9 =	simm.s32 $0xE0;
	v5, _, _ =	vpop (xrf0)  }
0x328: {  	(v2sf) =	vpush v5, $0xF;
	v5 =	vld.idx.msk [tilespmem:v4+s9+$0x0 ss:$0x1], $0xffff;
	_ =	sdelay $0x1  }
0x329: {  	s10 =	simm.s32 $0xD0  }
0x32a: {  	s21 =	simm.s32 $0xC0;
	v6 =	vld.idx.msk [tilespmem:v4+s10+$0x0 ss:$0x1], $0xffff  }
0x32b: {  	v7 =	vld.idx.msk [tilespmem:v4+s21+$0x0 ss:$0x1], $0xffff  }
0x32c: {  	(xrf0) =	vadd.scan.msk.s32 $0xffff, v5;
	_ =	sdelay $0x2  }
0x32d: {  	(xrf0) =	vadd.scan.msk.s32 $0xffff, v6  }
0x32e: {  	(xrf0) =	vadd.scan.msk.s32 $0xffff, v7;
	_ =	sdelay $0x1  }
0x32f: {  	v6, _, _ =	vpop (xrf0)  }
0x330: {  	(v2sf) =	vpush v6, $0xF;
	_ =	sdelay $0x1  }
0x331: {  	v6, _, _ =	vpop (xrf0)  }
0x332: {  	(v2sf) =	vpush v6, $0xF;
	v6, _, _ =	vpop (xrf0)  }
0x333: {  	s23 =	spop (v2sf);
	(v2sf) =	vpush v6, $0xF;
	_ =	sdelay $0x1  }
0x334: {  	s22 =	simm.s32 $0xB0  }
0x335: {  	v5 =	vld.idx.msk [tilespmem:v4+s22+$0x0 ss:$0x1], $0xffff;
	_ =	sdelay $0x2  }
0x336: {  	s3 =	simm.s32 $0x0;
	s1 =	sadd.s32 s30, s23  }
0x337: {  	s31 =	simm.s32 $0xA0;
	s0 =	sshllo.u32 s29, $0x4;
	p0 =	sge.s32 s1, s28  }
0x338: {  	p1 =	slt.s32 s30, s28;
	s29 =	simm.s32 $0x0;
	(xrf0) =	vadd.scan.msk.s32 $0xffff, v5;
	v5 =	vld.idx.msk [tilespmem:v4+s31+$0x0 ss:$0x1], $0xffff;
	s3 =	smov.u32 @p0 s0  }
0x339: {  	s7 =	simm.s32 $0x240;
	s29 =	smov.u32 @p1 s3;
	s3 =	smov.u32 s1  }
.LBB2_31:
0x33a: {  	p0 =	sne.s32 s7, $0x0  }
.Ltmp14:
0x33b: {  	s6 =	sshra.s32 s7, $0x2;
	s8 =	spop (v2sf);
	(pc) =	sbr.rel @p0 .LBB2_31-.Ltmp14, $4  }
0x33c: {  	s7 =	sadd.s32 $0xFFFFFFC0, s7;
	s1 =	sadd.s32 s1, s8  }
0x33d: {  	s0 =	sadd.s32 $0xFFFFFFFF, s0;
	(xrf0) =	vadd.scan.msk.s32 $0xffff, v5;
	v5 =	vld.idx.msk [tilespmem:v4+s6+$0x0 ss:$0x1], $0xffff;
	p1 =	sge.s32 s1, s28;
	s6 =	smov.u32 s29;
	v6, _, _ =	vpop (xrf0)  }
0x33e: {  	p2 =	slt.s32 s3, s28;
	s3 =	smov.u32 s1;
	s6 =	smov.u32 @p1 s0;
	(v2sf) =	vpush v6, $0xF  }
0x33f: {  	s29 =	smov.u32 @p2 s6  }
0x340: {  	_ =	sdelay $0x1  }
0x341: {  	(xrf0) =	vadd.scan.msk.s32 $0xffff, v5;
	_ =	sdelay $0x2  }
0x342: {  	v4, _, _ =	vpop (xrf0)  }
0x343: {  	(v2sf) =	vpush v4, $0xF;
	_ =	sdelay $0x1  }
0x344: {  	v4, _, _ =	vpop (xrf0)  }
0x345: {  	(v2sf) =	vpush v4, $0xF;
	_ =	sdelay $0x2  }
0x346: {  	s6 =	spop (v2sf)  }
0x347: {  	s1 =	sadd.s32 s1, s6  }
0x348: {  	s0 =	sadd.s32 $0xFFFFFFFF, s0;
	s6 =	smov.u32 s29;
	p0 =	sge.s32 s1, s28  }
0x349: {  	p1 =	slt.s32 s3, s28;
	s23 =	spop (v2sf);
	s6 =	smov.u32 @p0 s0  }
0x34a: {  	s3 =	sadd.s32 s1, s23;
	s29 =	smov.u32 @p1 s6  }
0x34b: {  	p0 =	sge.s32 s3, s28;
	s0 =	sadd.s32 $0xFFFFFFFF, s0;
	s6 =	smov.u32 s29  }
0x34c: {  	p1 =	slt.s32 s1, s28;
	s6 =	smov.u32 @p0 s0;
	s31 =	spop (v2sf)  }
0x34d: {  	s29 =	smov.u32 @p1 s6;
	s1 =	sadd.s32 s3, s31  }
0x34e: {  	s0 =	sadd.s32 $0xFFFFFFFF, s0;
	s6 =	smov.u32 s29;
	p0 =	sge.s32 s1, s28  }
0x34f: {  	p1 =	slt.s32 s3, s28;
	s6 =	smov.u32 @p0 s0;
	s7 =	spop (v2sf)  }
0x350: {  	s29 =	smov.u32 @p1 s6;
	s3 =	sadd.s32 s1, s7  }
0x351: {  	s0 =	sadd.s32 $0xFFFFFFFF, s0;
	s6 =	smov.u32 s29;
	p0 =	sge.s32 s3, s28  }
0x352: {  	p1 =	slt.s32 s1, s28;
	s6 =	smov.u32 @p0 s0;
	s8 =	spop (v2sf)  }
0x353: {  	s29 =	smov.u32 @p1 s6;
	s1 =	sadd.s32 s3, s8  }
0x354: {  	s0 =	sadd.s32 $0xFFFFFFFF, s0;
	p0 =	sge.s32 s1, s28;
	s1 =	smov.u32 s29  }
0x355: {  	s9 =	simm.s32 $0x1010;
	p1 =	slt.s32 s3, s28;
	s1 =	smov.u32 @p0 s0  }
0x356: {  	v5 =	vld [tilespmem:s9+$0xFFFFFFF0];
	s29 =	smov.u32 @p1 s1  }
0x357: {  	s10 =	sshll.u32 s26, $0x18;
	s21 =	sshll.u32 s29, $0x10  }
0x358: {  	s1 =	sadd.s32 s10, s21  }
0x359: {  	s1 =	sadd.s32 $0x80000000, s1  }
0x35a: {  	v4 =	vmov s1  }
0x35b: {  	vm0 =	vge.s32 v5, v4  }
0x35c: {  	v6 =	vsel vm0, $0x1, v0  }
0x35d: {  	(xrf0) =	vadd.scan.msk.s32 $0xffff, v6;
	_ =	sdelay $0x1  }
0x35e: {  	s22 =	simm.s32 $0x0  }
0x35f: {  	v6 =	vmov s22  }
0x360: {  	v6 =	vadd.s32 $0xFFFFFFFF, v6  }
0x361: {  	v6 =	vbroadcast v6, $0x0  }
0x362: {  	v7, _, _ =	vpop (xrf0)  }
0x363: {  	v6 =	vadd.s32 v7, v6  }
0x364: {  	v7 =	vxor.u32 $0x80000000, v7;
	vm1 =	vlt.s32 v6, $0x110  }
0x365: {  	vm2 =	vgt.s32 v6, $0x0;
	(xrf0) =	vmax.scan.msk.u32 $0xffff, v7;
	vm0 =	vmand vm0, vm1  }
0x366: {  	v6 =	vnsel vm2, $0x0, v6;
	_ =	sdelay $0x4  }
0x367: {  	v7, _, _ =	vpop (xrf0);
	[tilespmem:v6+s19+$0x0] =	vst.idx.msk vm0, v5;
	v5 =	vor.u32 s22, v2  }
0x368: {  	(v2sf) =	vpush v7, $0xF;
	[tilespmem:v6+s20+$0x0] =	vst.idx.msk vm0, v5  }
0x369: {  	v5 =	vld [tilespmem:s9+$0x0];
	_ =	sdelay $0x4  }
0x36a: {  	vm0 =	vge.s32 v5, v4  }
0x36b: {  	v6 =	vsel vm0, $0x1, v0  }
0x36c: {  	(xrf0) =	vadd.scan.msk.s32 $0xffff, v6;
	_ =	sdelay $0x5  }
0x36d: {  	v6, _, _ =	vpop (xrf0)  }
0x36e: {  	s23 =	spop (v2sf);
	v7 =	vxor.u32 $0x80000000, v6  }
0x36f: {  	s0 =	sadd.s32 $0x0, s23;
	(xrf0) =	vmax.scan.msk.u32 $0xffff, v7  }
0x370: {  	s0 =	sadd.s32 $0x80000000, s0  }
0x371: {  	p0 =	slt.s32 s0, $0x110  }
0x372: {  	s0 =	simm.s32 @!p0 $0x110  }
0x373: {  	v7 =	vmov s0  }
0x374: {  	v7 =	vadd.s32 $0xFFFFFFFF, v7  }
0x375: {  	v7 =	vbroadcast v7, $0x0;
	v8, _, _ =	vpop (xrf0)  }
0x376: {  	(v2sf) =	vpush v8, $0xF  }
0x377: {  	v6 =	vadd.s32 v6, v7  }
0x378: {  	vm1 =	vlt.s32 v6, $0x110  }
0x379: {  	vm2 =	vgt.s32 v6, $0x0;
	vm0 =	vmand vm0, vm1  }
0x37a: {  	v6 =	vnsel vm2, $0x0, v6;
	_ =	sdelay $0x3  }
0x37b: {  	s26 =	simm.s32 $0x10  }
0x37c: {  	[tilespmem:v6+s19+$0x0] =	vst.idx.msk vm0, v5;
	v5 =	vor.u32 s26, v2  }
0x37d: {  	s28 =	simm.s32 $0x1030;
	[tilespmem:v6+s20+$0x0] =	vst.idx.msk vm0, v5  }
0x37e: {  	v5 =	vld [tilespmem:s28+$0xFFFFFFF0];
	_ =	sdelay $0x3  }
0x37f: {  	s31 =	spop (v2sf)  }
0x380: {  	vm0 =	vge.s32 v5, v4;
	s0 =	sadd.s32 s31, s0  }
0x381: {  	v6 =	vsel vm0, $0x1, v0;
	s30 =	sadd.s32 $0x80000000, s0  }
0x382: {  	s29 =	simm.s32 $0x40;
	s26 =	simm.s32 $0x20;
	(xrf0) =	vadd.scan.msk.s32 $0xffff, v6;
	p1 =	slt.s32 s30, $0x110  }
.LBB2_33:
0x383: {  	p0 =	sne.s32 s29, $0x7E0  }
0x384: {  	s30 =	simm.s32 @!p1 $0x110;
	s0 =	smov.u32 s29;
	s29 =	sadd.s32 $0x20, s29  }
0x385: {  	v6 =	vmov s30  }
0x386: {  	v6 =	vadd.s32 $0xFFFFFFFF, v6  }
0x387: {  	v6 =	vbroadcast v6, $0x0  }
0x388: {  	v7, _, _ =	vpop (xrf0)  }
0x389: {  	v6 =	vadd.s32 v7, v6;
	v7 =	vxor.u32 $0x80000000, v7  }
0x38a: {  	vm1 =	vgt.s32 v6, $0x0;
	vm2 =	vlt.s32 v6, $0x110;
	(xrf0) =	vmax.scan.msk.u32 $0xffff, v7  }
0x38b: {  	vm0 =	vmand vm0, vm2  }
0x38c: {  	v6 =	vnsel vm1, $0x0, v6;
	_ =	sdelay $0x3  }
0x38d: {  	v7, _, _ =	vpop (xrf0)  }
0x38e: {  	[tilespmem:v6+s19+$0x0] =	vst.idx.msk vm0, v5;
	v5 =	vor.u32 s26, v2;
	(v2sf) =	vpush v7, $0xF  }
0x38f: {  	[tilespmem:v6+s20+$0x0] =	vst.idx.msk vm0, v5  }
0x390: {  	v5 =	vld [tilespmem:s28+$0x0];
	_ =	sdelay $0x4  }
0x391: {  	vm0 =	vge.s32 v5, v4  }
0x392: {  	v6 =	vsel vm0, $0x1, v0  }
0x393: {  	(xrf0) =	vadd.scan.msk.s32 $0xffff, v6;
	_ =	sdelay $0x5  }
0x394: {  	s1 =	spop (v2sf);
	v6, _, _ =	vpop (xrf0)  }
0x395: {  	s1 =	sadd.s32 s1, s30;
	v7 =	vxor.u32 $0x80000000, v6  }
0x396: {  	s1 =	sadd.s32 $0x80000000, s1;
	(xrf0) =	vmax.scan.msk.u32 $0xffff, v7  }
0x397: {  	p1 =	slt.s32 s1, $0x110  }
0x398: {  	s1 =	simm.s32 @!p1 $0x110  }
0x399: {  	v7 =	vmov s1  }
0x39a: {  	v7 =	vadd.s32 $0xFFFFFFFF, v7  }
0x39b: {  	v7 =	vbroadcast v7, $0x0  }
0x39c: {  	v8, _, _ =	vpop (xrf0)  }
0x39d: {  	v6 =	vadd.s32 v6, v7;
	(v2sf) =	vpush v8, $0xF  }
0x39e: {  	vm1 =	vgt.s32 v6, $0x0;
	vm2 =	vlt.s32 v6, $0x110  }
0x39f: {  	vm0 =	vmand vm0, vm2  }
0x3a0: {  	v6 =	vnsel vm1, $0x0, v6;
	_ =	sdelay $0x3  }
0x3a1: {  	s3 =	sadd.s32 $0x10, s26;
	s26 =	smov.u32 s0  }
0x3a2: {  	[tilespmem:v6+s19+$0x0] =	vst.idx.msk vm0, v5;
	v5 =	vor.u32 s3, v2  }
0x3a3: {  	s28 =	sadd.s32 $0x20, s28;
	[tilespmem:v6+s20+$0x0] =	vst.idx.msk vm0, v5  }
0x3a4: {  	v5 =	vld [tilespmem:s28+$0xFFFFFFF0];
	_ =	sdelay $0x3  }
.Ltmp15:
0x3a5: {  	(pc) =	sbr.rel @p0 .LBB2_33-.Ltmp15, $4  }
0x3a6: {  	vm0 =	vge.s32 v5, v4;
	s0 =	spop (v2sf)  }
0x3a7: {  	v6 =	vsel vm0, $0x1, v0;
	s0 =	sadd.s32 s0, s1  }
0x3a8: {  	(xrf0) =	vadd.scan.msk.s32 $0xffff, v6;
	s30 =	sadd.s32 $0x80000000, s0  }
0x3a9: {  	p1 =	slt.s32 s30, $0x110  }
0x3aa: {  	s30 =	simm.s32 @!p1 $0x110  }
0x3ab: {  	v6 =	vmov s30  }
0x3ac: {  	v6 =	vadd.s32 $0xFFFFFFFF, v6  }
0x3ad: {  	v6 =	vbroadcast v6, $0x0  }
0x3ae: {  	v7, _, _ =	vpop (xrf0)  }
0x3af: {  	v6 =	vadd.s32 v7, v6  }
0x3b0: {  	vm1 =	vlt.s32 v6, $0x110  }
0x3b1: {  	v7 =	vxor.u32 $0x80000000, v7;
	vm2 =	vgt.s32 v6, $0x0;
	vm0 =	vmand vm0, vm1  }
0x3b2: {  	(xrf0) =	vmax.scan.msk.u32 $0xffff, v7;
	v6 =	vnsel vm2, $0x0, v6;
	_ =	sdelay $0x4  }
0x3b3: {  	[tilespmem:v6+s19+$0x0] =	vst.idx.msk vm0, v5;
	v5 =	vor.u32 s26, v2  }
0x3b4: {  	v7, _, _ =	vpop (xrf0);
	[tilespmem:v6+s20+$0x0] =	vst.idx.msk vm0, v5  }
0x3b5: {  	(v2sf) =	vpush v7, $0xF;
	v5 =	vld [tilespmem:s28+$0x0];
	_ =	sdelay $0x4  }
0x3b6: {  	vm13 =	vge.s32 v5, v4  }
0x3b7: {  	v4 =	vsel vm13, $0x1, v0  }
0x3b8: {  	(xrf0) =	vadd.scan.msk.s32 $0xffff, v4;
	_ =	sdelay $0x5  }
0x3b9: {  	v4, _, _ =	vpop (xrf0)  }
0x3ba: {  	v61 =	vxor.u32 $0x80000000, v4  }
0x3bb: {  	s0 =	spop (v2sf);
	(xrf0) =	vmax.scan.msk.u32 $0xffff, v61  }
0x3bc: {  	s0 =	sadd.s32 s0, s30  }
0x3bd: {  	s0 =	sadd.s32 $0x80000000, s0  }
0x3be: {  	p0 =	slt.s32 s0, $0x110  }
0x3bf: {  	s0 =	simm.s32 @!p0 $0x110  }
0x3c0: {  	v62 =	vmov s0  }
0x3c1: {  	v6 =	vadd.s32 $0xFFFFFFFF, v62;
	v63, _, _ =	vpop (xrf0)  }
0x3c2: {  	v6 =	vbroadcast v6, $0x0;
	(v2sf) =	vpush v63, $0xF;
	_ =	sdelay $0x1  }
0x3c3: {  	v4 =	vadd.s32 v4, v6  }
0x3c4: {  	vm14 =	vlt.s32 v4, $0x110  }
0x3c5: {  	vm15 =	vgt.s32 v4, $0x0;
	vm0 =	vmand vm13, vm14  }
0x3c6: {  	v4 =	vnsel vm15, $0x0, v4;
	_ =	sdelay $0x3  }
0x3c7: {  	s1 =	smul.u32 $0x22, s25;
	s24 =	sadd.s32 $0x1, s24;
	s28 =	sadd.s32 $0x10, s26  }
0x3c8: {  	p0 =	sne.s32 s24, $0x20;
	[tilespmem:v4+s19+$0x0] =	vst.idx.msk vm0, v5;
	v5 =	vor.u32 s28, v2  }
.Ltmp16:
0x3c9: {  	s29 =	sadd.s32 s4, s1;
	[tilespmem:v4+s20+$0x0] =	vst.idx.msk vm0, v5;
	(pc) =	sbr.rel @p0 .LBB2_2-.Ltmp16, $4  }
0x3ca: {  	[hbm4b:s29+s2] =	stream.linear.scatter [tilespmem:s19], [sflag:$0x4], $0x110, $0x38;
	[tilespmem:$0x4000] =	vst v63  }
0x3cb: {  	s30 =	sadd.s32 s5, s1  }
0x3cc: {  	[hbm4b:s30+s2] =	stream.linear.scatter [tilespmem:s20], [sflag:$0x4], $0x110, $0x38;
	[tilespmem:$0x4000] =	vst v63  }
0x3cd: {  	s31 =	spop (v2sf)  }
0x3ce: {  	s0 =	simm.s32 $0x3  }
0x3cf: {  	_ =	swait.ge [sflag:s0], $0x110  }
0x3d0: {  	[sflag:s0] =	ssyncset.done $0x0  }
0x3d1: {  	[sflag:s0] =	ssyncadd.s32 $0xFFFFFEF0  }
0x3d2: {  	_ =	swait.ge [sflag:s0], $0x110  }
0x3d3: {  	[sflag:s0] =	ssyncset.done $0x0  }
0x3d4: {  	s1 =	simm.s32 $0x4;
	[sflag:s0] =	ssyncadd.s32 $0xFFFFFEF0  }
0x3d5: {  	_ =	swait.ge [sflag:s1], $0x110  }
0x3d6: {  	[sflag:s1] =	ssyncset.done $0x0  }
0x3d7: {  	[sflag:s1] =	ssyncadd.s32 $0xFFFFFEF0  }
0x3d8: {  	_ =	swait.ge [sflag:s1], $0x110  }
0x3d9: {  	s3 =	rddreg [dreg:$0x7]  }
0x3da: {  	s31 =	rddreg [dreg:$0x6];
	s3 =	sadd.s32 $0x1, s3  }
0x3db: {  	p0 =	sne.s32 s3, s31  }
.Ltmp17:
0x3dc: {  	_ = 	snop;
	(pc) =	sbr.rel @p0 .LBB2_1-.Ltmp17, $3  }
0x3dd: {  	_ =	sdelay $0x1  }
0x3de: {  	[sflag:s1] =	ssyncset.done $0x0  }
0x3df: {  	[sflag:s1] =	ssyncadd.s32 $0xFFFFFEF0  }
0x3e0: {  	_ =	sfence.sel $0x180000  }
0x3e1: {  	[bflag:$0x0] =	sbarrier.arrive $0xFFFF  }
0x3e2: {  	_ =	strace $0x90000047  }
0x3e3: {  	s0 =	stileid.u32;
	[bflag:$0x2] =	sbarrier.arrive $0xFFFF  }
0x3e4: {  	p0 =	sne.s32 s0, $0x0;
	s0 =	rddreg [dreg:$0x1]  }
0x3e5: {  	s0 =	sadd.s32 @!p0 $0x100000, s0  }
0x3e6: {  	[sflag:s0] =	ssyncadd.tile.s32 @!p0 $0x1;
	_ =	shalt  }
.Lfunc_end2:
_tile_overlayer_lowered:
.L_overlay_start_2:
0x3e7: {  	(tag) =	ssettag $0x2  }
0x3e8: {  	s0 =	rddreg [dreg:$0x0];
	s2 =	stileid.u32  }
0x3e9: {  	s1 =	rddreg [dreg:$0x1];
	p0 =	sne.s32 s2, $0x0  }
0x3ea: {  	s3 =	rddreg [dreg:$0x2];
	[bflag:$0x3] =	sbarrier.arrive $0xFFFF;
	s2 =	simm.s32 @!p0 $0x1C05  }
0x3eb: {  	[timem:s3], [sflag:s2] =	dma.local @!p0 [hbm:s0], s1  }
0x3ec: {  	s0 =	simm.s32 @!p0 $0x5  }
0x3ed: {  	_ =	swait.ge @!p0 [sflag:s0], s1  }
0x3ee: {  	s1 =	ssub.s32 @!p0 $0x0, s1;
	[sflag:s0] =	ssyncset.done @!p0 $0x0  }
0x3ef: {  	[sflag:s0] =	ssyncadd.s32 @!p0 s1  }
0x3f0: {  	[bflag:$0x3] =	sbarrier.arrive $0xFFFF  }
0x3f1: {  	_ =	shalt  }

</sc_bundles>
